<compile_context>
chip_gen: v7x
topology: tpu7x:2x2x1
jax: 0.10.2.dev20260603
libtpu: 0.0.44.dev20260713+nightly
codegen_flags: <defaults>
</compile_context>

<pallas_src>
import functools

import jax
import jax.numpy as jnp
from jax import lax
from jax.experimental import pallas as pl
from jax.experimental.pallas import tpu as pltpu
from jax.experimental.pallas import tpu_sc as plsc

_B, _S, _D = 4, 8192, 1024
_L = 16


def _sc_kernel(emb_hbm, lm_hbm, out_hbm, mask_v, rows_v, sem):
    cid = lax.axis_index("c")
    sid = lax.axis_index("s")

    @pl.when(jnp.logical_and(cid == 0, sid < _B))
    def _():
        b = sid
        pltpu.sync_copy(lm_hbm.at[b], mask_v)

        acc = mask_v[pl.ds(0, _L)]
        for i in range(1, _S // _L):
            acc = acc + mask_v[pl.ds(i * _L, _L)]
        total = acc[0]
        for i in range(1, _L):
            total = total + acc[i]

        idx_vec = jnp.full((_L,), total - 1, dtype=jnp.int32)
        pltpu.async_copy(emb_hbm.at[b].at[idx_vec], rows_v, sem).wait()
        pltpu.sync_copy(rows_v.at[0], out_hbm.at[b])


def kernel(embeddings, labels, embeddings_mask, labels_mask):
    del labels, embeddings_mask

    mesh = plsc.VectorSubcoreMesh(core_axis_name="c", subcore_axis_name="s", num_cores=1)
    run = functools.partial(
        pl.kernel,
        mesh=mesh,
        out_type=jax.ShapeDtypeStruct((_B, _D), jnp.float32),
        scratch_types=[
            pltpu.VMEM((_S,), jnp.int32),
            pltpu.VMEM((_L, _D), jnp.float32),
            pltpu.SemaphoreType.DMA,
        ],
    )(_sc_kernel)
    return run(embeddings, labels_mask.astype(jnp.int32))

# --- scband reference (transcript-rebuilt; emitter-appended) ---
"""Pipeline reference for scband-extract-embeddings-layer-45732811767920 (READ-ONLY COPY).

The authoritative reference and input builder live on the scoring server;
editing this copy changes nothing except your own understanding.
"""

import jax, jax.numpy as jnp
import numpy as np

B, S, D = 4, 8192, 1024

def setup_inputs(seed: int = 0) -> dict:
    key = jax.random.key(seed)
    k1, k2 = jax.random.split(key)
    embeddings = jax.random.normal(k1, (B, S, D), dtype=jnp.float32)
    labels = jax.random.randint(k2, (B, S), 0, 32000).astype(jnp.int64)
    embeddings_mask = jnp.ones((B, S), dtype=bool)
    labels_mask = jnp.ones((B, S), dtype=bool)
    return {
        "embeddings": embeddings,
        "labels": labels,
        "embeddings_mask": embeddings_mask,
        "labels_mask": labels_mask,
    }

def reference(embeddings, labels, embeddings_mask, labels_mask):
    # lengths = sum(labels_mask) - 1  -> index of last valid position per row
    batch_size = labels_mask.shape[0]
    lengths = jnp.sum(labels_mask.astype(jnp.int32), axis=1) - 1  # [B]
    # tf.gather(embeddings, lengths[:, None], batch_dims=1, axis=1) -> pick one timestep per row
    gathered = jnp.take_along_axis(embeddings, lengths[:, None, None], axis=1)  # [B, 1, D]
    out = gathered.reshape(batch_size, embeddings.shape[-1])  # [B, D]
    return out

if __name__ == "__main__":
    import jax
    _d = setup_inputs()
    print(jax.jit(kernel)(*tuple(_d.values())))

</pallas_src>

<mosaic_0001>
#map = affine_map<(d0, d1) -> (0, 0, 0)>
#map1 = affine_map<(d0, d1) -> (0, 0)>
module attributes {stable_mosaic.version = 14 : i64} {
  func.func @_sc_kernel(%arg0: i32, %arg1: i32, %arg2: memref<4x8192x1024xf32, #tpu.memory_space<hbm>>, %arg3: memref<4x8192xi32, #tpu.memory_space<hbm>>, %arg4: memref<4x1024xf32, #tpu.memory_space<hbm>>, %arg5: memref<8192xi32, #tpu.memory_space<vmem>>, %arg6: memref<16x1024xf32, #tpu.memory_space<vmem>>, %arg7: memref<!tpu.dma_semaphore, #tpu.memory_space<semaphore_mem>>) attributes {dimension_semantics = [#tpu.dimension_semantics<core_parallel>, #tpu.dimension_semantics<subcore_parallel>], iteration_bounds = array<i64: 1, 16>, scalar_prefetch = 0 : i64, scratch_operands = 3 : i64, tpu.core_type = #tpu.core_type<sc_vector_subcore>, window_params = [{transform_indices = #map}, {transform_indices = #map1}, {transform_indices = #map1}]} {
    %eq3A = arith.constant 0 : i32
    %eq3A_0 = arith.cmpi eq, %arg0, %eq3A : i32
    %lt3A = arith.constant 4 : i32
    %lt3A_1 = arith.cmpi slt, %arg1, %lt3A : i32
    %and3A = arith.andi %eq3A_0, %lt3A_1 : i1
    %convert_element_type3A = arith.extui %and3A : i1 to i32
    %cond3A = arith.constant 0 : i32
    %cond3A_2 = arith.cmpi ne, %convert_element_type3A, %cond3A : i32
    scf.if %cond3A_2 {
      "tpu.region"() ({
        %run_scoped3A_2106 = tpu.sem_alloc : memref<!tpu.dma_semaphore, #tpu.memory_space<semaphore_mem>>
        %dma_start3A_2107 = arith.constant 0 : i32
        %dma_start3A_2108 = tpu.memref_slice %arg3[%arg1, %dma_start3A_2107] : memref<4x8192xi32, #tpu.memory_space<hbm>> -> memref<1x8192xi32, #tpu.memory_space<hbm>>
        %dma_start3A_2109 = tpu.memref_squeeze %dma_start3A_2108 : memref<1x8192xi32, #tpu.memory_space<hbm>> -> memref<8192xi32, #tpu.memory_space<hbm>>
        %dma_start3A_2110 = arith.constant 0 : i32
        %dma_start3A_2111 = tpu.memref_slice %arg3[%arg1, %dma_start3A_2110] : memref<4x8192xi32, #tpu.memory_space<hbm>> -> memref<1x8192xi32, #tpu.memory_space<hbm>>
        %dma_start3A_2112 = tpu.memref_squeeze %dma_start3A_2111 : memref<1x8192xi32, #tpu.memory_space<hbm>> -> memref<8192xi32, #tpu.memory_space<hbm>>
        tpu.enqueue_dma source(%dma_start3A_2112 : memref<8192xi32, #tpu.memory_space<hbm>>) target(%arg5 : memref<8192xi32, #tpu.memory_space<vmem>>) target_semaphore(%run_scoped3A_2106 : memref<!tpu.dma_semaphore, #tpu.memory_space<semaphore_mem>>)
        %dma_wait3A_2113 = arith.constant 0 : i32
        %dma_wait3A_2114 = tpu.memref_slice %arg3[%arg1, %dma_wait3A_2113] : memref<4x8192xi32, #tpu.memory_space<hbm>> -> memref<1x8192xi32, #tpu.memory_space<hbm>>
        %dma_wait3A_2115 = tpu.memref_squeeze %dma_wait3A_2114 : memref<1x8192xi32, #tpu.memory_space<hbm>> -> memref<8192xi32, #tpu.memory_space<hbm>>
        %dma_wait3A_2116 = arith.constant 0 : i32
        %dma_wait3A_2117 = tpu.memref_slice %arg3[%arg1, %dma_wait3A_2116] : memref<4x8192xi32, #tpu.memory_space<hbm>> -> memref<1x8192xi32, #tpu.memory_space<hbm>>
        %dma_wait3A_2118 = tpu.memref_squeeze %dma_wait3A_2117 : memref<1x8192xi32, #tpu.memory_space<hbm>> -> memref<8192xi32, #tpu.memory_space<hbm>>
        tpu.wait_dma2 semaphore(%run_scoped3A_2106 : memref<!tpu.dma_semaphore, #tpu.memory_space<semaphore_mem>>) src(%dma_wait3A_2118 : memref<8192xi32, #tpu.memory_space<hbm>>) dst(%arg5 : memref<8192xi32, #tpu.memory_space<vmem>>)
        tpu.yield
      }) : () -> ()
      %get3A = arith.constant 0 : index
      %get3A_3 = tpu.vector_load %arg5[%get3A] {strides = array<i32>} : memref<8192xi32, #tpu.memory_space<vmem>>, vector<16xi32>,
      %get3A_4 = vector.shape_cast %get3A_3 : vector<16xi32> to vector<16xi32>
      %get3A_5 = arith.constant 16 : index
      %get3A_6 = tpu.vector_load %arg5[%get3A_5] {strides = array<i32>} : memref<8192xi32, #tpu.memory_space<vmem>>, vector<16xi32>,
      %get3A_7 = vector.shape_cast %get3A_6 : vector<16xi32> to vector<16xi32>
      %add3A = arith.addi %get3A_4, %get3A_7 : vector<16xi32>
      %get3A_8 = arith.constant 32 : index
      %get3A_9 = tpu.vector_load %arg5[%get3A_8] {strides = array<i32>} : memref<8192xi32, #tpu.memory_space<vmem>>, vector<16xi32>,
      %get3A_10 = vector.shape_cast %get3A_9 : vector<16xi32> to vector<16xi32>
      %add3A_11 = arith.addi %add3A, %get3A_10 : vector<16xi32>
      %get3A_12 = arith.constant 48 : index
      %get3A_13 = tpu.vector_load %arg5[%get3A_12] {strides = array<i32>} : memref<8192xi32, #tpu.memory_space<vmem>>, vector<16xi32>,
      %get3A_14 = vector.shape_cast %get3A_13 : vector<16xi32> to vector<16xi32>
      %add3A_15 = arith.addi %add3A_11, %get3A_14 : vector<16xi32>
      %get3A_16 = arith.constant 64 : index
      %get3A_17 = tpu.vector_load %arg5[%get3A_16] {strides = array<i32>} : memref<8192xi32, #tpu.memory_space<vmem>>, vector<16xi32>,
      %get3A_18 = vector.shape_cast %get3A_17 : vector<16xi32> to vector<16xi32>
      %add3A_19 = arith.addi %add3A_15, %get3A_18 : vector<16xi32>
      %get3A_20 = arith.constant 80 : index
      %get3A_21 = tpu.vector_load %arg5[%get3A_20] {strides = array<i32>} : memref<8192xi32, #tpu.memory_space<vmem>>, vector<16xi32>,
      %get3A_22 = vector.shape_cast %get3A_21 : vector<16xi32> to vector<16xi32>
      %add3A_23 = arith.addi %add3A_19, %get3A_22 : vector<16xi32>
      %get3A_24 = arith.constant 96 : index
      %get3A_25 = tpu.vector_load %arg5[%get3A_24] {strides = array<i32>} : memref<8192xi32, #tpu.memory_space<vmem>>, vector<16xi32>,
      %get3A_26 = vector.shape_cast %get3A_25 : vector<16xi32> to vector<16xi32>
      %add3A_27 = arith.addi %add3A_23, %get3A_26 : vector<16xi32>
      %get3A_28 = arith.constant 112 : index
      %get3A_29 = tpu.vector_load %arg5[%get3A_28] {strides = array<i32>} : memref<8192xi32, #tpu.memory_space<vmem>>, vector<16xi32>,
      %get3A_30 = vector.shape_cast %get3A_29 : vector<16xi32> to vector<16xi32>
      %add3A_31 = arith.addi %add3A_27, %get3A_30 : vector<16xi32>
      %get3A_32 = arith.constant 128 : index
      %get3A_33 = tpu.vector_load %arg5[%get3A_32] {strides = array<i32>} : memref<8192xi32, #tpu.memory_space<vmem>>, vector<16xi32>,
      %get3A_34 = vector.shape_cast %get3A_33 : vector<16xi32> to vector<16xi32>
      %add3A_35 = arith.addi %add3A_31, %get3A_34 : vector<16xi32>
      %get3A_36 = arith.constant 144 : index
      %get3A_37 = tpu.vector_load %arg5[%get3A_36] {strides = array<i32>} : memref<8192xi32, #tpu.memory_space<vmem>>, vector<16xi32>,
      %get3A_38 = vector.shape_cast %get3A_37 : vector<16xi32> to vector<16xi32>
      %add3A_39 = arith.addi %add3A_35, %get3A_38 : vector<16xi32>
      %get3A_40 = arith.constant 160 : index
      %get3A_41 = tpu.vector_load %arg5[%get3A_40] {strides = array<i32>} : memref<8192xi32, #tpu.memory_space<vmem>>, vector<16xi32>,
      %get3A_42 = vector.shape_cast %get3A_41 : vector<16xi32> to vector<16xi32>
      %add3A_43 = arith.addi %add3A_39, %get3A_42 : vector<16xi32>
      %get3A_44 = arith.constant 176 : index
      %get3A_45 = tpu.vector_load %arg5[%get3A_44] {strides = array<i32>} : memref<8192xi32, #tpu.memory_space<vmem>>, vector<16xi32>,
      %get3A_46 = vector.shape_cast %get3A_45 : vector<16xi32> to vector<16xi32>
      %add3A_47 = arith.addi %add3A_43, %get3A_46 : vector<16xi32>
      %get3A_48 = arith.constant 192 : index
      %get3A_49 = tpu.vector_load %arg5[%get3A_48] {strides = array<i32>} : memref<8192xi32, #tpu.memory_space<vmem>>, vector<16xi32>,
      %get3A_50 = vector.shape_cast %get3A_49 : vector<16xi32> to vector<16xi32>
      %add3A_51 = arith.addi %add3A_47, %get3A_50 : vector<16xi32>
      %get3A_52 = arith.constant 208 : index
      %get3A_53 = tpu.vector_load %arg5[%get3A_52] {strides = array<i32>} : memref<8192xi32, #tpu.memory_space<vmem>>, vector<16xi32>,
      %get3A_54 = vector.shape_cast %get3A_53 : vector<16xi32> to vector<16xi32>
      %add3A_55 = arith.addi %add3A_51, %get3A_54 : vector<16xi32>
      %get3A_56 = arith.constant 224 : index
      %get3A_57 = tpu.vector_load %arg5[%get3A_56] {strides = array<i32>} : memref<8192xi32, #tpu.memory_space<vmem>>, vector<16xi32>,
      %get3A_58 = vector.shape_cast %get3A_57 : vector<16xi32> to vector<16xi32>
      %add3A_59 = arith.addi %add3A_55, %get3A_58 : vector<16xi32>
      %get3A_60 = arith.constant 240 : index
      %get3A_61 = tpu.vector_load %arg5[%get3A_60] {strides = array<i32>} : memref<8192xi32, #tpu.memory_space<vmem>>, vector<16xi32>,
      %get3A_62 = vector.shape_cast %get3A_61 : vector<16xi32> to vector<16xi32>
      %add3A_63 = arith.addi %add3A_59, %get3A_62 : vector<16xi32>
      %get3A_64 = arith.constant 256 : index
      %get3A_65 = tpu.vector_load %arg5[%get3A_64] {strides = array<i32>} : memref<8192xi32, #tpu.memory_space<vmem>>, vector<16xi32>,
      %get3A_66 = vector.shape_cast %get3A_65 : vector<16xi32> to vector<16xi32>
      %add3A_67 = arith.addi %add3A_63, %get3A_66 : vector<16xi32>
      %get3A_68 = arith.constant 272 : index
      %get3A_69 = tpu.vector_load %arg5[%get3A_68] {strides = array<i32>} : memref<8192xi32, #tpu.memory_space<vmem>>, vector<16xi32>,
      %get3A_70 = vector.shape_cast %get3A_69 : vector<16xi32> to vector<16xi32>
      %add3A_71 = arith.addi %add3A_67, %get3A_70 : vector<16xi32>
      %get3A_72 = arith.constant 288 : index
      %get3A_73 = tpu.vector_load %arg5[%get3A_72] {strides = array<i32>} : memref<8192xi32, #tpu.memory_space<vmem>>, vector<16xi32>,
      %get3A_74 = vector.shape_cast %get3A_73 : vector<16xi32> to vector<16xi32>
      %add3A_75 = arith.addi %add3A_71, %get3A_74 : vector<16xi32>
      %get3A_76 = arith.constant 304 : index
      %get3A_77 = tpu.vector_load %arg5[%get3A_76] {strides = array<i32>} : memref<8192xi32, #tpu.memory_space<vmem>>, vector<16xi32>,
      %get3A_78 = vector.shape_cast %get3A_77 : vector<16xi32> to vector<16xi32>
      %add3A_79 = arith.addi %add3A_75, %get3A_78 : vector<16xi32>
      %get3A_80 = arith.constant 320 : index
      %get3A_81 = tpu.vector_load %arg5[%get3A_80] {strides = array<i32>} : memref<8192xi32, #tpu.memory_space<vmem>>, vector<16xi32>,
      %get3A_82 = vector.shape_cast %get3A_81 : vector<16xi32> to vector<16xi32>
      %add3A_83 = arith.addi %add3A_79, %get3A_82 : vector<16xi32>
      %get3A_84 = arith.constant 336 : index
      %get3A_85 = tpu.vector_load %arg5[%get3A_84] {strides = array<i32>} : memref<8192xi32, #tpu.memory_space<vmem>>, vector<16xi32>,
      %get3A_86 = vector.shape_cast %get3A_85 : vector<16xi32> to vector<16xi32>
      %add3A_87 = arith.addi %add3A_83, %get3A_86 : vector<16xi32>
      %get3A_88 = arith.constant 352 : index
      %get3A_89 = tpu.vector_load %arg5[%get3A_88] {strides = array<i32>} : memref<8192xi32, #tpu.memory_space<vmem>>, vector<16xi32>,
      %get3A_90 = vector.shape_cast %get3A_89 : vector<16xi32> to vector<16xi32>
      %add3A_91 = arith.addi %add3A_87, %get3A_90 : vector<16xi32>
      %get3A_92 = arith.constant 368 : index
      %get3A_93 = tpu.vector_load %arg5[%get3A_92] {strides = array<i32>} : memref<8192xi32, #tpu.memory_space<vmem>>, vector<16xi32>,
      %get3A_94 = vector.shape_cast %get3A_93 : vector<16xi32> to vector<16xi32>
      %add3A_95 = arith.addi %add3A_91, %get3A_94 : vector<16xi32>
      %get3A_96 = arith.constant 384 : index
      %get3A_97 = tpu.vector_load %arg5[%get3A_96] {strides = array<i32>} : memref<8192xi32, #tpu.memory_space<vmem>>, vector<16xi32>,
      %get3A_98 = vector.shape_cast %get3A_97 : vector<16xi32> to vector<16xi32>
      %add3A_99 = arith.addi %add3A_95, %get3A_98 : vector<16xi32>
      %get3A_100 = arith.constant 400 : index
      %get3A_101 = tpu.vector_load %arg5[%get3A_100] {strides = array<i32>} : memref<8192xi32, #tpu.memory_space<vmem>>, vector<16xi32>,
      %get3A_102 = vector.shape_cast %get3A_101 : vector<16xi32> to vector<16xi32>
      %add3A_103 = arith.addi %add3A_99, %get3A_102 : vector<16xi32>
      %get3A_104 = arith.constant 416 : index
      %get3A_105 = tpu.vector_load %arg5[%get3A_104] {strides = array<i32>} : memref<8192xi32, #tpu.memory_space<vmem>>, vector<16xi32>,
      %get3A_106 = vector.shape_cast %get3A_105 : vector<16xi32> to vector<16xi32>
      %add3A_107 = arith.addi %add3A_103, %get3A_106 : vector<16xi32>
      %get3A_108 = arith.constant 432 : index
      %get3A_109 = tpu.vector_load %arg5[%get3A_108] {strides = array<i32>} : memref<8192xi32, #tpu.memory_space<vmem>>, vector<16xi32>,
      %get3A_110 = vector.shape_cast %get3A_109 : vector<16xi32> to vector<16xi32>
      %add3A_111 = arith.addi %add3A_107, %get3A_110 : vector<16xi32>
      %get3A_112 = arith.constant 448 : index
      %get3A_113 = tpu.vector_load %arg5[%get3A_112] {strides = array<i32>} : memref<8192xi32, #tpu.memory_space<vmem>>, vector<16xi32>,
      %get3A_114 = vector.shape_cast %get3A_113 : vector<16xi32> to vector<16xi32>
      %add3A_115 = arith.addi %add3A_111, %get3A_114 : vector<16xi32>
      %get3A_116 = arith.constant 464 : index
      %get3A_117 = tpu.vector_load %arg5[%get3A_116] {strides = array<i32>} : memref<8192xi32, #tpu.memory_space<vmem>>, vector<16xi32>,
      %get3A_118 = vector.shape_cast %get3A_117 : vector<16xi32> to vector<16xi32>
      %add3A_119 = arith.addi %add3A_115, %get3A_118 : vector<16xi32>
      %get3A_120 = arith.constant 480 : index
      %get3A_121 = tpu.vector_load %arg5[%get3A_120] {strides = array<i32>} : memref<8192xi32, #tpu.memory_space<vmem>>, vector<16xi32>,
      %get3A_122 = vector.shape_cast %get3A_121 : vector<16xi32> to vector<16xi32>
      %add3A_123 = arith.addi %add3A_119, %get3A_122 : vector<16xi32>
      %get3A_124 = arith.constant 496 : index
      %get3A_125 = tpu.vector_load %arg5[%get3A_124] {strides = array<i32>} : memref<8192xi32, #tpu.memory_space<vmem>>, vector<16xi32>,
      %get3A_126 = vector.shape_cast %get3A_125 : vector<16xi32> to vector<16xi32>
      %add3A_127 = arith.addi %add3A_123, %get3A_126 : vector<16xi32>
      %get3A_128 = arith.constant 512 : index
      %get3A_129 = tpu.vector_load %arg5[%get3A_128] {strides = array<i32>} : memref<8192xi32, #tpu.memory_space<vmem>>, vector<16xi32>,
      %get3A_130 = vector.shape_cast %get3A_129 : vector<16xi32> to vector<16xi32>
      %add3A_131 = arith.addi %add3A_127, %get3A_130 : vector<16xi32>
      %get3A_132 = arith.constant 528 : index
      %get3A_133 = tpu.vector_load %arg5[%get3A_132] {strides = array<i32>} : memref<8192xi32, #tpu.memory_space<vmem>>, vector<16xi32>,
      %get3A_134 = vector.shape_cast %get3A_133 : vector<16xi32> to vector<16xi32>
      %add3A_135 = arith.addi %add3A_131, %get3A_134 : vector<16xi32>
      %get3A_136 = arith.constant 544 : index
      %get3A_137 = tpu.vector_load %arg5[%get3A_136] {strides = array<i32>} : memref<8192xi32, #tpu.memory_space<vmem>>, vector<16xi32>,
      %get3A_138 = vector.shape_cast %get3A_137 : vector<16xi32> to vector<16xi32>
      %add3A_139 = arith.addi %add3A_135, %get3A_138 : vector<16xi32>
      %get3A_140 = arith.constant 560 : index
      %get3A_141 = tpu.vector_load %arg5[%get3A_140] {strides = array<i32>} : memref<8192xi32, #tpu.memory_space<vmem>>, vector<16xi32>,
      %get3A_142 = vector.shape_cast %get3A_141 : vector<16xi32> to vector<16xi32>
      %add3A_143 = arith.addi %add3A_139, %get3A_142 : vector<16xi32>
      %get3A_144 = arith.constant 576 : index
      %get3A_145 = tpu.vector_load %arg5[%get3A_144] {strides = array<i32>} : memref<8192xi32, #tpu.memory_space<vmem>>, vector<16xi32>,
      %get3A_146 = vector.shape_cast %get3A_145 : vector<16xi32> to vector<16xi32>
      %add3A_147 = arith.addi %add3A_143, %get3A_146 : vector<16xi32>
      %get3A_148 = arith.constant 592 : index
      %get3A_149 = tpu.vector_load %arg5[%get3A_148] {strides = array<i32>} : memref<8192xi32, #tpu.memory_space<vmem>>, vector<16xi32>,
      %get3A_150 = vector.shape_cast %get3A_149 : vector<16xi32> to vector<16xi32>
      %add3A_151 = arith.addi %add3A_147, %get3A_150 : vector<16xi32>
      %get3A_152 = arith.constant 608 : index
      %get3A_153 = tpu.vector_load %arg5[%get3A_152] {strides = array<i32>} : memref<8192xi32, #tpu.memory_space<vmem>>, vector<16xi32>,
      %get3A_154 = vector.shape_cast %get3A_153 : vector<16xi32> to vector<16xi32>
      %add3A_155 = arith.addi %add3A_151, %get3A_154 : vector<16xi32>
      %get3A_156 = arith.constant 624 : index
      %get3A_157 = tpu.vector_load %arg5[%get3A_156] {strides = array<i32>} : memref<8192xi32, #tpu.memory_space<vmem>>, vector<16xi32>,
      %get3A_158 = vector.shape_cast %get3A_157 : vector<16xi32> to vector<16xi32>
      %add3A_159 = arith.addi %add3A_155, %get3A_158 : vector<16xi32>
      %get3A_160 = arith.constant 640 : index
      %get3A_161 = tpu.vector_load %arg5[%get3A_160] {strides = array<i32>} : memref<8192xi32, #tpu.memory_space<vmem>>, vector<16xi32>,
      %get3A_162 = vector.shape_cast %get3A_161 : vector<16xi32> to vector<16xi32>
      %add3A_163 = arith.addi %add3A_159, %get3A_162 : vector<16xi32>
      %get3A_164 = arith.constant 656 : index
      %get3A_165 = tpu.vector_load %arg5[%get3A_164] {strides = array<i32>} : memref<8192xi32, #tpu.memory_space<vmem>>, vector<16xi32>,
      %get3A_166 = vector.shape_cast %get3A_165 : vector<16xi32> to vector<16xi32>
      %add3A_167 = arith.addi %add3A_163, %get3A_166 : vector<16xi32>
      %get3A_168 = arith.constant 672 : index
      %get3A_169 = tpu.vector_load %arg5[%get3A_168] {strides = array<i32>} : memref<8192xi32, #tpu.memory_space<vmem>>, vector<16xi32>,
      %get3A_170 = vector.shape_cast %get3A_169 : vector<16xi32> to vector<16xi32>
      %add3A_171 = arith.addi %add3A_167, %get3A_170 : vector<16xi32>
      %get3A_172 = arith.constant 688 : index
      %get3A_173 = tpu.vector_load %arg5[%get3A_172] {strides = array<i32>} : memref<8192xi32, #tpu.memory_space<vmem>>, vector<16xi32>,
      %get3A_174 = vector.shape_cast %get3A_173 : vector<16xi32> to vector<16xi32>
      %add3A_175 = arith.addi %add3A_171, %get3A_174 : vector<16xi32>
      %get3A_176 = arith.constant 704 : index
      %get3A_177 = tpu.vector_load %arg5[%get3A_176] {strides = array<i32>} : memref<8192xi32, #tpu.memory_space<vmem>>, vector<16xi32>,
      %get3A_178 = vector.shape_cast %get3A_177 : vector<16xi32> to vector<16xi32>
      %add3A_179 = arith.addi %add3A_175, %get3A_178 : vector<16xi32>
      %get3A_180 = arith.constant 720 : index
      %get3A_181 = tpu.vector_load %arg5[%get3A_180] {strides = array<i32>} : memref<8192xi32, #tpu.memory_space<vmem>>, vector<16xi32>,
      %get3A_182 = vector.shape_cast %get3A_181 : vector<16xi32> to vector<16xi32>
      %add3A_183 = arith.addi %add3A_179, %get3A_182 : vector<16xi32>
      %get3A_184 = arith.constant 736 : index
      %get3A_185 = tpu.vector_load %arg5[%get3A_184] {strides = array<i32>} : memref<8192xi32, #tpu.memory_space<vmem>>, vector<16xi32>,
      %get3A_186 = vector.shape_cast %get3A_185 : vector<16xi32> to vector<16xi32>
      %add3A_187 = arith.addi %add3A_183, %get3A_186 : vector<16xi32>
      %get3A_188 = arith.constant 752 : index
      %get3A_189 = tpu.vector_load %arg5[%get3A_188] {strides = array<i32>} : memref<8192xi32, #tpu.memory_space<vmem>>, vector<16xi32>,
      %get3A_190 = vector.shape_cast %get3A_189 : vector<16xi32> to vector<16xi32>
      %add3A_191 = arith.addi %add3A_187, %get3A_190 : vector<16xi32>
      %get3A_192 = arith.constant 768 : index
      %get3A_193 = tpu.vector_load %arg5[%get3A_192] {strides = array<i32>} : memref<8192xi32, #tpu.memory_space<vmem>>, vector<16xi32>,
      %get3A_194 = vector.shape_cast %get3A_193 : vector<16xi32> to vector<16xi32>
      %add3A_195 = arith.addi %add3A_191, %get3A_194 : vector<16xi32>
      %get3A_196 = arith.constant 784 : index
      %get3A_197 = tpu.vector_load %arg5[%get3A_196] {strides = array<i32>} : memref<8192xi32, #tpu.memory_space<vmem>>, vector<16xi32>,
      %get3A_198 = vector.shape_cast %get3A_197 : vector<16xi32> to vector<16xi32>
      %add3A_199 = arith.addi %add3A_195, %get3A_198 : vector<16xi32>
      %get3A_200 = arith.constant 800 : index
      %get3A_201 = tpu.vector_load %arg5[%get3A_200] {strides = array<i32>} : memref<8192xi32, #tpu.memory_space<vmem>>, vector<16xi32>,
      %get3A_202 = vector.shape_cast %get3A_201 : vector<16xi32> to vector<16xi32>
      %add3A_203 = arith.addi %add3A_199, %get3A_202 : vector<16xi32>
      %get3A_204 = arith.constant 816 : index
      %get3A_205 = tpu.vector_load %arg5[%get3A_204] {strides = array<i32>} : memref<8192xi32, #tpu.memory_space<vmem>>, vector<16xi32>,
      %get3A_206 = vector.shape_cast %get3A_205 : vector<16xi32> to vector<16xi32>
      %add3A_207 = arith.addi %add3A_203, %get3A_206 : vector<16xi32>
      %get3A_208 = arith.constant 832 : index
      %get3A_209 = tpu.vector_load %arg5[%get3A_208] {strides = array<i32>} : memref<8192xi32, #tpu.memory_space<vmem>>, vector<16xi32>,
      %get3A_210 = vector.shape_cast %get3A_209 : vector<16xi32> to vector<16xi32>
      %add3A_211 = arith.addi %add3A_207, %get3A_210 : vector<16xi32>
      %get3A_212 = arith.constant 848 : index
      %get3A_213 = tpu.vector_load %arg5[%get3A_212] {strides = array<i32>} : memref<8192xi32, #tpu.memory_space<vmem>>, vector<16xi32>,
      %get3A_214 = vector.shape_cast %get3A_213 : vector<16xi32> to vector<16xi32>
      %add3A_215 = arith.addi %add3A_211, %get3A_214 : vector<16xi32>
      %get3A_216 = arith.constant 864 : index
      %get3A_217 = tpu.vector_load %arg5[%get3A_216] {strides = array<i32>} : memref<8192xi32, #tpu.memory_space<vmem>>, vector<16xi32>,
      %get3A_218 = vector.shape_cast %get3A_217 : vector<16xi32> to vector<16xi32>
      %add3A_219 = arith.addi %add3A_215, %get3A_218 : vector<16xi32>
      %get3A_220 = arith.constant 880 : index
      %get3A_221 = tpu.vector_load %arg5[%get3A_220] {strides = array<i32>} : memref<8192xi32, #tpu.memory_space<vmem>>, vector<16xi32>,
      %get3A_222 = vector.shape_cast %get3A_221 : vector<16xi32> to vector<16xi32>
      %add3A_223 = arith.addi %add3A_219, %get3A_222 : vector<16xi32>
      %get3A_224 = arith.constant 896 : index
      %get3A_225 = tpu.vector_load %arg5[%get3A_224] {strides = array<i32>} : memref<8192xi32, #tpu.memory_space<vmem>>, vector<16xi32>,
      %get3A_226 = vector.shape_cast %get3A_225 : vector<16xi32> to vector<16xi32>
      %add3A_227 = arith.addi %add3A_223, %get3A_226 : vector<16xi32>
      %get3A_228 = arith.constant 912 : index
      %get3A_229 = tpu.vector_load %arg5[%get3A_228] {strides = array<i32>} : memref<8192xi32, #tpu.memory_space<vmem>>, vector<16xi32>,
      %get3A_230 = vector.shape_cast %get3A_229 : vector<16xi32> to vector<16xi32>
      %add3A_231 = arith.addi %add3A_227, %get3A_230 : vector<16xi32>
      %get3A_232 = arith.constant 928 : index
      %get3A_233 = tpu.vector_load %arg5[%get3A_232] {strides = array<i32>} : memref<8192xi32, #tpu.memory_space<vmem>>, vector<16xi32>,
      %get3A_234 = vector.shape_cast %get3A_233 : vector<16xi32> to vector<16xi32>
      %add3A_235 = arith.addi %add3A_231, %get3A_234 : vector<16xi32>
      %get3A_236 = arith.constant 944 : index
      %get3A_237 = tpu.vector_load %arg5[%get3A_236] {strides = array<i32>} : memref<8192xi32, #tpu.memory_space<vmem>>, vector<16xi32>,
      %get3A_238 = vector.shape_cast %get3A_237 : vector<16xi32> to vector<16xi32>
      %add3A_239 = arith.addi %add3A_235, %get3A_238 : vector<16xi32>
      %get3A_240 = arith.constant 960 : index
      %get3A_241 = tpu.vector_load %arg5[%get3A_240] {strides = array<i32>} : memref<8192xi32, #tpu.memory_space<vmem>>, vector<16xi32>,
      %get3A_242 = vector.shape_cast %get3A_241 : vector<16xi32> to vector<16xi32>
      %add3A_243 = arith.addi %add3A_239, %get3A_242 : vector<16xi32>
      %get3A_244 = arith.constant 976 : index
      %get3A_245 = tpu.vector_load %arg5[%get3A_244] {strides = array<i32>} : memref<8192xi32, #tpu.memory_space<vmem>>, vector<16xi32>,
      %get3A_246 = vector.shape_cast %get3A_245 : vector<16xi32> to vector<16xi32>
      %add3A_247 = arith.addi %add3A_243, %get3A_246 : vector<16xi32>
      %get3A_248 = arith.constant 992 : index
      %get3A_249 = tpu.vector_load %arg5[%get3A_248] {strides = array<i32>} : memref<8192xi32, #tpu.memory_space<vmem>>, vector<16xi32>,
      %get3A_250 = vector.shape_cast %get3A_249 : vector<16xi32> to vector<16xi32>
      %add3A_251 = arith.addi %add3A_247, %get3A_250 : vector<16xi32>
      %get3A_252 = arith.constant 1008 : index
      %get3A_253 = tpu.vector_load %arg5[%get3A_252] {strides = array<i32>} : memref<8192xi32, #tpu.memory_space<vmem>>, vector<16xi32>,
      %get3A_254 = vector.shape_cast %get3A_253 : vector<16xi32> to vector<16xi32>
      %add3A_255 = arith.addi %add3A_251, %get3A_254 : vector<16xi32>
      %get3A_256 = arith.constant 1024 : index
      %get3A_257 = tpu.vector_load %arg5[%get3A_256] {strides = array<i32>} : memref<8192xi32, #tpu.memory_space<vmem>>, vector<16xi32>,
      %get3A_258 = vector.shape_cast %get3A_257 : vector<16xi32> to vector<16xi32>
      %add3A_259 = arith.addi %add3A_255, %get3A_258 : vector<16xi32>
      %get3A_260 = arith.constant 1040 : index
      %get3A_261 = tpu.vector_load %arg5[%get3A_260] {strides = array<i32>} : memref<8192xi32, #tpu.memory_space<vmem>>, vector<16xi32>,
      %get3A_262 = vector.shape_cast %get3A_261 : vector<16xi32> to vector<16xi32>
      %add3A_263 = arith.addi %add3A_259, %get3A_262 : vector<16xi32>
      %get3A_264 = arith.constant 1056 : index
      %get3A_265 = tpu.vector_load %arg5[%get3A_264] {strides = array<i32>} : memref<8192xi32, #tpu.memory_space<vmem>>, vector<16xi32>,
      %get3A_266 = vector.shape_cast %get3A_265 : vector<16xi32> to vector<16xi32>
      %add3A_267 = arith.addi %add3A_263, %get3A_266 : vector<16xi32>
      %get3A_268 = arith.constant 1072 : index
      %get3A_269 = tpu.vector_load %arg5[%get3A_268] {strides = array<i32>} : memref<8192xi32, #tpu.memory_space<vmem>>, vector<16xi32>,
      %get3A_270 = vector.shape_cast %get3A_269 : vector<16xi32> to vector<16xi32>
      %add3A_271 = arith.addi %add3A_267, %get3A_270 : vector<16xi32>
      %get3A_272 = arith.constant 1088 : index
      %get3A_273 = tpu.vector_load %arg5[%get3A_272] {strides = array<i32>} : memref<8192xi32, #tpu.memory_space<vmem>>, vector<16xi32>,
      %get3A_274 = vector.shape_cast %get3A_273 : vector<16xi32> to vector<16xi32>
      %add3A_275 = arith.addi %add3A_271, %get3A_274 : vector<16xi32>
      %get3A_276 = arith.constant 1104 : index
      %get3A_277 = tpu.vector_load %arg5[%get3A_276] {strides = array<i32>} : memref<8192xi32, #tpu.memory_space<vmem>>, vector<16xi32>,
      %get3A_278 = vector.shape_cast %get3A_277 : vector<16xi32> to vector<16xi32>
      %add3A_279 = arith.addi %add3A_275, %get3A_278 : vector<16xi32>
      %get3A_280 = arith.constant 1120 : index
      %get3A_281 = tpu.vector_load %arg5[%get3A_280] {strides = array<i32>} : memref<8192xi32, #tpu.memory_space<vmem>>, vector<16xi32>,
      %get3A_282 = vector.shape_cast %get3A_281 : vector<16xi32> to vector<16xi32>
      %add3A_283 = arith.addi %add3A_279, %get3A_282 : vector<16xi32>
      %get3A_284 = arith.constant 1136 : index
      %get3A_285 = tpu.vector_load %arg5[%get3A_284] {strides = array<i32>} : memref<8192xi32, #tpu.memory_space<vmem>>, vector<16xi32>,
      %get3A_286 = vector.shape_cast %get3A_285 : vector<16xi32> to vector<16xi32>
      %add3A_287 = arith.addi %add3A_283, %get3A_286 : vector<16xi32>
      %get3A_288 = arith.constant 1152 : index
      %get3A_289 = tpu.vector_load %arg5[%get3A_288] {strides = array<i32>} : memref<8192xi32, #tpu.memory_space<vmem>>, vector<16xi32>,
      %get3A_290 = vector.shape_cast %get3A_289 : vector<16xi32> to vector<16xi32>
      %add3A_291 = arith.addi %add3A_287, %get3A_290 : vector<16xi32>
      %get3A_292 = arith.constant 1168 : index
      %get3A_293 = tpu.vector_load %arg5[%get3A_292] {strides = array<i32>} : memref<8192xi32, #tpu.memory_space<vmem>>, vector<16xi32>,
      %get3A_294 = vector.shape_cast %get3A_293 : vector<16xi32> to vector<16xi32>
      %add3A_295 = arith.addi %add3A_291, %get3A_294 : vector<16xi32>
      %get3A_296 = arith.constant 1184 : index
      %get3A_297 = tpu.vector_load %arg5[%get3A_296] {strides = array<i32>} : memref<8192xi32, #tpu.memory_space<vmem>>, vector<16xi32>,
      %get3A_298 = vector.shape_cast %get3A_297 : vector<16xi32> to vector<16xi32>
      %add3A_299 = arith.addi %add3A_295, %get3A_298 : vector<16xi32>
      %get3A_300 = arith.constant 1200 : index
      %get3A_301 = tpu.vector_load %arg5[%get3A_300] {strides = array<i32>} : memref<8192xi32, #tpu.memory_space<vmem>>, vector<16xi32>,
      %get3A_302 = vector.shape_cast %get3A_301 : vector<16xi32> to vector<16xi32>
      %add3A_303 = arith.addi %add3A_299, %get3A_302 : vector<16xi32>
      %get3A_304 = arith.constant 1216 : index
      %get3A_305 = tpu.vector_load %arg5[%get3A_304] {strides = array<i32>} : memref<8192xi32, #tpu.memory_space<vmem>>, vector<16xi32>,
      %get3A_306 = vector.shape_cast %get3A_305 : vector<16xi32> to vector<16xi32>
      %add3A_307 = arith.addi %add3A_303, %get3A_306 : vector<16xi32>
      %get3A_308 = arith.constant 1232 : index
      %get3A_309 = tpu.vector_load %arg5[%get3A_308] {strides = array<i32>} : memref<8192xi32, #tpu.memory_space<vmem>>, vector<16xi32>,
      %get3A_310 = vector.shape_cast %get3A_309 : vector<16xi32> to vector<16xi32>
      %add3A_311 = arith.addi %add3A_307, %get3A_310 : vector<16xi32>
      %get3A_312 = arith.constant 1248 : index
      %get3A_313 = tpu.vector_load %arg5[%get3A_312] {strides = array<i32>} : memref<8192xi32, #tpu.memory_space<vmem>>, vector<16xi32>,
      %get3A_314 = vector.shape_cast %get3A_313 : vector<16xi32> to vector<16xi32>
      %add3A_315 = arith.addi %add3A_311, %get3A_314 : vector<16xi32>
      %get3A_316 = arith.constant 1264 : index
      %get3A_317 = tpu.vector_load %arg5[%get3A_316] {strides = array<i32>} : memref<8192xi32, #tpu.memory_space<vmem>>, vector<16xi32>,
      %get3A_318 = vector.shape_cast %get3A_317 : vector<16xi32> to vector<16xi32>
      %add3A_319 = arith.addi %add3A_315, %get3A_318 : vector<16xi32>
      %get3A_320 = arith.constant 1280 : index
      %get3A_321 = tpu.vector_load %arg5[%get3A_320] {strides = array<i32>} : memref<8192xi32, #tpu.memory_space<vmem>>, vector<16xi32>,
      %get3A_322 = vector.shape_cast %get3A_321 : vector<16xi32> to vector<16xi32>
      %add3A_323 = arith.addi %add3A_319, %get3A_322 : vector<16xi32>
      %get3A_324 = arith.constant 1296 : index
      %get3A_325 = tpu.vector_load %arg5[%get3A_324] {strides = array<i32>} : memref<8192xi32, #tpu.memory_space<vmem>>, vector<16xi32>,
      %get3A_326 = vector.shape_cast %get3A_325 : vector<16xi32> to vector<16xi32>
      %add3A_327 = arith.addi %add3A_323, %get3A_326 : vector<16xi32>
      %get3A_328 = arith.constant 1312 : index
      %get3A_329 = tpu.vector_load %arg5[%get3A_328] {strides = array<i32>} : memref<8192xi32, #tpu.memory_space<vmem>>, vector<16xi32>,
      %get3A_330 = vector.shape_cast %get3A_329 : vector<16xi32> to vector<16xi32>
      %add3A_331 = arith.addi %add3A_327, %get3A_330 : vector<16xi32>
      %get3A_332 = arith.constant 1328 : index
      %get3A_333 = tpu.vector_load %arg5[%get3A_332] {strides = array<i32>} : memref<8192xi32, #tpu.memory_space<vmem>>, vector<16xi32>,
      %get3A_334 = vector.shape_cast %get3A_333 : vector<16xi32> to vector<16xi32>
      %add3A_335 = arith.addi %add3A_331, %get3A_334 : vector<16xi32>
      %get3A_336 = arith.constant 1344 : index
      %get3A_337 = tpu.vector_load %arg5[%get3A_336] {strides = array<i32>} : memref<8192xi32, #tpu.memory_space<vmem>>, vector<16xi32>,
      %get3A_338 = vector.shape_cast %get3A_337 : vector<16xi32> to vector<16xi32>
      %add3A_339 = arith.addi %add3A_335, %get3A_338 : vector<16xi32>
      %get3A_340 = arith.constant 1360 : index
      %get3A_341 = tpu.vector_load %arg5[%get3A_340] {strides = array<i32>} : memref<8192xi32, #tpu.memory_space<vmem>>, vector<16xi32>,
      %get3A_342 = vector.shape_cast %get3A_341 : vector<16xi32> to vector<16xi32>
      %add3A_343 = arith.addi %add3A_339, %get3A_342 : vector<16xi32>
      %get3A_344 = arith.constant 1376 : index
      %get3A_345 = tpu.vector_load %arg5[%get3A_344] {strides = array<i32>} : memref<8192xi32, #tpu.memory_space<vmem>>, vector<16xi32>,
      %get3A_346 = vector.shape_cast %get3A_345 : vector<16xi32> to vector<16xi32>
      %add3A_347 = arith.addi %add3A_343, %get3A_346 : vector<16xi32>
      %get3A_348 = arith.constant 1392 : index
      %get3A_349 = tpu.vector_load %arg5[%get3A_348] {strides = array<i32>} : memref<8192xi32, #tpu.memory_space<vmem>>, vector<16xi32>,
      %get3A_350 = vector.shape_cast %get3A_349 : vector<16xi32> to vector<16xi32>
      %add3A_351 = arith.addi %add3A_347, %get3A_350 : vector<16xi32>
      %get3A_352 = arith.constant 1408 : index
      %get3A_353 = tpu.vector_load %arg5[%get3A_352] {strides = array<i32>} : memref<8192xi32, #tpu.memory_space<vmem>>, vector<16xi32>,
      %get3A_354 = vector.shape_cast %get3A_353 : vector<16xi32> to vector<16xi32>
      %add3A_355 = arith.addi %add3A_351, %get3A_354 : vector<16xi32>
      %get3A_356 = arith.constant 1424 : index
      %get3A_357 = tpu.vector_load %arg5[%get3A_356] {strides = array<i32>} : memref<8192xi32, #tpu.memory_space<vmem>>, vector<16xi32>,
      %get3A_358 = vector.shape_cast %get3A_357 : vector<16xi32> to vector<16xi32>
      %add3A_359 = arith.addi %add3A_355, %get3A_358 : vector<16xi32>
      %get3A_360 = arith.constant 1440 : index
      %get3A_361 = tpu.vector_load %arg5[%get3A_360] {strides = array<i32>} : memref<8192xi32, #tpu.memory_space<vmem>>, vector<16xi32>,
      %get3A_362 = vector.shape_cast %get3A_361 : vector<16xi32> to vector<16xi32>
      %add3A_363 = arith.addi %add3A_359, %get3A_362 : vector<16xi32>
      %get3A_364 = arith.constant 1456 : index
      %get3A_365 = tpu.vector_load %arg5[%get3A_364] {strides = array<i32>} : memref<8192xi32, #tpu.memory_space<vmem>>, vector<16xi32>,
      %get3A_366 = vector.shape_cast %get3A_365 : vector<16xi32> to vector<16xi32>
      %add3A_367 = arith.addi %add3A_363, %get3A_366 : vector<16xi32>
      %get3A_368 = arith.constant 1472 : index
      %get3A_369 = tpu.vector_load %arg5[%get3A_368] {strides = array<i32>} : memref<8192xi32, #tpu.memory_space<vmem>>, vector<16xi32>,
      %get3A_370 = vector.shape_cast %get3A_369 : vector<16xi32> to vector<16xi32>
      %add3A_371 = arith.addi %add3A_367, %get3A_370 : vector<16xi32>
      %get3A_372 = arith.constant 1488 : index
      %get3A_373 = tpu.vector_load %arg5[%get3A_372] {strides = array<i32>} : memref<8192xi32, #tpu.memory_space<vmem>>, vector<16xi32>,
      %get3A_374 = vector.shape_cast %get3A_373 : vector<16xi32> to vector<16xi32>
      %add3A_375 = arith.addi %add3A_371, %get3A_374 : vector<16xi32>
      %get3A_376 = arith.constant 1504 : index
      %get3A_377 = tpu.vector_load %arg5[%get3A_376] {strides = array<i32>} : memref<8192xi32, #tpu.memory_space<vmem>>, vector<16xi32>,
      %get3A_378 = vector.shape_cast %get3A_377 : vector<16xi32> to vector<16xi32>
      %add3A_379 = arith.addi %add3A_375, %get3A_378 : vector<16xi32>
      %get3A_380 = arith.constant 1520 : index
      %get3A_381 = tpu.vector_load %arg5[%get3A_380] {strides = array<i32>} : memref<8192xi32, #tpu.memory_space<vmem>>, vector<16xi32>,
      %get3A_382 = vector.shape_cast %get3A_381 : vector<16xi32> to vector<16xi32>
      %add3A_383 = arith.addi %add3A_379, %get3A_382 : vector<16xi32>
      %get3A_384 = arith.constant 1536 : index
      %get3A_385 = tpu.vector_load %arg5[%get3A_384] {strides = array<i32>} : memref<8192xi32, #tpu.memory_space<vmem>>, vector<16xi32>,
      %get3A_386 = vector.shape_cast %get3A_385 : vector<16xi32> to vector<16xi32>
      %add3A_387 = arith.addi %add3A_383, %get3A_386 : vector<16xi32>
      %get3A_388 = arith.constant 1552 : index
      %get3A_389 = tpu.vector_load %arg5[%get3A_388] {strides = array<i32>} : memref<8192xi32, #tpu.memory_space<vmem>>, vector<16xi32>,
      %get3A_390 = vector.shape_cast %get3A_389 : vector<16xi32> to vector<16xi32>
      %add3A_391 = arith.addi %add3A_387, %get3A_390 : vector<16xi32>
      %get3A_392 = arith.constant 1568 : index
      %get3A_393 = tpu.vector_load %arg5[%get3A_392] {strides = array<i32>} : memref<8192xi32, #tpu.memory_space<vmem>>, vector<16xi32>,
      %get3A_394 = vector.shape_cast %get3A_393 : vector<16xi32> to vector<16xi32>
      %add3A_395 = arith.addi %add3A_391, %get3A_394 : vector<16xi32>
      %get3A_396 = arith.constant 1584 : index
      %get3A_397 = tpu.vector_load %arg5[%get3A_396] {strides = array<i32>} : memref<8192xi32, #tpu.memory_space<vmem>>, vector<16xi32>,
      %get3A_398 = vector.shape_cast %get3A_397 : vector<16xi32> to vector<16xi32>
      %add3A_399 = arith.addi %add3A_395, %get3A_398 : vector<16xi32>
      %get3A_400 = arith.constant 1600 : index
      %get3A_401 = tpu.vector_load %arg5[%get3A_400] {strides = array<i32>} : memref<8192xi32, #tpu.memory_space<vmem>>, vector<16xi32>,
      %get3A_402 = vector.shape_cast %get3A_401 : vector<16xi32> to vector<16xi32>
      %add3A_403 = arith.addi %add3A_399, %get3A_402 : vector<16xi32>
      %get3A_404 = arith.constant 1616 : index
      %get3A_405 = tpu.vector_load %arg5[%get3A_404] {strides = array<i32>} : memref<8192xi32, #tpu.memory_space<vmem>>, vector<16xi32>,
      %get3A_406 = vector.shape_cast %get3A_405 : vector<16xi32> to vector<16xi32>
      %add3A_407 = arith.addi %add3A_403, %get3A_406 : vector<16xi32>
      %get3A_408 = arith.constant 1632 : index
      %get3A_409 = tpu.vector_load %arg5[%get3A_408] {strides = array<i32>} : memref<8192xi32, #tpu.memory_space<vmem>>, vector<16xi32>,
      %get3A_410 = vector.shape_cast %get3A_409 : vector<16xi32> to vector<16xi32>
      %add3A_411 = arith.addi %add3A_407, %get3A_410 : vector<16xi32>
      %get3A_412 = arith.constant 1648 : index
      %get3A_413 = tpu.vector_load %arg5[%get3A_412] {strides = array<i32>} : memref<8192xi32, #tpu.memory_space<vmem>>, vector<16xi32>,
      %get3A_414 = vector.shape_cast %get3A_413 : vector<16xi32> to vector<16xi32>
      %add3A_415 = arith.addi %add3A_411, %get3A_414 : vector<16xi32>
      %get3A_416 = arith.constant 1664 : index
      %get3A_417 = tpu.vector_load %arg5[%get3A_416] {strides = array<i32>} : memref<8192xi32, #tpu.memory_space<vmem>>, vector<16xi32>,
      %get3A_418 = vector.shape_cast %get3A_417 : vector<16xi32> to vector<16xi32>
      %add3A_419 = arith.addi %add3A_415, %get3A_418 : vector<16xi32>
      %get3A_420 = arith.constant 1680 : index
      %get3A_421 = tpu.vector_load %arg5[%get3A_420] {strides = array<i32>} : memref<8192xi32, #tpu.memory_space<vmem>>, vector<16xi32>,
      %get3A_422 = vector.shape_cast %get3A_421 : vector<16xi32> to vector<16xi32>
      %add3A_423 = arith.addi %add3A_419, %get3A_422 : vector<16xi32>
      %get3A_424 = arith.constant 1696 : index
      %get3A_425 = tpu.vector_load %arg5[%get3A_424] {strides = array<i32>} : memref<8192xi32, #tpu.memory_space<vmem>>, vector<16xi32>,
      %get3A_426 = vector.shape_cast %get3A_425 : vector<16xi32> to vector<16xi32>
      %add3A_427 = arith.addi %add3A_423, %get3A_426 : vector<16xi32>
      %get3A_428 = arith.constant 1712 : index
      %get3A_429 = tpu.vector_load %arg5[%get3A_428] {strides = array<i32>} : memref<8192xi32, #tpu.memory_space<vmem>>, vector<16xi32>,
      %get3A_430 = vector.shape_cast %get3A_429 : vector<16xi32> to vector<16xi32>
      %add3A_431 = arith.addi %add3A_427, %get3A_430 : vector<16xi32>
      %get3A_432 = arith.constant 1728 : index
      %get3A_433 = tpu.vector_load %arg5[%get3A_432] {strides = array<i32>} : memref<8192xi32, #tpu.memory_space<vmem>>, vector<16xi32>,
      %get3A_434 = vector.shape_cast %get3A_433 : vector<16xi32> to vector<16xi32>
      %add3A_435 = arith.addi %add3A_431, %get3A_434 : vector<16xi32>
      %get3A_436 = arith.constant 1744 : index
      %get3A_437 = tpu.vector_load %arg5[%get3A_436] {strides = array<i32>} : memref<8192xi32, #tpu.memory_space<vmem>>, vector<16xi32>,
      %get3A_438 = vector.shape_cast %get3A_437 : vector<16xi32> to vector<16xi32>
      %add3A_439 = arith.addi %add3A_435, %get3A_438 : vector<16xi32>
      %get3A_440 = arith.constant 1760 : index
      %get3A_441 = tpu.vector_load %arg5[%get3A_440] {strides = array<i32>} : memref<8192xi32, #tpu.memory_space<vmem>>, vector<16xi32>,
      %get3A_442 = vector.shape_cast %get3A_441 : vector<16xi32> to vector<16xi32>
      %add3A_443 = arith.addi %add3A_439, %get3A_442 : vector<16xi32>
      %get3A_444 = arith.constant 1776 : index
      %get3A_445 = tpu.vector_load %arg5[%get3A_444] {strides = array<i32>} : memref<8192xi32, #tpu.memory_space<vmem>>, vector<16xi32>,
      %get3A_446 = vector.shape_cast %get3A_445 : vector<16xi32> to vector<16xi32>
      %add3A_447 = arith.addi %add3A_443, %get3A_446 : vector<16xi32>
      %get3A_448 = arith.constant 1792 : index
      %get3A_449 = tpu.vector_load %arg5[%get3A_448] {strides = array<i32>} : memref<8192xi32, #tpu.memory_space<vmem>>, vector<16xi32>,
      %get3A_450 = vector.shape_cast %get3A_449 : vector<16xi32> to vector<16xi32>
      %add3A_451 = arith.addi %add3A_447, %get3A_450 : vector<16xi32>
      %get3A_452 = arith.constant 1808 : index
      %get3A_453 = tpu.vector_load %arg5[%get3A_452] {strides = array<i32>} : memref<8192xi32, #tpu.memory_space<vmem>>, vector<16xi32>,
      %get3A_454 = vector.shape_cast %get3A_453 : vector<16xi32> to vector<16xi32>
      %add3A_455 = arith.addi %add3A_451, %get3A_454 : vector<16xi32>
      %get3A_456 = arith.constant 1824 : index
      %get3A_457 = tpu.vector_load %arg5[%get3A_456] {strides = array<i32>} : memref<8192xi32, #tpu.memory_space<vmem>>, vector<16xi32>,
      %get3A_458 = vector.shape_cast %get3A_457 : vector<16xi32> to vector<16xi32>
      %add3A_459 = arith.addi %add3A_455, %get3A_458 : vector<16xi32>
      %get3A_460 = arith.constant 1840 : index
      %get3A_461 = tpu.vector_load %arg5[%get3A_460] {strides = array<i32>} : memref<8192xi32, #tpu.memory_space<vmem>>, vector<16xi32>,
      %get3A_462 = vector.shape_cast %get3A_461 : vector<16xi32> to vector<16xi32>
      %add3A_463 = arith.addi %add3A_459, %get3A_462 : vector<16xi32>
      %get3A_464 = arith.constant 1856 : index
      %get3A_465 = tpu.vector_load %arg5[%get3A_464] {strides = array<i32>} : memref<8192xi32, #tpu.memory_space<vmem>>, vector<16xi32>,
      %get3A_466 = vector.shape_cast %get3A_465 : vector<16xi32> to vector<16xi32>
      %add3A_467 = arith.addi %add3A_463, %get3A_466 : vector<16xi32>
      %get3A_468 = arith.constant 1872 : index
      %get3A_469 = tpu.vector_load %arg5[%get3A_468] {strides = array<i32>} : memref<8192xi32, #tpu.memory_space<vmem>>, vector<16xi32>,
      %get3A_470 = vector.shape_cast %get3A_469 : vector<16xi32> to vector<16xi32>
      %add3A_471 = arith.addi %add3A_467, %get3A_470 : vector<16xi32>
      %get3A_472 = arith.constant 1888 : index
      %get3A_473 = tpu.vector_load %arg5[%get3A_472] {strides = array<i32>} : memref<8192xi32, #tpu.memory_space<vmem>>, vector<16xi32>,
      %get3A_474 = vector.shape_cast %get3A_473 : vector<16xi32> to vector<16xi32>
      %add3A_475 = arith.addi %add3A_471, %get3A_474 : vector<16xi32>
      %get3A_476 = arith.constant 1904 : index
      %get3A_477 = tpu.vector_load %arg5[%get3A_476] {strides = array<i32>} : memref<8192xi32, #tpu.memory_space<vmem>>, vector<16xi32>,
      %get3A_478 = vector.shape_cast %get3A_477 : vector<16xi32> to vector<16xi32>
      %add3A_479 = arith.addi %add3A_475, %get3A_478 : vector<16xi32>
      %get3A_480 = arith.constant 1920 : index
      %get3A_481 = tpu.vector_load %arg5[%get3A_480] {strides = array<i32>} : memref<8192xi32, #tpu.memory_space<vmem>>, vector<16xi32>,
      %get3A_482 = vector.shape_cast %get3A_481 : vector<16xi32> to vector<16xi32>
      %add3A_483 = arith.addi %add3A_479, %get3A_482 : vector<16xi32>
      %get3A_484 = arith.constant 1936 : index
      %get3A_485 = tpu.vector_load %arg5[%get3A_484] {strides = array<i32>} : memref<8192xi32, #tpu.memory_space<vmem>>, vector<16xi32>,
      %get3A_486 = vector.shape_cast %get3A_485 : vector<16xi32> to vector<16xi32>
      %add3A_487 = arith.addi %add3A_483, %get3A_486 : vector<16xi32>
      %get3A_488 = arith.constant 1952 : index
      %get3A_489 = tpu.vector_load %arg5[%get3A_488] {strides = array<i32>} : memref<8192xi32, #tpu.memory_space<vmem>>, vector<16xi32>,
      %get3A_490 = vector.shape_cast %get3A_489 : vector<16xi32> to vector<16xi32>
      %add3A_491 = arith.addi %add3A_487, %get3A_490 : vector<16xi32>
      %get3A_492 = arith.constant 1968 : index
      %get3A_493 = tpu.vector_load %arg5[%get3A_492] {strides = array<i32>} : memref<8192xi32, #tpu.memory_space<vmem>>, vector<16xi32>,
      %get3A_494 = vector.shape_cast %get3A_493 : vector<16xi32> to vector<16xi32>
      %add3A_495 = arith.addi %add3A_491, %get3A_494 : vector<16xi32>
      %get3A_496 = arith.constant 1984 : index
      %get3A_497 = tpu.vector_load %arg5[%get3A_496] {strides = array<i32>} : memref<8192xi32, #tpu.memory_space<vmem>>, vector<16xi32>,
      %get3A_498 = vector.shape_cast %get3A_497 : vector<16xi32> to vector<16xi32>
      %add3A_499 = arith.addi %add3A_495, %get3A_498 : vector<16xi32>
      %get3A_500 = arith.constant 2000 : index
      %get3A_501 = tpu.vector_load %arg5[%get3A_500] {strides = array<i32>} : memref<8192xi32, #tpu.memory_space<vmem>>, vector<16xi32>,
      %get3A_502 = vector.shape_cast %get3A_501 : vector<16xi32> to vector<16xi32>
      %add3A_503 = arith.addi %add3A_499, %get3A_502 : vector<16xi32>
      %get3A_504 = arith.constant 2016 : index
      %get3A_505 = tpu.vector_load %arg5[%get3A_504] {strides = array<i32>} : memref<8192xi32, #tpu.memory_space<vmem>>, vector<16xi32>,
      %get3A_506 = vector.shape_cast %get3A_505 : vector<16xi32> to vector<16xi32>
      %add3A_507 = arith.addi %add3A_503, %get3A_506 : vector<16xi32>
      %get3A_508 = arith.constant 2032 : index
      %get3A_509 = tpu.vector_load %arg5[%get3A_508] {strides = array<i32>} : memref<8192xi32, #tpu.memory_space<vmem>>, vector<16xi32>,
      %get3A_510 = vector.shape_cast %get3A_509 : vector<16xi32> to vector<16xi32>
      %add3A_511 = arith.addi %add3A_507, %get3A_510 : vector<16xi32>
      %get3A_512 = arith.constant 2048 : index
      %get3A_513 = tpu.vector_load %arg5[%get3A_512] {strides = array<i32>} : memref<8192xi32, #tpu.memory_space<vmem>>, vector<16xi32>,
      %get3A_514 = vector.shape_cast %get3A_513 : vector<16xi32> to vector<16xi32>
      %add3A_515 = arith.addi %add3A_511, %get3A_514 : vector<16xi32>
      %get3A_516 = arith.constant 2064 : index
      %get3A_517 = tpu.vector_load %arg5[%get3A_516] {strides = array<i32>} : memref<8192xi32, #tpu.memory_space<vmem>>, vector<16xi32>,
      %get3A_518 = vector.shape_cast %get3A_517 : vector<16xi32> to vector<16xi32>
      %add3A_519 = arith.addi %add3A_515, %get3A_518 : vector<16xi32>
      %get3A_520 = arith.constant 2080 : index
      %get3A_521 = tpu.vector_load %arg5[%get3A_520] {strides = array<i32>} : memref<8192xi32, #tpu.memory_space<vmem>>, vector<16xi32>,
      %get3A_522 = vector.shape_cast %get3A_521 : vector<16xi32> to vector<16xi32>
      %add3A_523 = arith.addi %add3A_519, %get3A_522 : vector<16xi32>
      %get3A_524 = arith.constant 2096 : index
      %get3A_525 = tpu.vector_load %arg5[%get3A_524] {strides = array<i32>} : memref<8192xi32, #tpu.memory_space<vmem>>, vector<16xi32>,
      %get3A_526 = vector.shape_cast %get3A_525 : vector<16xi32> to vector<16xi32>
      %add3A_527 = arith.addi %add3A_523, %get3A_526 : vector<16xi32>
      %get3A_528 = arith.constant 2112 : index
      %get3A_529 = tpu.vector_load %arg5[%get3A_528] {strides = array<i32>} : memref<8192xi32, #tpu.memory_space<vmem>>, vector<16xi32>,
      %get3A_530 = vector.shape_cast %get3A_529 : vector<16xi32> to vector<16xi32>
      %add3A_531 = arith.addi %add3A_527, %get3A_530 : vector<16xi32>
      %get3A_532 = arith.constant 2128 : index
      %get3A_533 = tpu.vector_load %arg5[%get3A_532] {strides = array<i32>} : memref<8192xi32, #tpu.memory_space<vmem>>, vector<16xi32>,
      %get3A_534 = vector.shape_cast %get3A_533 : vector<16xi32> to vector<16xi32>
      %add3A_535 = arith.addi %add3A_531, %get3A_534 : vector<16xi32>
      %get3A_536 = arith.constant 2144 : index
      %get3A_537 = tpu.vector_load %arg5[%get3A_536] {strides = array<i32>} : memref<8192xi32, #tpu.memory_space<vmem>>, vector<16xi32>,
      %get3A_538 = vector.shape_cast %get3A_537 : vector<16xi32> to vector<16xi32>
      %add3A_539 = arith.addi %add3A_535, %get3A_538 : vector<16xi32>
      %get3A_540 = arith.constant 2160 : index
      %get3A_541 = tpu.vector_load %arg5[%get3A_540] {strides = array<i32>} : memref<8192xi32, #tpu.memory_space<vmem>>, vector<16xi32>,
      %get3A_542 = vector.shape_cast %get3A_541 : vector<16xi32> to vector<16xi32>
      %add3A_543 = arith.addi %add3A_539, %get3A_542 : vector<16xi32>
      %get3A_544 = arith.constant 2176 : index
      %get3A_545 = tpu.vector_load %arg5[%get3A_544] {strides = array<i32>} : memref<8192xi32, #tpu.memory_space<vmem>>, vector<16xi32>,
      %get3A_546 = vector.shape_cast %get3A_545 : vector<16xi32> to vector<16xi32>
      %add3A_547 = arith.addi %add3A_543, %get3A_546 : vector<16xi32>
      %get3A_548 = arith.constant 2192 : index
      %get3A_549 = tpu.vector_load %arg5[%get3A_548] {strides = array<i32>} : memref<8192xi32, #tpu.memory_space<vmem>>, vector<16xi32>,
      %get3A_550 = vector.shape_cast %get3A_549 : vector<16xi32> to vector<16xi32>
      %add3A_551 = arith.addi %add3A_547, %get3A_550 : vector<16xi32>
      %get3A_552 = arith.constant 2208 : index
      %get3A_553 = tpu.vector_load %arg5[%get3A_552] {strides = array<i32>} : memref<8192xi32, #tpu.memory_space<vmem>>, vector<16xi32>,
      %get3A_554 = vector.shape_cast %get3A_553 : vector<16xi32> to vector<16xi32>
      %add3A_555 = arith.addi %add3A_551, %get3A_554 : vector<16xi32>
      %get3A_556 = arith.constant 2224 : index
      %get3A_557 = tpu.vector_load %arg5[%get3A_556] {strides = array<i32>} : memref<8192xi32, #tpu.memory_space<vmem>>, vector<16xi32>,
      %get3A_558 = vector.shape_cast %get3A_557 : vector<16xi32> to vector<16xi32>
      %add3A_559 = arith.addi %add3A_555, %get3A_558 : vector<16xi32>
      %get3A_560 = arith.constant 2240 : index
      %get3A_561 = tpu.vector_load %arg5[%get3A_560] {strides = array<i32>} : memref<8192xi32, #tpu.memory_space<vmem>>, vector<16xi32>,
      %get3A_562 = vector.shape_cast %get3A_561 : vector<16xi32> to vector<16xi32>
      %add3A_563 = arith.addi %add3A_559, %get3A_562 : vector<16xi32>
      %get3A_564 = arith.constant 2256 : index
      %get3A_565 = tpu.vector_load %arg5[%get3A_564] {strides = array<i32>} : memref<8192xi32, #tpu.memory_space<vmem>>, vector<16xi32>,
      %get3A_566 = vector.shape_cast %get3A_565 : vector<16xi32> to vector<16xi32>
      %add3A_567 = arith.addi %add3A_563, %get3A_566 : vector<16xi32>
      %get3A_568 = arith.constant 2272 : index
      %get3A_569 = tpu.vector_load %arg5[%get3A_568] {strides = array<i32>} : memref<8192xi32, #tpu.memory_space<vmem>>, vector<16xi32>,
      %get3A_570 = vector.shape_cast %get3A_569 : vector<16xi32> to vector<16xi32>
      %add3A_571 = arith.addi %add3A_567, %get3A_570 : vector<16xi32>
      %get3A_572 = arith.constant 2288 : index
      %get3A_573 = tpu.vector_load %arg5[%get3A_572] {strides = array<i32>} : memref<8192xi32, #tpu.memory_space<vmem>>, vector<16xi32>,
      %get3A_574 = vector.shape_cast %get3A_573 : vector<16xi32> to vector<16xi32>
      %add3A_575 = arith.addi %add3A_571, %get3A_574 : vector<16xi32>
      %get3A_576 = arith.constant 2304 : index
      %get3A_577 = tpu.vector_load %arg5[%get3A_576] {strides = array<i32>} : memref<8192xi32, #tpu.memory_space<vmem>>, vector<16xi32>,
      %get3A_578 = vector.shape_cast %get3A_577 : vector<16xi32> to vector<16xi32>
      %add3A_579 = arith.addi %add3A_575, %get3A_578 : vector<16xi32>
      %get3A_580 = arith.constant 2320 : index
      %get3A_581 = tpu.vector_load %arg5[%get3A_580] {strides = array<i32>} : memref<8192xi32, #tpu.memory_space<vmem>>, vector<16xi32>,
      %get3A_582 = vector.shape_cast %get3A_581 : vector<16xi32> to vector<16xi32>
      %add3A_583 = arith.addi %add3A_579, %get3A_582 : vector<16xi32>
      %get3A_584 = arith.constant 2336 : index
      %get3A_585 = tpu.vector_load %arg5[%get3A_584] {strides = array<i32>} : memref<8192xi32, #tpu.memory_space<vmem>>, vector<16xi32>,
      %get3A_586 = vector.shape_cast %get3A_585 : vector<16xi32> to vector<16xi32>
      %add3A_587 = arith.addi %add3A_583, %get3A_586 : vector<16xi32>
      %get3A_588 = arith.constant 2352 : index
      %get3A_589 = tpu.vector_load %arg5[%get3A_588] {strides = array<i32>} : memref<8192xi32, #tpu.memory_space<vmem>>, vector<16xi32>,
      %get3A_590 = vector.shape_cast %get3A_589 : vector<16xi32> to vector<16xi32>
      %add3A_591 = arith.addi %add3A_587, %get3A_590 : vector<16xi32>
      %get3A_592 = arith.constant 2368 : index
      %get3A_593 = tpu.vector_load %arg5[%get3A_592] {strides = array<i32>} : memref<8192xi32, #tpu.memory_space<vmem>>, vector<16xi32>,
      %get3A_594 = vector.shape_cast %get3A_593 : vector<16xi32> to vector<16xi32>
      %add3A_595 = arith.addi %add3A_591, %get3A_594 : vector<16xi32>
      %get3A_596 = arith.constant 2384 : index
      %get3A_597 = tpu.vector_load %arg5[%get3A_596] {strides = array<i32>} : memref<8192xi32, #tpu.memory_space<vmem>>, vector<16xi32>,
      %get3A_598 = vector.shape_cast %get3A_597 : vector<16xi32> to vector<16xi32>
      %add3A_599 = arith.addi %add3A_595, %get3A_598 : vector<16xi32>
      %get3A_600 = arith.constant 2400 : index
      %get3A_601 = tpu.vector_load %arg5[%get3A_600] {strides = array<i32>} : memref<8192xi32, #tpu.memory_space<vmem>>, vector<16xi32>,
      %get3A_602 = vector.shape_cast %get3A_601 : vector<16xi32> to vector<16xi32>
      %add3A_603 = arith.addi %add3A_599, %get3A_602 : vector<16xi32>
      %get3A_604 = arith.constant 2416 : index
      %get3A_605 = tpu.vector_load %arg5[%get3A_604] {strides = array<i32>} : memref<8192xi32, #tpu.memory_space<vmem>>, vector<16xi32>,
      %get3A_606 = vector.shape_cast %get3A_605 : vector<16xi32> to vector<16xi32>
      %add3A_607 = arith.addi %add3A_603, %get3A_606 : vector<16xi32>
      %get3A_608 = arith.constant 2432 : index
      %get3A_609 = tpu.vector_load %arg5[%get3A_608] {strides = array<i32>} : memref<8192xi32, #tpu.memory_space<vmem>>, vector<16xi32>,
      %get3A_610 = vector.shape_cast %get3A_609 : vector<16xi32> to vector<16xi32>
      %add3A_611 = arith.addi %add3A_607, %get3A_610 : vector<16xi32>
      %get3A_612 = arith.constant 2448 : index
      %get3A_613 = tpu.vector_load %arg5[%get3A_612] {strides = array<i32>} : memref<8192xi32, #tpu.memory_space<vmem>>, vector<16xi32>,
      %get3A_614 = vector.shape_cast %get3A_613 : vector<16xi32> to vector<16xi32>
      %add3A_615 = arith.addi %add3A_611, %get3A_614 : vector<16xi32>
      %get3A_616 = arith.constant 2464 : index
      %get3A_617 = tpu.vector_load %arg5[%get3A_616] {strides = array<i32>} : memref<8192xi32, #tpu.memory_space<vmem>>, vector<16xi32>,
      %get3A_618 = vector.shape_cast %get3A_617 : vector<16xi32> to vector<16xi32>
      %add3A_619 = arith.addi %add3A_615, %get3A_618 : vector<16xi32>
      %get3A_620 = arith.constant 2480 : index
      %get3A_621 = tpu.vector_load %arg5[%get3A_620] {strides = array<i32>} : memref<8192xi32, #tpu.memory_space<vmem>>, vector<16xi32>,
      %get3A_622 = vector.shape_cast %get3A_621 : vector<16xi32> to vector<16xi32>
      %add3A_623 = arith.addi %add3A_619, %get3A_622 : vector<16xi32>
      %get3A_624 = arith.constant 2496 : index
      %get3A_625 = tpu.vector_load %arg5[%get3A_624] {strides = array<i32>} : memref<8192xi32, #tpu.memory_space<vmem>>, vector<16xi32>,
      %get3A_626 = vector.shape_cast %get3A_625 : vector<16xi32> to vector<16xi32>
      %add3A_627 = arith.addi %add3A_623, %get3A_626 : vector<16xi32>
      %get3A_628 = arith.constant 2512 : index
      %get3A_629 = tpu.vector_load %arg5[%get3A_628] {strides = array<i32>} : memref<8192xi32, #tpu.memory_space<vmem>>, vector<16xi32>,
      %get3A_630 = vector.shape_cast %get3A_629 : vector<16xi32> to vector<16xi32>
      %add3A_631 = arith.addi %add3A_627, %get3A_630 : vector<16xi32>
      %get3A_632 = arith.constant 2528 : index
      %get3A_633 = tpu.vector_load %arg5[%get3A_632] {strides = array<i32>} : memref<8192xi32, #tpu.memory_space<vmem>>, vector<16xi32>,
      %get3A_634 = vector.shape_cast %get3A_633 : vector<16xi32> to vector<16xi32>
      %add3A_635 = arith.addi %add3A_631, %get3A_634 : vector<16xi32>
      %get3A_636 = arith.constant 2544 : index
      %get3A_637 = tpu.vector_load %arg5[%get3A_636] {strides = array<i32>} : memref<8192xi32, #tpu.memory_space<vmem>>, vector<16xi32>,
      %get3A_638 = vector.shape_cast %get3A_637 : vector<16xi32> to vector<16xi32>
      %add3A_639 = arith.addi %add3A_635, %get3A_638 : vector<16xi32>
      %get3A_640 = arith.constant 2560 : index
      %get3A_641 = tpu.vector_load %arg5[%get3A_640] {strides = array<i32>} : memref<8192xi32, #tpu.memory_space<vmem>>, vector<16xi32>,
      %get3A_642 = vector.shape_cast %get3A_641 : vector<16xi32> to vector<16xi32>
      %add3A_643 = arith.addi %add3A_639, %get3A_642 : vector<16xi32>
      %get3A_644 = arith.constant 2576 : index
      %get3A_645 = tpu.vector_load %arg5[%get3A_644] {strides = array<i32>} : memref<8192xi32, #tpu.memory_space<vmem>>, vector<16xi32>,
      %get3A_646 = vector.shape_cast %get3A_645 : vector<16xi32> to vector<16xi32>
      %add3A_647 = arith.addi %add3A_643, %get3A_646 : vector<16xi32>
      %get3A_648 = arith.constant 2592 : index
      %get3A_649 = tpu.vector_load %arg5[%get3A_648] {strides = array<i32>} : memref<8192xi32, #tpu.memory_space<vmem>>, vector<16xi32>,
      %get3A_650 = vector.shape_cast %get3A_649 : vector<16xi32> to vector<16xi32>
      %add3A_651 = arith.addi %add3A_647, %get3A_650 : vector<16xi32>
      %get3A_652 = arith.constant 2608 : index
      %get3A_653 = tpu.vector_load %arg5[%get3A_652] {strides = array<i32>} : memref<8192xi32, #tpu.memory_space<vmem>>, vector<16xi32>,
      %get3A_654 = vector.shape_cast %get3A_653 : vector<16xi32> to vector<16xi32>
      %add3A_655 = arith.addi %add3A_651, %get3A_654 : vector<16xi32>
      %get3A_656 = arith.constant 2624 : index
      %get3A_657 = tpu.vector_load %arg5[%get3A_656] {strides = array<i32>} : memref<8192xi32, #tpu.memory_space<vmem>>, vector<16xi32>,
      %get3A_658 = vector.shape_cast %get3A_657 : vector<16xi32> to vector<16xi32>
      %add3A_659 = arith.addi %add3A_655, %get3A_658 : vector<16xi32>
      %get3A_660 = arith.constant 2640 : index
      %get3A_661 = tpu.vector_load %arg5[%get3A_660] {strides = array<i32>} : memref<8192xi32, #tpu.memory_space<vmem>>, vector<16xi32>,
      %get3A_662 = vector.shape_cast %get3A_661 : vector<16xi32> to vector<16xi32>
      %add3A_663 = arith.addi %add3A_659, %get3A_662 : vector<16xi32>
      %get3A_664 = arith.constant 2656 : index
      %get3A_665 = tpu.vector_load %arg5[%get3A_664] {strides = array<i32>} : memref<8192xi32, #tpu.memory_space<vmem>>, vector<16xi32>,
      %get3A_666 = vector.shape_cast %get3A_665 : vector<16xi32> to vector<16xi32>
      %add3A_667 = arith.addi %add3A_663, %get3A_666 : vector<16xi32>
      %get3A_668 = arith.constant 2672 : index
      %get3A_669 = tpu.vector_load %arg5[%get3A_668] {strides = array<i32>} : memref<8192xi32, #tpu.memory_space<vmem>>, vector<16xi32>,
      %get3A_670 = vector.shape_cast %get3A_669 : vector<16xi32> to vector<16xi32>
      %add3A_671 = arith.addi %add3A_667, %get3A_670 : vector<16xi32>
      %get3A_672 = arith.constant 2688 : index
      %get3A_673 = tpu.vector_load %arg5[%get3A_672] {strides = array<i32>} : memref<8192xi32, #tpu.memory_space<vmem>>, vector<16xi32>,
      %get3A_674 = vector.shape_cast %get3A_673 : vector<16xi32> to vector<16xi32>
      %add3A_675 = arith.addi %add3A_671, %get3A_674 : vector<16xi32>
      %get3A_676 = arith.constant 2704 : index
      %get3A_677 = tpu.vector_load %arg5[%get3A_676] {strides = array<i32>} : memref<8192xi32, #tpu.memory_space<vmem>>, vector<16xi32>,
      %get3A_678 = vector.shape_cast %get3A_677 : vector<16xi32> to vector<16xi32>
      %add3A_679 = arith.addi %add3A_675, %get3A_678 : vector<16xi32>
      %get3A_680 = arith.constant 2720 : index
      %get3A_681 = tpu.vector_load %arg5[%get3A_680] {strides = array<i32>} : memref<8192xi32, #tpu.memory_space<vmem>>, vector<16xi32>,
      %get3A_682 = vector.shape_cast %get3A_681 : vector<16xi32> to vector<16xi32>
      %add3A_683 = arith.addi %add3A_679, %get3A_682 : vector<16xi32>
      %get3A_684 = arith.constant 2736 : index
      %get3A_685 = tpu.vector_load %arg5[%get3A_684] {strides = array<i32>} : memref<8192xi32, #tpu.memory_space<vmem>>, vector<16xi32>,
      %get3A_686 = vector.shape_cast %get3A_685 : vector<16xi32> to vector<16xi32>
      %add3A_687 = arith.addi %add3A_683, %get3A_686 : vector<16xi32>
      %get3A_688 = arith.constant 2752 : index
      %get3A_689 = tpu.vector_load %arg5[%get3A_688] {strides = array<i32>} : memref<8192xi32, #tpu.memory_space<vmem>>, vector<16xi32>,
      %get3A_690 = vector.shape_cast %get3A_689 : vector<16xi32> to vector<16xi32>
      %add3A_691 = arith.addi %add3A_687, %get3A_690 : vector<16xi32>
      %get3A_692 = arith.constant 2768 : index
      %get3A_693 = tpu.vector_load %arg5[%get3A_692] {strides = array<i32>} : memref<8192xi32, #tpu.memory_space<vmem>>, vector<16xi32>,
      %get3A_694 = vector.shape_cast %get3A_693 : vector<16xi32> to vector<16xi32>
      %add3A_695 = arith.addi %add3A_691, %get3A_694 : vector<16xi32>
      %get3A_696 = arith.constant 2784 : index
      %get3A_697 = tpu.vector_load %arg5[%get3A_696] {strides = array<i32>} : memref<8192xi32, #tpu.memory_space<vmem>>, vector<16xi32>,
      %get3A_698 = vector.shape_cast %get3A_697 : vector<16xi32> to vector<16xi32>
      %add3A_699 = arith.addi %add3A_695, %get3A_698 : vector<16xi32>
      %get3A_700 = arith.constant 2800 : index
      %get3A_701 = tpu.vector_load %arg5[%get3A_700] {strides = array<i32>} : memref<8192xi32, #tpu.memory_space<vmem>>, vector<16xi32>,
      %get3A_702 = vector.shape_cast %get3A_701 : vector<16xi32> to vector<16xi32>
      %add3A_703 = arith.addi %add3A_699, %get3A_702 : vector<16xi32>
      %get3A_704 = arith.constant 2816 : index
      %get3A_705 = tpu.vector_load %arg5[%get3A_704] {strides = array<i32>} : memref<8192xi32, #tpu.memory_space<vmem>>, vector<16xi32>,
      %get3A_706 = vector.shape_cast %get3A_705 : vector<16xi32> to vector<16xi32>
      %add3A_707 = arith.addi %add3A_703, %get3A_706 : vector<16xi32>
      %get3A_708 = arith.constant 2832 : index
      %get3A_709 = tpu.vector_load %arg5[%get3A_708] {strides = array<i32>} : memref<8192xi32, #tpu.memory_space<vmem>>, vector<16xi32>,
      %get3A_710 = vector.shape_cast %get3A_709 : vector<16xi32> to vector<16xi32>
      %add3A_711 = arith.addi %add3A_707, %get3A_710 : vector<16xi32>
      %get3A_712 = arith.constant 2848 : index
      %get3A_713 = tpu.vector_load %arg5[%get3A_712] {strides = array<i32>} : memref<8192xi32, #tpu.memory_space<vmem>>, vector<16xi32>,
      %get3A_714 = vector.shape_cast %get3A_713 : vector<16xi32> to vector<16xi32>
      %add3A_715 = arith.addi %add3A_711, %get3A_714 : vector<16xi32>
      %get3A_716 = arith.constant 2864 : index
      %get3A_717 = tpu.vector_load %arg5[%get3A_716] {strides = array<i32>} : memref<8192xi32, #tpu.memory_space<vmem>>, vector<16xi32>,
      %get3A_718 = vector.shape_cast %get3A_717 : vector<16xi32> to vector<16xi32>
      %add3A_719 = arith.addi %add3A_715, %get3A_718 : vector<16xi32>
      %get3A_720 = arith.constant 2880 : index
      %get3A_721 = tpu.vector_load %arg5[%get3A_720] {strides = array<i32>} : memref<8192xi32, #tpu.memory_space<vmem>>, vector<16xi32>,
      %get3A_722 = vector.shape_cast %get3A_721 : vector<16xi32> to vector<16xi32>
      %add3A_723 = arith.addi %add3A_719, %get3A_722 : vector<16xi32>
      %get3A_724 = arith.constant 2896 : index
      %get3A_725 = tpu.vector_load %arg5[%get3A_724] {strides = array<i32>} : memref<8192xi32, #tpu.memory_space<vmem>>, vector<16xi32>,
      %get3A_726 = vector.shape_cast %get3A_725 : vector<16xi32> to vector<16xi32>
      %add3A_727 = arith.addi %add3A_723, %get3A_726 : vector<16xi32>
      %get3A_728 = arith.constant 2912 : index
      %get3A_729 = tpu.vector_load %arg5[%get3A_728] {strides = array<i32>} : memref<8192xi32, #tpu.memory_space<vmem>>, vector<16xi32>,
      %get3A_730 = vector.shape_cast %get3A_729 : vector<16xi32> to vector<16xi32>
      %add3A_731 = arith.addi %add3A_727, %get3A_730 : vector<16xi32>
      %get3A_732 = arith.constant 2928 : index
      %get3A_733 = tpu.vector_load %arg5[%get3A_732] {strides = array<i32>} : memref<8192xi32, #tpu.memory_space<vmem>>, vector<16xi32>,
      %get3A_734 = vector.shape_cast %get3A_733 : vector<16xi32> to vector<16xi32>
      %add3A_735 = arith.addi %add3A_731, %get3A_734 : vector<16xi32>
      %get3A_736 = arith.constant 2944 : index
      %get3A_737 = tpu.vector_load %arg5[%get3A_736] {strides = array<i32>} : memref<8192xi32, #tpu.memory_space<vmem>>, vector<16xi32>,
      %get3A_738 = vector.shape_cast %get3A_737 : vector<16xi32> to vector<16xi32>
      %add3A_739 = arith.addi %add3A_735, %get3A_738 : vector<16xi32>
      %get3A_740 = arith.constant 2960 : index
      %get3A_741 = tpu.vector_load %arg5[%get3A_740] {strides = array<i32>} : memref<8192xi32, #tpu.memory_space<vmem>>, vector<16xi32>,
      %get3A_742 = vector.shape_cast %get3A_741 : vector<16xi32> to vector<16xi32>
      %add3A_743 = arith.addi %add3A_739, %get3A_742 : vector<16xi32>
      %get3A_744 = arith.constant 2976 : index
      %get3A_745 = tpu.vector_load %arg5[%get3A_744] {strides = array<i32>} : memref<8192xi32, #tpu.memory_space<vmem>>, vector<16xi32>,
      %get3A_746 = vector.shape_cast %get3A_745 : vector<16xi32> to vector<16xi32>
      %add3A_747 = arith.addi %add3A_743, %get3A_746 : vector<16xi32>
      %get3A_748 = arith.constant 2992 : index
      %get3A_749 = tpu.vector_load %arg5[%get3A_748] {strides = array<i32>} : memref<8192xi32, #tpu.memory_space<vmem>>, vector<16xi32>,
      %get3A_750 = vector.shape_cast %get3A_749 : vector<16xi32> to vector<16xi32>
      %add3A_751 = arith.addi %add3A_747, %get3A_750 : vector<16xi32>
      %get3A_752 = arith.constant 3008 : index
      %get3A_753 = tpu.vector_load %arg5[%get3A_752] {strides = array<i32>} : memref<8192xi32, #tpu.memory_space<vmem>>, vector<16xi32>,
      %get3A_754 = vector.shape_cast %get3A_753 : vector<16xi32> to vector<16xi32>
      %add3A_755 = arith.addi %add3A_751, %get3A_754 : vector<16xi32>
      %get3A_756 = arith.constant 3024 : index
      %get3A_757 = tpu.vector_load %arg5[%get3A_756] {strides = array<i32>} : memref<8192xi32, #tpu.memory_space<vmem>>, vector<16xi32>,
      %get3A_758 = vector.shape_cast %get3A_757 : vector<16xi32> to vector<16xi32>
      %add3A_759 = arith.addi %add3A_755, %get3A_758 : vector<16xi32>
      %get3A_760 = arith.constant 3040 : index
      %get3A_761 = tpu.vector_load %arg5[%get3A_760] {strides = array<i32>} : memref<8192xi32, #tpu.memory_space<vmem>>, vector<16xi32>,
      %get3A_762 = vector.shape_cast %get3A_761 : vector<16xi32> to vector<16xi32>
      %add3A_763 = arith.addi %add3A_759, %get3A_762 : vector<16xi32>
      %get3A_764 = arith.constant 3056 : index
      %get3A_765 = tpu.vector_load %arg5[%get3A_764] {strides = array<i32>} : memref<8192xi32, #tpu.memory_space<vmem>>, vector<16xi32>,
      %get3A_766 = vector.shape_cast %get3A_765 : vector<16xi32> to vector<16xi32>
      %add3A_767 = arith.addi %add3A_763, %get3A_766 : vector<16xi32>
      %get3A_768 = arith.constant 3072 : index
      %get3A_769 = tpu.vector_load %arg5[%get3A_768] {strides = array<i32>} : memref<8192xi32, #tpu.memory_space<vmem>>, vector<16xi32>,
      %get3A_770 = vector.shape_cast %get3A_769 : vector<16xi32> to vector<16xi32>
      %add3A_771 = arith.addi %add3A_767, %get3A_770 : vector<16xi32>
      %get3A_772 = arith.constant 3088 : index
      %get3A_773 = tpu.vector_load %arg5[%get3A_772] {strides = array<i32>} : memref<8192xi32, #tpu.memory_space<vmem>>, vector<16xi32>,
      %get3A_774 = vector.shape_cast %get3A_773 : vector<16xi32> to vector<16xi32>
      %add3A_775 = arith.addi %add3A_771, %get3A_774 : vector<16xi32>
      %get3A_776 = arith.constant 3104 : index
      %get3A_777 = tpu.vector_load %arg5[%get3A_776] {strides = array<i32>} : memref<8192xi32, #tpu.memory_space<vmem>>, vector<16xi32>,
      %get3A_778 = vector.shape_cast %get3A_777 : vector<16xi32> to vector<16xi32>
      %add3A_779 = arith.addi %add3A_775, %get3A_778 : vector<16xi32>
      %get3A_780 = arith.constant 3120 : index
      %get3A_781 = tpu.vector_load %arg5[%get3A_780] {strides = array<i32>} : memref<8192xi32, #tpu.memory_space<vmem>>, vector<16xi32>,
      %get3A_782 = vector.shape_cast %get3A_781 : vector<16xi32> to vector<16xi32>
      %add3A_783 = arith.addi %add3A_779, %get3A_782 : vector<16xi32>
      %get3A_784 = arith.constant 3136 : index
      %get3A_785 = tpu.vector_load %arg5[%get3A_784] {strides = array<i32>} : memref<8192xi32, #tpu.memory_space<vmem>>, vector<16xi32>,
      %get3A_786 = vector.shape_cast %get3A_785 : vector<16xi32> to vector<16xi32>
      %add3A_787 = arith.addi %add3A_783, %get3A_786 : vector<16xi32>
      %get3A_788 = arith.constant 3152 : index
      %get3A_789 = tpu.vector_load %arg5[%get3A_788] {strides = array<i32>} : memref<8192xi32, #tpu.memory_space<vmem>>, vector<16xi32>,
      %get3A_790 = vector.shape_cast %get3A_789 : vector<16xi32> to vector<16xi32>
      %add3A_791 = arith.addi %add3A_787, %get3A_790 : vector<16xi32>
      %get3A_792 = arith.constant 3168 : index
      %get3A_793 = tpu.vector_load %arg5[%get3A_792] {strides = array<i32>} : memref<8192xi32, #tpu.memory_space<vmem>>, vector<16xi32>,
      %get3A_794 = vector.shape_cast %get3A_793 : vector<16xi32> to vector<16xi32>
      %add3A_795 = arith.addi %add3A_791, %get3A_794 : vector<16xi32>
      %get3A_796 = arith.constant 3184 : index
      %get3A_797 = tpu.vector_load %arg5[%get3A_796] {strides = array<i32>} : memref<8192xi32, #tpu.memory_space<vmem>>, vector<16xi32>,
      %get3A_798 = vector.shape_cast %get3A_797 : vector<16xi32> to vector<16xi32>
      %add3A_799 = arith.addi %add3A_795, %get3A_798 : vector<16xi32>
      %get3A_800 = arith.constant 3200 : index
      %get3A_801 = tpu.vector_load %arg5[%get3A_800] {strides = array<i32>} : memref<8192xi32, #tpu.memory_space<vmem>>, vector<16xi32>,
      %get3A_802 = vector.shape_cast %get3A_801 : vector<16xi32> to vector<16xi32>
      %add3A_803 = arith.addi %add3A_799, %get3A_802 : vector<16xi32>
      %get3A_804 = arith.constant 3216 : index
      %get3A_805 = tpu.vector_load %arg5[%get3A_804] {strides = array<i32>} : memref<8192xi32, #tpu.memory_space<vmem>>, vector<16xi32>,
      %get3A_806 = vector.shape_cast %get3A_805 : vector<16xi32> to vector<16xi32>
      %add3A_807 = arith.addi %add3A_803, %get3A_806 : vector<16xi32>
      %get3A_808 = arith.constant 3232 : index
      %get3A_809 = tpu.vector_load %arg5[%get3A_808] {strides = array<i32>} : memref<8192xi32, #tpu.memory_space<vmem>>, vector<16xi32>,
      %get3A_810 = vector.shape_cast %get3A_809 : vector<16xi32> to vector<16xi32>
      %add3A_811 = arith.addi %add3A_807, %get3A_810 : vector<16xi32>
      %get3A_812 = arith.constant 3248 : index
      %get3A_813 = tpu.vector_load %arg5[%get3A_812] {strides = array<i32>} : memref<8192xi32, #tpu.memory_space<vmem>>, vector<16xi32>,
      %get3A_814 = vector.shape_cast %get3A_813 : vector<16xi32> to vector<16xi32>
      %add3A_815 = arith.addi %add3A_811, %get3A_814 : vector<16xi32>
      %get3A_816 = arith.constant 3264 : index
      %get3A_817 = tpu.vector_load %arg5[%get3A_816] {strides = array<i32>} : memref<8192xi32, #tpu.memory_space<vmem>>, vector<16xi32>,
      %get3A_818 = vector.shape_cast %get3A_817 : vector<16xi32> to vector<16xi32>
      %add3A_819 = arith.addi %add3A_815, %get3A_818 : vector<16xi32>
      %get3A_820 = arith.constant 3280 : index
      %get3A_821 = tpu.vector_load %arg5[%get3A_820] {strides = array<i32>} : memref<8192xi32, #tpu.memory_space<vmem>>, vector<16xi32>,
      %get3A_822 = vector.shape_cast %get3A_821 : vector<16xi32> to vector<16xi32>
      %add3A_823 = arith.addi %add3A_819, %get3A_822 : vector<16xi32>
      %get3A_824 = arith.constant 3296 : index
      %get3A_825 = tpu.vector_load %arg5[%get3A_824] {strides = array<i32>} : memref<8192xi32, #tpu.memory_space<vmem>>, vector<16xi32>,
      %get3A_826 = vector.shape_cast %get3A_825 : vector<16xi32> to vector<16xi32>
      %add3A_827 = arith.addi %add3A_823, %get3A_826 : vector<16xi32>
      %get3A_828 = arith.constant 3312 : index
      %get3A_829 = tpu.vector_load %arg5[%get3A_828] {strides = array<i32>} : memref<8192xi32, #tpu.memory_space<vmem>>, vector<16xi32>,
      %get3A_830 = vector.shape_cast %get3A_829 : vector<16xi32> to vector<16xi32>
      %add3A_831 = arith.addi %add3A_827, %get3A_830 : vector<16xi32>
      %get3A_832 = arith.constant 3328 : index
      %get3A_833 = tpu.vector_load %arg5[%get3A_832] {strides = array<i32>} : memref<8192xi32, #tpu.memory_space<vmem>>, vector<16xi32>,
      %get3A_834 = vector.shape_cast %get3A_833 : vector<16xi32> to vector<16xi32>
      %add3A_835 = arith.addi %add3A_831, %get3A_834 : vector<16xi32>
      %get3A_836 = arith.constant 3344 : index
      %get3A_837 = tpu.vector_load %arg5[%get3A_836] {strides = array<i32>} : memref<8192xi32, #tpu.memory_space<vmem>>, vector<16xi32>,
      %get3A_838 = vector.shape_cast %get3A_837 : vector<16xi32> to vector<16xi32>
      %add3A_839 = arith.addi %add3A_835, %get3A_838 : vector<16xi32>
      %get3A_840 = arith.constant 3360 : index
      %get3A_841 = tpu.vector_load %arg5[%get3A_840] {strides = array<i32>} : memref<8192xi32, #tpu.memory_space<vmem>>, vector<16xi32>,
      %get3A_842 = vector.shape_cast %get3A_841 : vector<16xi32> to vector<16xi32>
      %add3A_843 = arith.addi %add3A_839, %get3A_842 : vector<16xi32>
      %get3A_844 = arith.constant 3376 : index
      %get3A_845 = tpu.vector_load %arg5[%get3A_844] {strides = array<i32>} : memref<8192xi32, #tpu.memory_space<vmem>>, vector<16xi32>,
      %get3A_846 = vector.shape_cast %get3A_845 : vector<16xi32> to vector<16xi32>
      %add3A_847 = arith.addi %add3A_843, %get3A_846 : vector<16xi32>
      %get3A_848 = arith.constant 3392 : index
      %get3A_849 = tpu.vector_load %arg5[%get3A_848] {strides = array<i32>} : memref<8192xi32, #tpu.memory_space<vmem>>, vector<16xi32>,
      %get3A_850 = vector.shape_cast %get3A_849 : vector<16xi32> to vector<16xi32>
      %add3A_851 = arith.addi %add3A_847, %get3A_850 : vector<16xi32>
      %get3A_852 = arith.constant 3408 : index
      %get3A_853 = tpu.vector_load %arg5[%get3A_852] {strides = array<i32>} : memref<8192xi32, #tpu.memory_space<vmem>>, vector<16xi32>,
      %get3A_854 = vector.shape_cast %get3A_853 : vector<16xi32> to vector<16xi32>
      %add3A_855 = arith.addi %add3A_851, %get3A_854 : vector<16xi32>
      %get3A_856 = arith.constant 3424 : index
      %get3A_857 = tpu.vector_load %arg5[%get3A_856] {strides = array<i32>} : memref<8192xi32, #tpu.memory_space<vmem>>, vector<16xi32>,
      %get3A_858 = vector.shape_cast %get3A_857 : vector<16xi32> to vector<16xi32>
      %add3A_859 = arith.addi %add3A_855, %get3A_858 : vector<16xi32>
      %get3A_860 = arith.constant 3440 : index
      %get3A_861 = tpu.vector_load %arg5[%get3A_860] {strides = array<i32>} : memref<8192xi32, #tpu.memory_space<vmem>>, vector<16xi32>,
      %get3A_862 = vector.shape_cast %get3A_861 : vector<16xi32> to vector<16xi32>
      %add3A_863 = arith.addi %add3A_859, %get3A_862 : vector<16xi32>
      %get3A_864 = arith.constant 3456 : index
      %get3A_865 = tpu.vector_load %arg5[%get3A_864] {strides = array<i32>} : memref<8192xi32, #tpu.memory_space<vmem>>, vector<16xi32>,
      %get3A_866 = vector.shape_cast %get3A_865 : vector<16xi32> to vector<16xi32>
      %add3A_867 = arith.addi %add3A_863, %get3A_866 : vector<16xi32>
      %get3A_868 = arith.constant 3472 : index
      %get3A_869 = tpu.vector_load %arg5[%get3A_868] {strides = array<i32>} : memref<8192xi32, #tpu.memory_space<vmem>>, vector<16xi32>,
      %get3A_870 = vector.shape_cast %get3A_869 : vector<16xi32> to vector<16xi32>
      %add3A_871 = arith.addi %add3A_867, %get3A_870 : vector<16xi32>
      %get3A_872 = arith.constant 3488 : index
      %get3A_873 = tpu.vector_load %arg5[%get3A_872] {strides = array<i32>} : memref<8192xi32, #tpu.memory_space<vmem>>, vector<16xi32>,
      %get3A_874 = vector.shape_cast %get3A_873 : vector<16xi32> to vector<16xi32>
      %add3A_875 = arith.addi %add3A_871, %get3A_874 : vector<16xi32>
      %get3A_876 = arith.constant 3504 : index
      %get3A_877 = tpu.vector_load %arg5[%get3A_876] {strides = array<i32>} : memref<8192xi32, #tpu.memory_space<vmem>>, vector<16xi32>,
      %get3A_878 = vector.shape_cast %get3A_877 : vector<16xi32> to vector<16xi32>
      %add3A_879 = arith.addi %add3A_875, %get3A_878 : vector<16xi32>
      %get3A_880 = arith.constant 3520 : index
      %get3A_881 = tpu.vector_load %arg5[%get3A_880] {strides = array<i32>} : memref<8192xi32, #tpu.memory_space<vmem>>, vector<16xi32>,
      %get3A_882 = vector.shape_cast %get3A_881 : vector<16xi32> to vector<16xi32>
      %add3A_883 = arith.addi %add3A_879, %get3A_882 : vector<16xi32>
      %get3A_884 = arith.constant 3536 : index
      %get3A_885 = tpu.vector_load %arg5[%get3A_884] {strides = array<i32>} : memref<8192xi32, #tpu.memory_space<vmem>>, vector<16xi32>,
      %get3A_886 = vector.shape_cast %get3A_885 : vector<16xi32> to vector<16xi32>
      %add3A_887 = arith.addi %add3A_883, %get3A_886 : vector<16xi32>
      %get3A_888 = arith.constant 3552 : index
      %get3A_889 = tpu.vector_load %arg5[%get3A_888] {strides = array<i32>} : memref<8192xi32, #tpu.memory_space<vmem>>, vector<16xi32>,
      %get3A_890 = vector.shape_cast %get3A_889 : vector<16xi32> to vector<16xi32>
      %add3A_891 = arith.addi %add3A_887, %get3A_890 : vector<16xi32>
      %get3A_892 = arith.constant 3568 : index
      %get3A_893 = tpu.vector_load %arg5[%get3A_892] {strides = array<i32>} : memref<8192xi32, #tpu.memory_space<vmem>>, vector<16xi32>,
      %get3A_894 = vector.shape_cast %get3A_893 : vector<16xi32> to vector<16xi32>
      %add3A_895 = arith.addi %add3A_891, %get3A_894 : vector<16xi32>
      %get3A_896 = arith.constant 3584 : index
      %get3A_897 = tpu.vector_load %arg5[%get3A_896] {strides = array<i32>} : memref<8192xi32, #tpu.memory_space<vmem>>, vector<16xi32>,
      %get3A_898 = vector.shape_cast %get3A_897 : vector<16xi32> to vector<16xi32>
      %add3A_899 = arith.addi %add3A_895, %get3A_898 : vector<16xi32>
      %get3A_900 = arith.constant 3600 : index
      %get3A_901 = tpu.vector_load %arg5[%get3A_900] {strides = array<i32>} : memref<8192xi32, #tpu.memory_space<vmem>>, vector<16xi32>,
      %get3A_902 = vector.shape_cast %get3A_901 : vector<16xi32> to vector<16xi32>
      %add3A_903 = arith.addi %add3A_899, %get3A_902 : vector<16xi32>
      %get3A_904 = arith.constant 3616 : index
      %get3A_905 = tpu.vector_load %arg5[%get3A_904] {strides = array<i32>} : memref<8192xi32, #tpu.memory_space<vmem>>, vector<16xi32>,
      %get3A_906 = vector.shape_cast %get3A_905 : vector<16xi32> to vector<16xi32>
      %add3A_907 = arith.addi %add3A_903, %get3A_906 : vector<16xi32>
      %get3A_908 = arith.constant 3632 : index
      %get3A_909 = tpu.vector_load %arg5[%get3A_908] {strides = array<i32>} : memref<8192xi32, #tpu.memory_space<vmem>>, vector<16xi32>,
      %get3A_910 = vector.shape_cast %get3A_909 : vector<16xi32> to vector<16xi32>
      %add3A_911 = arith.addi %add3A_907, %get3A_910 : vector<16xi32>
      %get3A_912 = arith.constant 3648 : index
      %get3A_913 = tpu.vector_load %arg5[%get3A_912] {strides = array<i32>} : memref<8192xi32, #tpu.memory_space<vmem>>, vector<16xi32>,
      %get3A_914 = vector.shape_cast %get3A_913 : vector<16xi32> to vector<16xi32>
      %add3A_915 = arith.addi %add3A_911, %get3A_914 : vector<16xi32>
      %get3A_916 = arith.constant 3664 : index
      %get3A_917 = tpu.vector_load %arg5[%get3A_916] {strides = array<i32>} : memref<8192xi32, #tpu.memory_space<vmem>>, vector<16xi32>,
      %get3A_918 = vector.shape_cast %get3A_917 : vector<16xi32> to vector<16xi32>
      %add3A_919 = arith.addi %add3A_915, %get3A_918 : vector<16xi32>
      %get3A_920 = arith.constant 3680 : index
      %get3A_921 = tpu.vector_load %arg5[%get3A_920] {strides = array<i32>} : memref<8192xi32, #tpu.memory_space<vmem>>, vector<16xi32>,
      %get3A_922 = vector.shape_cast %get3A_921 : vector<16xi32> to vector<16xi32>
      %add3A_923 = arith.addi %add3A_919, %get3A_922 : vector<16xi32>
      %get3A_924 = arith.constant 3696 : index
      %get3A_925 = tpu.vector_load %arg5[%get3A_924] {strides = array<i32>} : memref<8192xi32, #tpu.memory_space<vmem>>, vector<16xi32>,
      %get3A_926 = vector.shape_cast %get3A_925 : vector<16xi32> to vector<16xi32>
      %add3A_927 = arith.addi %add3A_923, %get3A_926 : vector<16xi32>
      %get3A_928 = arith.constant 3712 : index
      %get3A_929 = tpu.vector_load %arg5[%get3A_928] {strides = array<i32>} : memref<8192xi32, #tpu.memory_space<vmem>>, vector<16xi32>,
      %get3A_930 = vector.shape_cast %get3A_929 : vector<16xi32> to vector<16xi32>
      %add3A_931 = arith.addi %add3A_927, %get3A_930 : vector<16xi32>
      %get3A_932 = arith.constant 3728 : index
      %get3A_933 = tpu.vector_load %arg5[%get3A_932] {strides = array<i32>} : memref<8192xi32, #tpu.memory_space<vmem>>, vector<16xi32>,
      %get3A_934 = vector.shape_cast %get3A_933 : vector<16xi32> to vector<16xi32>
      %add3A_935 = arith.addi %add3A_931, %get3A_934 : vector<16xi32>
      %get3A_936 = arith.constant 3744 : index
      %get3A_937 = tpu.vector_load %arg5[%get3A_936] {strides = array<i32>} : memref<8192xi32, #tpu.memory_space<vmem>>, vector<16xi32>,
      %get3A_938 = vector.shape_cast %get3A_937 : vector<16xi32> to vector<16xi32>
      %add3A_939 = arith.addi %add3A_935, %get3A_938 : vector<16xi32>
      %get3A_940 = arith.constant 3760 : index
      %get3A_941 = tpu.vector_load %arg5[%get3A_940] {strides = array<i32>} : memref<8192xi32, #tpu.memory_space<vmem>>, vector<16xi32>,
      %get3A_942 = vector.shape_cast %get3A_941 : vector<16xi32> to vector<16xi32>
      %add3A_943 = arith.addi %add3A_939, %get3A_942 : vector<16xi32>
      %get3A_944 = arith.constant 3776 : index
      %get3A_945 = tpu.vector_load %arg5[%get3A_944] {strides = array<i32>} : memref<8192xi32, #tpu.memory_space<vmem>>, vector<16xi32>,
      %get3A_946 = vector.shape_cast %get3A_945 : vector<16xi32> to vector<16xi32>
      %add3A_947 = arith.addi %add3A_943, %get3A_946 : vector<16xi32>
      %get3A_948 = arith.constant 3792 : index
      %get3A_949 = tpu.vector_load %arg5[%get3A_948] {strides = array<i32>} : memref<8192xi32, #tpu.memory_space<vmem>>, vector<16xi32>,
      %get3A_950 = vector.shape_cast %get3A_949 : vector<16xi32> to vector<16xi32>
      %add3A_951 = arith.addi %add3A_947, %get3A_950 : vector<16xi32>
      %get3A_952 = arith.constant 3808 : index
      %get3A_953 = tpu.vector_load %arg5[%get3A_952] {strides = array<i32>} : memref<8192xi32, #tpu.memory_space<vmem>>, vector<16xi32>,
      %get3A_954 = vector.shape_cast %get3A_953 : vector<16xi32> to vector<16xi32>
      %add3A_955 = arith.addi %add3A_951, %get3A_954 : vector<16xi32>
      %get3A_956 = arith.constant 3824 : index
      %get3A_957 = tpu.vector_load %arg5[%get3A_956] {strides = array<i32>} : memref<8192xi32, #tpu.memory_space<vmem>>, vector<16xi32>,
      %get3A_958 = vector.shape_cast %get3A_957 : vector<16xi32> to vector<16xi32>
      %add3A_959 = arith.addi %add3A_955, %get3A_958 : vector<16xi32>
      %get3A_960 = arith.constant 3840 : index
      %get3A_961 = tpu.vector_load %arg5[%get3A_960] {strides = array<i32>} : memref<8192xi32, #tpu.memory_space<vmem>>, vector<16xi32>,
      %get3A_962 = vector.shape_cast %get3A_961 : vector<16xi32> to vector<16xi32>
      %add3A_963 = arith.addi %add3A_959, %get3A_962 : vector<16xi32>
      %get3A_964 = arith.constant 3856 : index
      %get3A_965 = tpu.vector_load %arg5[%get3A_964] {strides = array<i32>} : memref<8192xi32, #tpu.memory_space<vmem>>, vector<16xi32>,
      %get3A_966 = vector.shape_cast %get3A_965 : vector<16xi32> to vector<16xi32>
      %add3A_967 = arith.addi %add3A_963, %get3A_966 : vector<16xi32>
      %get3A_968 = arith.constant 3872 : index
      %get3A_969 = tpu.vector_load %arg5[%get3A_968] {strides = array<i32>} : memref<8192xi32, #tpu.memory_space<vmem>>, vector<16xi32>,
      %get3A_970 = vector.shape_cast %get3A_969 : vector<16xi32> to vector<16xi32>
      %add3A_971 = arith.addi %add3A_967, %get3A_970 : vector<16xi32>
      %get3A_972 = arith.constant 3888 : index
      %get3A_973 = tpu.vector_load %arg5[%get3A_972] {strides = array<i32>} : memref<8192xi32, #tpu.memory_space<vmem>>, vector<16xi32>,
      %get3A_974 = vector.shape_cast %get3A_973 : vector<16xi32> to vector<16xi32>
      %add3A_975 = arith.addi %add3A_971, %get3A_974 : vector<16xi32>
      %get3A_976 = arith.constant 3904 : index
      %get3A_977 = tpu.vector_load %arg5[%get3A_976] {strides = array<i32>} : memref<8192xi32, #tpu.memory_space<vmem>>, vector<16xi32>,
      %get3A_978 = vector.shape_cast %get3A_977 : vector<16xi32> to vector<16xi32>
      %add3A_979 = arith.addi %add3A_975, %get3A_978 : vector<16xi32>
      %get3A_980 = arith.constant 3920 : index
      %get3A_981 = tpu.vector_load %arg5[%get3A_980] {strides = array<i32>} : memref<8192xi32, #tpu.memory_space<vmem>>, vector<16xi32>,
      %get3A_982 = vector.shape_cast %get3A_981 : vector<16xi32> to vector<16xi32>
      %add3A_983 = arith.addi %add3A_979, %get3A_982 : vector<16xi32>
      %get3A_984 = arith.constant 3936 : index
      %get3A_985 = tpu.vector_load %arg5[%get3A_984] {strides = array<i32>} : memref<8192xi32, #tpu.memory_space<vmem>>, vector<16xi32>,
      %get3A_986 = vector.shape_cast %get3A_985 : vector<16xi32> to vector<16xi32>
      %add3A_987 = arith.addi %add3A_983, %get3A_986 : vector<16xi32>
      %get3A_988 = arith.constant 3952 : index
      %get3A_989 = tpu.vector_load %arg5[%get3A_988] {strides = array<i32>} : memref<8192xi32, #tpu.memory_space<vmem>>, vector<16xi32>,
      %get3A_990 = vector.shape_cast %get3A_989 : vector<16xi32> to vector<16xi32>
      %add3A_991 = arith.addi %add3A_987, %get3A_990 : vector<16xi32>
      %get3A_992 = arith.constant 3968 : index
      %get3A_993 = tpu.vector_load %arg5[%get3A_992] {strides = array<i32>} : memref<8192xi32, #tpu.memory_space<vmem>>, vector<16xi32>,
      %get3A_994 = vector.shape_cast %get3A_993 : vector<16xi32> to vector<16xi32>
      %add3A_995 = arith.addi %add3A_991, %get3A_994 : vector<16xi32>
      %get3A_996 = arith.constant 3984 : index
      %get3A_997 = tpu.vector_load %arg5[%get3A_996] {strides = array<i32>} : memref<8192xi32, #tpu.memory_space<vmem>>, vector<16xi32>,
      %get3A_998 = vector.shape_cast %get3A_997 : vector<16xi32> to vector<16xi32>
      %add3A_999 = arith.addi %add3A_995, %get3A_998 : vector<16xi32>
      %get3A_1000 = arith.constant 4000 : index
      %get3A_1001 = tpu.vector_load %arg5[%get3A_1000] {strides = array<i32>} : memref<8192xi32, #tpu.memory_space<vmem>>, vector<16xi32>,
      %get3A_1002 = vector.shape_cast %get3A_1001 : vector<16xi32> to vector<16xi32>
      %add3A_1003 = arith.addi %add3A_999, %get3A_1002 : vector<16xi32>
      %get3A_1004 = arith.constant 4016 : index
      %get3A_1005 = tpu.vector_load %arg5[%get3A_1004] {strides = array<i32>} : memref<8192xi32, #tpu.memory_space<vmem>>, vector<16xi32>,
      %get3A_1006 = vector.shape_cast %get3A_1005 : vector<16xi32> to vector<16xi32>
      %add3A_1007 = arith.addi %add3A_1003, %get3A_1006 : vector<16xi32>
      %get3A_1008 = arith.constant 4032 : index
      %get3A_1009 = tpu.vector_load %arg5[%get3A_1008] {strides = array<i32>} : memref<8192xi32, #tpu.memory_space<vmem>>, vector<16xi32>,
      %get3A_1010 = vector.shape_cast %get3A_1009 : vector<16xi32> to vector<16xi32>
      %add3A_1011 = arith.addi %add3A_1007, %get3A_1010 : vector<16xi32>
      %get3A_1012 = arith.constant 4048 : index
      %get3A_1013 = tpu.vector_load %arg5[%get3A_1012] {strides = array<i32>} : memref<8192xi32, #tpu.memory_space<vmem>>, vector<16xi32>,
      %get3A_1014 = vector.shape_cast %get3A_1013 : vector<16xi32> to vector<16xi32>
      %add3A_1015 = arith.addi %add3A_1011, %get3A_1014 : vector<16xi32>
      %get3A_1016 = arith.constant 4064 : index
      %get3A_1017 = tpu.vector_load %arg5[%get3A_1016] {strides = array<i32>} : memref<8192xi32, #tpu.memory_space<vmem>>, vector<16xi32>,
      %get3A_1018 = vector.shape_cast %get3A_1017 : vector<16xi32> to vector<16xi32>
      %add3A_1019 = arith.addi %add3A_1015, %get3A_1018 : vector<16xi32>
      %get3A_1020 = arith.constant 4080 : index
      %get3A_1021 = tpu.vector_load %arg5[%get3A_1020] {strides = array<i32>} : memref<8192xi32, #tpu.memory_space<vmem>>, vector<16xi32>,
      %get3A_1022 = vector.shape_cast %get3A_1021 : vector<16xi32> to vector<16xi32>
      %add3A_1023 = arith.addi %add3A_1019, %get3A_1022 : vector<16xi32>
      %get3A_1024 = arith.constant 4096 : index
      %get3A_1025 = tpu.vector_load %arg5[%get3A_1024] {strides = array<i32>} : memref<8192xi32, #tpu.memory_space<vmem>>, vector<16xi32>,
      %get3A_1026 = vector.shape_cast %get3A_1025 : vector<16xi32> to vector<16xi32>
      %add3A_1027 = arith.addi %add3A_1023, %get3A_1026 : vector<16xi32>
      %get3A_1028 = arith.constant 4112 : index
      %get3A_1029 = tpu.vector_load %arg5[%get3A_1028] {strides = array<i32>} : memref<8192xi32, #tpu.memory_space<vmem>>, vector<16xi32>,
      %get3A_1030 = vector.shape_cast %get3A_1029 : vector<16xi32> to vector<16xi32>
      %add3A_1031 = arith.addi %add3A_1027, %get3A_1030 : vector<16xi32>
      %get3A_1032 = arith.constant 4128 : index
      %get3A_1033 = tpu.vector_load %arg5[%get3A_1032] {strides = array<i32>} : memref<8192xi32, #tpu.memory_space<vmem>>, vector<16xi32>,
      %get3A_1034 = vector.shape_cast %get3A_1033 : vector<16xi32> to vector<16xi32>
      %add3A_1035 = arith.addi %add3A_1031, %get3A_1034 : vector<16xi32>
      %get3A_1036 = arith.constant 4144 : index
      %get3A_1037 = tpu.vector_load %arg5[%get3A_1036] {strides = array<i32>} : memref<8192xi32, #tpu.memory_space<vmem>>, vector<16xi32>,
      %get3A_1038 = vector.shape_cast %get3A_1037 : vector<16xi32> to vector<16xi32>
      %add3A_1039 = arith.addi %add3A_1035, %get3A_1038 : vector<16xi32>
      %get3A_1040 = arith.constant 4160 : index
      %get3A_1041 = tpu.vector_load %arg5[%get3A_1040] {strides = array<i32>} : memref<8192xi32, #tpu.memory_space<vmem>>, vector<16xi32>,
      %get3A_1042 = vector.shape_cast %get3A_1041 : vector<16xi32> to vector<16xi32>
      %add3A_1043 = arith.addi %add3A_1039, %get3A_1042 : vector<16xi32>
      %get3A_1044 = arith.constant 4176 : index
      %get3A_1045 = tpu.vector_load %arg5[%get3A_1044] {strides = array<i32>} : memref<8192xi32, #tpu.memory_space<vmem>>, vector<16xi32>,
      %get3A_1046 = vector.shape_cast %get3A_1045 : vector<16xi32> to vector<16xi32>
      %add3A_1047 = arith.addi %add3A_1043, %get3A_1046 : vector<16xi32>
      %get3A_1048 = arith.constant 4192 : index
      %get3A_1049 = tpu.vector_load %arg5[%get3A_1048] {strides = array<i32>} : memref<8192xi32, #tpu.memory_space<vmem>>, vector<16xi32>,
      %get3A_1050 = vector.shape_cast %get3A_1049 : vector<16xi32> to vector<16xi32>
      %add3A_1051 = arith.addi %add3A_1047, %get3A_1050 : vector<16xi32>
      %get3A_1052 = arith.constant 4208 : index
      %get3A_1053 = tpu.vector_load %arg5[%get3A_1052] {strides = array<i32>} : memref<8192xi32, #tpu.memory_space<vmem>>, vector<16xi32>,
      %get3A_1054 = vector.shape_cast %get3A_1053 : vector<16xi32> to vector<16xi32>
      %add3A_1055 = arith.addi %add3A_1051, %get3A_1054 : vector<16xi32>
      %get3A_1056 = arith.constant 4224 : index
      %get3A_1057 = tpu.vector_load %arg5[%get3A_1056] {strides = array<i32>} : memref<8192xi32, #tpu.memory_space<vmem>>, vector<16xi32>,
      %get3A_1058 = vector.shape_cast %get3A_1057 : vector<16xi32> to vector<16xi32>
      %add3A_1059 = arith.addi %add3A_1055, %get3A_1058 : vector<16xi32>
      %get3A_1060 = arith.constant 4240 : index
      %get3A_1061 = tpu.vector_load %arg5[%get3A_1060] {strides = array<i32>} : memref<8192xi32, #tpu.memory_space<vmem>>, vector<16xi32>,
      %get3A_1062 = vector.shape_cast %get3A_1061 : vector<16xi32> to vector<16xi32>
      %add3A_1063 = arith.addi %add3A_1059, %get3A_1062 : vector<16xi32>
      %get3A_1064 = arith.constant 4256 : index
      %get3A_1065 = tpu.vector_load %arg5[%get3A_1064] {strides = array<i32>} : memref<8192xi32, #tpu.memory_space<vmem>>, vector<16xi32>,
      %get3A_1066 = vector.shape_cast %get3A_1065 : vector<16xi32> to vector<16xi32>
      %add3A_1067 = arith.addi %add3A_1063, %get3A_1066 : vector<16xi32>
      %get3A_1068 = arith.constant 4272 : index
      %get3A_1069 = tpu.vector_load %arg5[%get3A_1068] {strides = array<i32>} : memref<8192xi32, #tpu.memory_space<vmem>>, vector<16xi32>,
      %get3A_1070 = vector.shape_cast %get3A_1069 : vector<16xi32> to vector<16xi32>
      %add3A_1071 = arith.addi %add3A_1067, %get3A_1070 : vector<16xi32>
      %get3A_1072 = arith.constant 4288 : index
      %get3A_1073 = tpu.vector_load %arg5[%get3A_1072] {strides = array<i32>} : memref<8192xi32, #tpu.memory_space<vmem>>, vector<16xi32>,
      %get3A_1074 = vector.shape_cast %get3A_1073 : vector<16xi32> to vector<16xi32>
      %add3A_1075 = arith.addi %add3A_1071, %get3A_1074 : vector<16xi32>
      %get3A_1076 = arith.constant 4304 : index
      %get3A_1077 = tpu.vector_load %arg5[%get3A_1076] {strides = array<i32>} : memref<8192xi32, #tpu.memory_space<vmem>>, vector<16xi32>,
      %get3A_1078 = vector.shape_cast %get3A_1077 : vector<16xi32> to vector<16xi32>
      %add3A_1079 = arith.addi %add3A_1075, %get3A_1078 : vector<16xi32>
      %get3A_1080 = arith.constant 4320 : index
      %get3A_1081 = tpu.vector_load %arg5[%get3A_1080] {strides = array<i32>} : memref<8192xi32, #tpu.memory_space<vmem>>, vector<16xi32>,
      %get3A_1082 = vector.shape_cast %get3A_1081 : vector<16xi32> to vector<16xi32>
      %add3A_1083 = arith.addi %add3A_1079, %get3A_1082 : vector<16xi32>
      %get3A_1084 = arith.constant 4336 : index
      %get3A_1085 = tpu.vector_load %arg5[%get3A_1084] {strides = array<i32>} : memref<8192xi32, #tpu.memory_space<vmem>>, vector<16xi32>,
      %get3A_1086 = vector.shape_cast %get3A_1085 : vector<16xi32> to vector<16xi32>
      %add3A_1087 = arith.addi %add3A_1083, %get3A_1086 : vector<16xi32>
      %get3A_1088 = arith.constant 4352 : index
      %get3A_1089 = tpu.vector_load %arg5[%get3A_1088] {strides = array<i32>} : memref<8192xi32, #tpu.memory_space<vmem>>, vector<16xi32>,
      %get3A_1090 = vector.shape_cast %get3A_1089 : vector<16xi32> to vector<16xi32>
      %add3A_1091 = arith.addi %add3A_1087, %get3A_1090 : vector<16xi32>
      %get3A_1092 = arith.constant 4368 : index
      %get3A_1093 = tpu.vector_load %arg5[%get3A_1092] {strides = array<i32>} : memref<8192xi32, #tpu.memory_space<vmem>>, vector<16xi32>,
      %get3A_1094 = vector.shape_cast %get3A_1093 : vector<16xi32> to vector<16xi32>
      %add3A_1095 = arith.addi %add3A_1091, %get3A_1094 : vector<16xi32>
      %get3A_1096 = arith.constant 4384 : index
      %get3A_1097 = tpu.vector_load %arg5[%get3A_1096] {strides = array<i32>} : memref<8192xi32, #tpu.memory_space<vmem>>, vector<16xi32>,
      %get3A_1098 = vector.shape_cast %get3A_1097 : vector<16xi32> to vector<16xi32>
      %add3A_1099 = arith.addi %add3A_1095, %get3A_1098 : vector<16xi32>
      %get3A_1100 = arith.constant 4400 : index
      %get3A_1101 = tpu.vector_load %arg5[%get3A_1100] {strides = array<i32>} : memref<8192xi32, #tpu.memory_space<vmem>>, vector<16xi32>,
      %get3A_1102 = vector.shape_cast %get3A_1101 : vector<16xi32> to vector<16xi32>
      %add3A_1103 = arith.addi %add3A_1099, %get3A_1102 : vector<16xi32>
      %get3A_1104 = arith.constant 4416 : index
      %get3A_1105 = tpu.vector_load %arg5[%get3A_1104] {strides = array<i32>} : memref<8192xi32, #tpu.memory_space<vmem>>, vector<16xi32>,
      %get3A_1106 = vector.shape_cast %get3A_1105 : vector<16xi32> to vector<16xi32>
      %add3A_1107 = arith.addi %add3A_1103, %get3A_1106 : vector<16xi32>
      %get3A_1108 = arith.constant 4432 : index
      %get3A_1109 = tpu.vector_load %arg5[%get3A_1108] {strides = array<i32>} : memref<8192xi32, #tpu.memory_space<vmem>>, vector<16xi32>,
      %get3A_1110 = vector.shape_cast %get3A_1109 : vector<16xi32> to vector<16xi32>
      %add3A_1111 = arith.addi %add3A_1107, %get3A_1110 : vector<16xi32>
      %get3A_1112 = arith.constant 4448 : index
      %get3A_1113 = tpu.vector_load %arg5[%get3A_1112] {strides = array<i32>} : memref<8192xi32, #tpu.memory_space<vmem>>, vector<16xi32>,
      %get3A_1114 = vector.shape_cast %get3A_1113 : vector<16xi32> to vector<16xi32>
      %add3A_1115 = arith.addi %add3A_1111, %get3A_1114 : vector<16xi32>
      %get3A_1116 = arith.constant 4464 : index
      %get3A_1117 = tpu.vector_load %arg5[%get3A_1116] {strides = array<i32>} : memref<8192xi32, #tpu.memory_space<vmem>>, vector<16xi32>,
      %get3A_1118 = vector.shape_cast %get3A_1117 : vector<16xi32> to vector<16xi32>
      %add3A_1119 = arith.addi %add3A_1115, %get3A_1118 : vector<16xi32>
      %get3A_1120 = arith.constant 4480 : index
      %get3A_1121 = tpu.vector_load %arg5[%get3A_1120] {strides = array<i32>} : memref<8192xi32, #tpu.memory_space<vmem>>, vector<16xi32>,
      %get3A_1122 = vector.shape_cast %get3A_1121 : vector<16xi32> to vector<16xi32>
      %add3A_1123 = arith.addi %add3A_1119, %get3A_1122 : vector<16xi32>
      %get3A_1124 = arith.constant 4496 : index
      %get3A_1125 = tpu.vector_load %arg5[%get3A_1124] {strides = array<i32>} : memref<8192xi32, #tpu.memory_space<vmem>>, vector<16xi32>,
      %get3A_1126 = vector.shape_cast %get3A_1125 : vector<16xi32> to vector<16xi32>
      %add3A_1127 = arith.addi %add3A_1123, %get3A_1126 : vector<16xi32>
      %get3A_1128 = arith.constant 4512 : index
      %get3A_1129 = tpu.vector_load %arg5[%get3A_1128] {strides = array<i32>} : memref<8192xi32, #tpu.memory_space<vmem>>, vector<16xi32>,
      %get3A_1130 = vector.shape_cast %get3A_1129 : vector<16xi32> to vector<16xi32>
      %add3A_1131 = arith.addi %add3A_1127, %get3A_1130 : vector<16xi32>
      %get3A_1132 = arith.constant 4528 : index
      %get3A_1133 = tpu.vector_load %arg5[%get3A_1132] {strides = array<i32>} : memref<8192xi32, #tpu.memory_space<vmem>>, vector<16xi32>,
      %get3A_1134 = vector.shape_cast %get3A_1133 : vector<16xi32> to vector<16xi32>
      %add3A_1135 = arith.addi %add3A_1131, %get3A_1134 : vector<16xi32>
      %get3A_1136 = arith.constant 4544 : index
      %get3A_1137 = tpu.vector_load %arg5[%get3A_1136] {strides = array<i32>} : memref<8192xi32, #tpu.memory_space<vmem>>, vector<16xi32>,
      %get3A_1138 = vector.shape_cast %get3A_1137 : vector<16xi32> to vector<16xi32>
      %add3A_1139 = arith.addi %add3A_1135, %get3A_1138 : vector<16xi32>
      %get3A_1140 = arith.constant 4560 : index
      %get3A_1141 = tpu.vector_load %arg5[%get3A_1140] {strides = array<i32>} : memref<8192xi32, #tpu.memory_space<vmem>>, vector<16xi32>,
      %get3A_1142 = vector.shape_cast %get3A_1141 : vector<16xi32> to vector<16xi32>
      %add3A_1143 = arith.addi %add3A_1139, %get3A_1142 : vector<16xi32>
      %get3A_1144 = arith.constant 4576 : index
      %get3A_1145 = tpu.vector_load %arg5[%get3A_1144] {strides = array<i32>} : memref<8192xi32, #tpu.memory_space<vmem>>, vector<16xi32>,
      %get3A_1146 = vector.shape_cast %get3A_1145 : vector<16xi32> to vector<16xi32>
      %add3A_1147 = arith.addi %add3A_1143, %get3A_1146 : vector<16xi32>
      %get3A_1148 = arith.constant 4592 : index
      %get3A_1149 = tpu.vector_load %arg5[%get3A_1148] {strides = array<i32>} : memref<8192xi32, #tpu.memory_space<vmem>>, vector<16xi32>,
      %get3A_1150 = vector.shape_cast %get3A_1149 : vector<16xi32> to vector<16xi32>
      %add3A_1151 = arith.addi %add3A_1147, %get3A_1150 : vector<16xi32>
      %get3A_1152 = arith.constant 4608 : index
      %get3A_1153 = tpu.vector_load %arg5[%get3A_1152] {strides = array<i32>} : memref<8192xi32, #tpu.memory_space<vmem>>, vector<16xi32>,
      %get3A_1154 = vector.shape_cast %get3A_1153 : vector<16xi32> to vector<16xi32>
      %add3A_1155 = arith.addi %add3A_1151, %get3A_1154 : vector<16xi32>
      %get3A_1156 = arith.constant 4624 : index
      %get3A_1157 = tpu.vector_load %arg5[%get3A_1156] {strides = array<i32>} : memref<8192xi32, #tpu.memory_space<vmem>>, vector<16xi32>,
      %get3A_1158 = vector.shape_cast %get3A_1157 : vector<16xi32> to vector<16xi32>
      %add3A_1159 = arith.addi %add3A_1155, %get3A_1158 : vector<16xi32>
      %get3A_1160 = arith.constant 4640 : index
      %get3A_1161 = tpu.vector_load %arg5[%get3A_1160] {strides = array<i32>} : memref<8192xi32, #tpu.memory_space<vmem>>, vector<16xi32>,
      %get3A_1162 = vector.shape_cast %get3A_1161 : vector<16xi32> to vector<16xi32>
      %add3A_1163 = arith.addi %add3A_1159, %get3A_1162 : vector<16xi32>
      %get3A_1164 = arith.constant 4656 : index
      %get3A_1165 = tpu.vector_load %arg5[%get3A_1164] {strides = array<i32>} : memref<8192xi32, #tpu.memory_space<vmem>>, vector<16xi32>,
      %get3A_1166 = vector.shape_cast %get3A_1165 : vector<16xi32> to vector<16xi32>
      %add3A_1167 = arith.addi %add3A_1163, %get3A_1166 : vector<16xi32>
      %get3A_1168 = arith.constant 4672 : index
      %get3A_1169 = tpu.vector_load %arg5[%get3A_1168] {strides = array<i32>} : memref<8192xi32, #tpu.memory_space<vmem>>, vector<16xi32>,
      %get3A_1170 = vector.shape_cast %get3A_1169 : vector<16xi32> to vector<16xi32>
      %add3A_1171 = arith.addi %add3A_1167, %get3A_1170 : vector<16xi32>
      %get3A_1172 = arith.constant 4688 : index
      %get3A_1173 = tpu.vector_load %arg5[%get3A_1172] {strides = array<i32>} : memref<8192xi32, #tpu.memory_space<vmem>>, vector<16xi32>,
      %get3A_1174 = vector.shape_cast %get3A_1173 : vector<16xi32> to vector<16xi32>
      %add3A_1175 = arith.addi %add3A_1171, %get3A_1174 : vector<16xi32>
      %get3A_1176 = arith.constant 4704 : index
      %get3A_1177 = tpu.vector_load %arg5[%get3A_1176] {strides = array<i32>} : memref<8192xi32, #tpu.memory_space<vmem>>, vector<16xi32>,
      %get3A_1178 = vector.shape_cast %get3A_1177 : vector<16xi32> to vector<16xi32>
      %add3A_1179 = arith.addi %add3A_1175, %get3A_1178 : vector<16xi32>
      %get3A_1180 = arith.constant 4720 : index
      %get3A_1181 = tpu.vector_load %arg5[%get3A_1180] {strides = array<i32>} : memref<8192xi32, #tpu.memory_space<vmem>>, vector<16xi32>,
      %get3A_1182 = vector.shape_cast %get3A_1181 : vector<16xi32> to vector<16xi32>
      %add3A_1183 = arith.addi %add3A_1179, %get3A_1182 : vector<16xi32>
      %get3A_1184 = arith.constant 4736 : index
      %get3A_1185 = tpu.vector_load %arg5[%get3A_1184] {strides = array<i32>} : memref<8192xi32, #tpu.memory_space<vmem>>, vector<16xi32>,
      %get3A_1186 = vector.shape_cast %get3A_1185 : vector<16xi32> to vector<16xi32>
      %add3A_1187 = arith.addi %add3A_1183, %get3A_1186 : vector<16xi32>
      %get3A_1188 = arith.constant 4752 : index
      %get3A_1189 = tpu.vector_load %arg5[%get3A_1188] {strides = array<i32>} : memref<8192xi32, #tpu.memory_space<vmem>>, vector<16xi32>,
      %get3A_1190 = vector.shape_cast %get3A_1189 : vector<16xi32> to vector<16xi32>
      %add3A_1191 = arith.addi %add3A_1187, %get3A_1190 : vector<16xi32>
      %get3A_1192 = arith.constant 4768 : index
      %get3A_1193 = tpu.vector_load %arg5[%get3A_1192] {strides = array<i32>} : memref<8192xi32, #tpu.memory_space<vmem>>, vector<16xi32>,
      %get3A_1194 = vector.shape_cast %get3A_1193 : vector<16xi32> to vector<16xi32>
      %add3A_1195 = arith.addi %add3A_1191, %get3A_1194 : vector<16xi32>
      %get3A_1196 = arith.constant 4784 : index
      %get3A_1197 = tpu.vector_load %arg5[%get3A_1196] {strides = array<i32>} : memref<8192xi32, #tpu.memory_space<vmem>>, vector<16xi32>,
      %get3A_1198 = vector.shape_cast %get3A_1197 : vector<16xi32> to vector<16xi32>
      %add3A_1199 = arith.addi %add3A_1195, %get3A_1198 : vector<16xi32>
      %get3A_1200 = arith.constant 4800 : index
      %get3A_1201 = tpu.vector_load %arg5[%get3A_1200] {strides = array<i32>} : memref<8192xi32, #tpu.memory_space<vmem>>, vector<16xi32>,
      %get3A_1202 = vector.shape_cast %get3A_1201 : vector<16xi32> to vector<16xi32>
      %add3A_1203 = arith.addi %add3A_1199, %get3A_1202 : vector<16xi32>
      %get3A_1204 = arith.constant 4816 : index
      %get3A_1205 = tpu.vector_load %arg5[%get3A_1204] {strides = array<i32>} : memref<8192xi32, #tpu.memory_space<vmem>>, vector<16xi32>,
      %get3A_1206 = vector.shape_cast %get3A_1205 : vector<16xi32> to vector<16xi32>
      %add3A_1207 = arith.addi %add3A_1203, %get3A_1206 : vector<16xi32>
      %get3A_1208 = arith.constant 4832 : index
      %get3A_1209 = tpu.vector_load %arg5[%get3A_1208] {strides = array<i32>} : memref<8192xi32, #tpu.memory_space<vmem>>, vector<16xi32>,
      %get3A_1210 = vector.shape_cast %get3A_1209 : vector<16xi32> to vector<16xi32>
      %add3A_1211 = arith.addi %add3A_1207, %get3A_1210 : vector<16xi32>
      %get3A_1212 = arith.constant 4848 : index
      %get3A_1213 = tpu.vector_load %arg5[%get3A_1212] {strides = array<i32>} : memref<8192xi32, #tpu.memory_space<vmem>>, vector<16xi32>,
      %get3A_1214 = vector.shape_cast %get3A_1213 : vector<16xi32> to vector<16xi32>
      %add3A_1215 = arith.addi %add3A_1211, %get3A_1214 : vector<16xi32>
      %get3A_1216 = arith.constant 4864 : index
      %get3A_1217 = tpu.vector_load %arg5[%get3A_1216] {strides = array<i32>} : memref<8192xi32, #tpu.memory_space<vmem>>, vector<16xi32>,
      %get3A_1218 = vector.shape_cast %get3A_1217 : vector<16xi32> to vector<16xi32>
      %add3A_1219 = arith.addi %add3A_1215, %get3A_1218 : vector<16xi32>
      %get3A_1220 = arith.constant 4880 : index
      %get3A_1221 = tpu.vector_load %arg5[%get3A_1220] {strides = array<i32>} : memref<8192xi32, #tpu.memory_space<vmem>>, vector<16xi32>,
      %get3A_1222 = vector.shape_cast %get3A_1221 : vector<16xi32> to vector<16xi32>
      %add3A_1223 = arith.addi %add3A_1219, %get3A_1222 : vector<16xi32>
      %get3A_1224 = arith.constant 4896 : index
      %get3A_1225 = tpu.vector_load %arg5[%get3A_1224] {strides = array<i32>} : memref<8192xi32, #tpu.memory_space<vmem>>, vector<16xi32>,
      %get3A_1226 = vector.shape_cast %get3A_1225 : vector<16xi32> to vector<16xi32>
      %add3A_1227 = arith.addi %add3A_1223, %get3A_1226 : vector<16xi32>
      %get3A_1228 = arith.constant 4912 : index
      %get3A_1229 = tpu.vector_load %arg5[%get3A_1228] {strides = array<i32>} : memref<8192xi32, #tpu.memory_space<vmem>>, vector<16xi32>,
      %get3A_1230 = vector.shape_cast %get3A_1229 : vector<16xi32> to vector<16xi32>
      %add3A_1231 = arith.addi %add3A_1227, %get3A_1230 : vector<16xi32>
      %get3A_1232 = arith.constant 4928 : index
      %get3A_1233 = tpu.vector_load %arg5[%get3A_1232] {strides = array<i32>} : memref<8192xi32, #tpu.memory_space<vmem>>, vector<16xi32>,
      %get3A_1234 = vector.shape_cast %get3A_1233 : vector<16xi32> to vector<16xi32>
      %add3A_1235 = arith.addi %add3A_1231, %get3A_1234 : vector<16xi32>
      %get3A_1236 = arith.constant 4944 : index
      %get3A_1237 = tpu.vector_load %arg5[%get3A_1236] {strides = array<i32>} : memref<8192xi32, #tpu.memory_space<vmem>>, vector<16xi32>,
      %get3A_1238 = vector.shape_cast %get3A_1237 : vector<16xi32> to vector<16xi32>
      %add3A_1239 = arith.addi %add3A_1235, %get3A_1238 : vector<16xi32>
      %get3A_1240 = arith.constant 4960 : index
      %get3A_1241 = tpu.vector_load %arg5[%get3A_1240] {strides = array<i32>} : memref<8192xi32, #tpu.memory_space<vmem>>, vector<16xi32>,
      %get3A_1242 = vector.shape_cast %get3A_1241 : vector<16xi32> to vector<16xi32>
      %add3A_1243 = arith.addi %add3A_1239, %get3A_1242 : vector<16xi32>
      %get3A_1244 = arith.constant 4976 : index
      %get3A_1245 = tpu.vector_load %arg5[%get3A_1244] {strides = array<i32>} : memref<8192xi32, #tpu.memory_space<vmem>>, vector<16xi32>,
      %get3A_1246 = vector.shape_cast %get3A_1245 : vector<16xi32> to vector<16xi32>
      %add3A_1247 = arith.addi %add3A_1243, %get3A_1246 : vector<16xi32>
      %get3A_1248 = arith.constant 4992 : index
      %get3A_1249 = tpu.vector_load %arg5[%get3A_1248] {strides = array<i32>} : memref<8192xi32, #tpu.memory_space<vmem>>, vector<16xi32>,
      %get3A_1250 = vector.shape_cast %get3A_1249 : vector<16xi32> to vector<16xi32>
      %add3A_1251 = arith.addi %add3A_1247, %get3A_1250 : vector<16xi32>
      %get3A_1252 = arith.constant 5008 : index
      %get3A_1253 = tpu.vector_load %arg5[%get3A_1252] {strides = array<i32>} : memref<8192xi32, #tpu.memory_space<vmem>>, vector<16xi32>,
      %get3A_1254 = vector.shape_cast %get3A_1253 : vector<16xi32> to vector<16xi32>
      %add3A_1255 = arith.addi %add3A_1251, %get3A_1254 : vector<16xi32>
      %get3A_1256 = arith.constant 5024 : index
      %get3A_1257 = tpu.vector_load %arg5[%get3A_1256] {strides = array<i32>} : memref<8192xi32, #tpu.memory_space<vmem>>, vector<16xi32>,
      %get3A_1258 = vector.shape_cast %get3A_1257 : vector<16xi32> to vector<16xi32>
      %add3A_1259 = arith.addi %add3A_1255, %get3A_1258 : vector<16xi32>
      %get3A_1260 = arith.constant 5040 : index
      %get3A_1261 = tpu.vector_load %arg5[%get3A_1260] {strides = array<i32>} : memref<8192xi32, #tpu.memory_space<vmem>>, vector<16xi32>,
      %get3A_1262 = vector.shape_cast %get3A_1261 : vector<16xi32> to vector<16xi32>
      %add3A_1263 = arith.addi %add3A_1259, %get3A_1262 : vector<16xi32>
      %get3A_1264 = arith.constant 5056 : index
      %get3A_1265 = tpu.vector_load %arg5[%get3A_1264] {strides = array<i32>} : memref<8192xi32, #tpu.memory_space<vmem>>, vector<16xi32>,
      %get3A_1266 = vector.shape_cast %get3A_1265 : vector<16xi32> to vector<16xi32>
      %add3A_1267 = arith.addi %add3A_1263, %get3A_1266 : vector<16xi32>
      %get3A_1268 = arith.constant 5072 : index
      %get3A_1269 = tpu.vector_load %arg5[%get3A_1268] {strides = array<i32>} : memref<8192xi32, #tpu.memory_space<vmem>>, vector<16xi32>,
      %get3A_1270 = vector.shape_cast %get3A_1269 : vector<16xi32> to vector<16xi32>
      %add3A_1271 = arith.addi %add3A_1267, %get3A_1270 : vector<16xi32>
      %get3A_1272 = arith.constant 5088 : index
      %get3A_1273 = tpu.vector_load %arg5[%get3A_1272] {strides = array<i32>} : memref<8192xi32, #tpu.memory_space<vmem>>, vector<16xi32>,
      %get3A_1274 = vector.shape_cast %get3A_1273 : vector<16xi32> to vector<16xi32>
      %add3A_1275 = arith.addi %add3A_1271, %get3A_1274 : vector<16xi32>
      %get3A_1276 = arith.constant 5104 : index
      %get3A_1277 = tpu.vector_load %arg5[%get3A_1276] {strides = array<i32>} : memref<8192xi32, #tpu.memory_space<vmem>>, vector<16xi32>,
      %get3A_1278 = vector.shape_cast %get3A_1277 : vector<16xi32> to vector<16xi32>
      %add3A_1279 = arith.addi %add3A_1275, %get3A_1278 : vector<16xi32>
      %get3A_1280 = arith.constant 5120 : index
      %get3A_1281 = tpu.vector_load %arg5[%get3A_1280] {strides = array<i32>} : memref<8192xi32, #tpu.memory_space<vmem>>, vector<16xi32>,
      %get3A_1282 = vector.shape_cast %get3A_1281 : vector<16xi32> to vector<16xi32>
      %add3A_1283 = arith.addi %add3A_1279, %get3A_1282 : vector<16xi32>
      %get3A_1284 = arith.constant 5136 : index
      %get3A_1285 = tpu.vector_load %arg5[%get3A_1284] {strides = array<i32>} : memref<8192xi32, #tpu.memory_space<vmem>>, vector<16xi32>,
      %get3A_1286 = vector.shape_cast %get3A_1285 : vector<16xi32> to vector<16xi32>
      %add3A_1287 = arith.addi %add3A_1283, %get3A_1286 : vector<16xi32>
      %get3A_1288 = arith.constant 5152 : index
      %get3A_1289 = tpu.vector_load %arg5[%get3A_1288] {strides = array<i32>} : memref<8192xi32, #tpu.memory_space<vmem>>, vector<16xi32>,
      %get3A_1290 = vector.shape_cast %get3A_1289 : vector<16xi32> to vector<16xi32>
      %add3A_1291 = arith.addi %add3A_1287, %get3A_1290 : vector<16xi32>
      %get3A_1292 = arith.constant 5168 : index
      %get3A_1293 = tpu.vector_load %arg5[%get3A_1292] {strides = array<i32>} : memref<8192xi32, #tpu.memory_space<vmem>>, vector<16xi32>,
      %get3A_1294 = vector.shape_cast %get3A_1293 : vector<16xi32> to vector<16xi32>
      %add3A_1295 = arith.addi %add3A_1291, %get3A_1294 : vector<16xi32>
      %get3A_1296 = arith.constant 5184 : index
      %get3A_1297 = tpu.vector_load %arg5[%get3A_1296] {strides = array<i32>} : memref<8192xi32, #tpu.memory_space<vmem>>, vector<16xi32>,
      %get3A_1298 = vector.shape_cast %get3A_1297 : vector<16xi32> to vector<16xi32>
      %add3A_1299 = arith.addi %add3A_1295, %get3A_1298 : vector<16xi32>
      %get3A_1300 = arith.constant 5200 : index
      %get3A_1301 = tpu.vector_load %arg5[%get3A_1300] {strides = array<i32>} : memref<8192xi32, #tpu.memory_space<vmem>>, vector<16xi32>,
      %get3A_1302 = vector.shape_cast %get3A_1301 : vector<16xi32> to vector<16xi32>
      %add3A_1303 = arith.addi %add3A_1299, %get3A_1302 : vector<16xi32>
      %get3A_1304 = arith.constant 5216 : index
      %get3A_1305 = tpu.vector_load %arg5[%get3A_1304] {strides = array<i32>} : memref<8192xi32, #tpu.memory_space<vmem>>, vector<16xi32>,
      %get3A_1306 = vector.shape_cast %get3A_1305 : vector<16xi32> to vector<16xi32>
      %add3A_1307 = arith.addi %add3A_1303, %get3A_1306 : vector<16xi32>
      %get3A_1308 = arith.constant 5232 : index
      %get3A_1309 = tpu.vector_load %arg5[%get3A_1308] {strides = array<i32>} : memref<8192xi32, #tpu.memory_space<vmem>>, vector<16xi32>,
      %get3A_1310 = vector.shape_cast %get3A_1309 : vector<16xi32> to vector<16xi32>
      %add3A_1311 = arith.addi %add3A_1307, %get3A_1310 : vector<16xi32>
      %get3A_1312 = arith.constant 5248 : index
      %get3A_1313 = tpu.vector_load %arg5[%get3A_1312] {strides = array<i32>} : memref<8192xi32, #tpu.memory_space<vmem>>, vector<16xi32>,
      %get3A_1314 = vector.shape_cast %get3A_1313 : vector<16xi32> to vector<16xi32>
      %add3A_1315 = arith.addi %add3A_1311, %get3A_1314 : vector<16xi32>
      %get3A_1316 = arith.constant 5264 : index
      %get3A_1317 = tpu.vector_load %arg5[%get3A_1316] {strides = array<i32>} : memref<8192xi32, #tpu.memory_space<vmem>>, vector<16xi32>,
      %get3A_1318 = vector.shape_cast %get3A_1317 : vector<16xi32> to vector<16xi32>
      %add3A_1319 = arith.addi %add3A_1315, %get3A_1318 : vector<16xi32>
      %get3A_1320 = arith.constant 5280 : index
      %get3A_1321 = tpu.vector_load %arg5[%get3A_1320] {strides = array<i32>} : memref<8192xi32, #tpu.memory_space<vmem>>, vector<16xi32>,
      %get3A_1322 = vector.shape_cast %get3A_1321 : vector<16xi32> to vector<16xi32>
      %add3A_1323 = arith.addi %add3A_1319, %get3A_1322 : vector<16xi32>
      %get3A_1324 = arith.constant 5296 : index
      %get3A_1325 = tpu.vector_load %arg5[%get3A_1324] {strides = array<i32>} : memref<8192xi32, #tpu.memory_space<vmem>>, vector<16xi32>,
      %get3A_1326 = vector.shape_cast %get3A_1325 : vector<16xi32> to vector<16xi32>
      %add3A_1327 = arith.addi %add3A_1323, %get3A_1326 : vector<16xi32>
      %get3A_1328 = arith.constant 5312 : index
      %get3A_1329 = tpu.vector_load %arg5[%get3A_1328] {strides = array<i32>} : memref<8192xi32, #tpu.memory_space<vmem>>, vector<16xi32>,
      %get3A_1330 = vector.shape_cast %get3A_1329 : vector<16xi32> to vector<16xi32>
      %add3A_1331 = arith.addi %add3A_1327, %get3A_1330 : vector<16xi32>
      %get3A_1332 = arith.constant 5328 : index
      %get3A_1333 = tpu.vector_load %arg5[%get3A_1332] {strides = array<i32>} : memref<8192xi32, #tpu.memory_space<vmem>>, vector<16xi32>,
      %get3A_1334 = vector.shape_cast %get3A_1333 : vector<16xi32> to vector<16xi32>
      %add3A_1335 = arith.addi %add3A_1331, %get3A_1334 : vector<16xi32>
      %get3A_1336 = arith.constant 5344 : index
      %get3A_1337 = tpu.vector_load %arg5[%get3A_1336] {strides = array<i32>} : memref<8192xi32, #tpu.memory_space<vmem>>, vector<16xi32>,
      %get3A_1338 = vector.shape_cast %get3A_1337 : vector<16xi32> to vector<16xi32>
      %add3A_1339 = arith.addi %add3A_1335, %get3A_1338 : vector<16xi32>
      %get3A_1340 = arith.constant 5360 : index
      %get3A_1341 = tpu.vector_load %arg5[%get3A_1340] {strides = array<i32>} : memref<8192xi32, #tpu.memory_space<vmem>>, vector<16xi32>,
      %get3A_1342 = vector.shape_cast %get3A_1341 : vector<16xi32> to vector<16xi32>
      %add3A_1343 = arith.addi %add3A_1339, %get3A_1342 : vector<16xi32>
      %get3A_1344 = arith.constant 5376 : index
      %get3A_1345 = tpu.vector_load %arg5[%get3A_1344] {strides = array<i32>} : memref<8192xi32, #tpu.memory_space<vmem>>, vector<16xi32>,
      %get3A_1346 = vector.shape_cast %get3A_1345 : vector<16xi32> to vector<16xi32>
      %add3A_1347 = arith.addi %add3A_1343, %get3A_1346 : vector<16xi32>
      %get3A_1348 = arith.constant 5392 : index
      %get3A_1349 = tpu.vector_load %arg5[%get3A_1348] {strides = array<i32>} : memref<8192xi32, #tpu.memory_space<vmem>>, vector<16xi32>,
      %get3A_1350 = vector.shape_cast %get3A_1349 : vector<16xi32> to vector<16xi32>
      %add3A_1351 = arith.addi %add3A_1347, %get3A_1350 : vector<16xi32>
      %get3A_1352 = arith.constant 5408 : index
      %get3A_1353 = tpu.vector_load %arg5[%get3A_1352] {strides = array<i32>} : memref<8192xi32, #tpu.memory_space<vmem>>, vector<16xi32>,
      %get3A_1354 = vector.shape_cast %get3A_1353 : vector<16xi32> to vector<16xi32>
      %add3A_1355 = arith.addi %add3A_1351, %get3A_1354 : vector<16xi32>
      %get3A_1356 = arith.constant 5424 : index
      %get3A_1357 = tpu.vector_load %arg5[%get3A_1356] {strides = array<i32>} : memref<8192xi32, #tpu.memory_space<vmem>>, vector<16xi32>,
      %get3A_1358 = vector.shape_cast %get3A_1357 : vector<16xi32> to vector<16xi32>
      %add3A_1359 = arith.addi %add3A_1355, %get3A_1358 : vector<16xi32>
      %get3A_1360 = arith.constant 5440 : index
      %get3A_1361 = tpu.vector_load %arg5[%get3A_1360] {strides = array<i32>} : memref<8192xi32, #tpu.memory_space<vmem>>, vector<16xi32>,
      %get3A_1362 = vector.shape_cast %get3A_1361 : vector<16xi32> to vector<16xi32>
      %add3A_1363 = arith.addi %add3A_1359, %get3A_1362 : vector<16xi32>
      %get3A_1364 = arith.constant 5456 : index
      %get3A_1365 = tpu.vector_load %arg5[%get3A_1364] {strides = array<i32>} : memref<8192xi32, #tpu.memory_space<vmem>>, vector<16xi32>,
      %get3A_1366 = vector.shape_cast %get3A_1365 : vector<16xi32> to vector<16xi32>
      %add3A_1367 = arith.addi %add3A_1363, %get3A_1366 : vector<16xi32>
      %get3A_1368 = arith.constant 5472 : index
      %get3A_1369 = tpu.vector_load %arg5[%get3A_1368] {strides = array<i32>} : memref<8192xi32, #tpu.memory_space<vmem>>, vector<16xi32>,
      %get3A_1370 = vector.shape_cast %get3A_1369 : vector<16xi32> to vector<16xi32>
      %add3A_1371 = arith.addi %add3A_1367, %get3A_1370 : vector<16xi32>
      %get3A_1372 = arith.constant 5488 : index
      %get3A_1373 = tpu.vector_load %arg5[%get3A_1372] {strides = array<i32>} : memref<8192xi32, #tpu.memory_space<vmem>>, vector<16xi32>,
      %get3A_1374 = vector.shape_cast %get3A_1373 : vector<16xi32> to vector<16xi32>
      %add3A_1375 = arith.addi %add3A_1371, %get3A_1374 : vector<16xi32>
      %get3A_1376 = arith.constant 5504 : index
      %get3A_1377 = tpu.vector_load %arg5[%get3A_1376] {strides = array<i32>} : memref<8192xi32, #tpu.memory_space<vmem>>, vector<16xi32>,
      %get3A_1378 = vector.shape_cast %get3A_1377 : vector<16xi32> to vector<16xi32>
      %add3A_1379 = arith.addi %add3A_1375, %get3A_1378 : vector<16xi32>
      %get3A_1380 = arith.constant 5520 : index
      %get3A_1381 = tpu.vector_load %arg5[%get3A_1380] {strides = array<i32>} : memref<8192xi32, #tpu.memory_space<vmem>>, vector<16xi32>,
      %get3A_1382 = vector.shape_cast %get3A_1381 : vector<16xi32> to vector<16xi32>
      %add3A_1383 = arith.addi %add3A_1379, %get3A_1382 : vector<16xi32>
      %get3A_1384 = arith.constant 5536 : index
      %get3A_1385 = tpu.vector_load %arg5[%get3A_1384] {strides = array<i32>} : memref<8192xi32, #tpu.memory_space<vmem>>, vector<16xi32>,
      %get3A_1386 = vector.shape_cast %get3A_1385 : vector<16xi32> to vector<16xi32>
      %add3A_1387 = arith.addi %add3A_1383, %get3A_1386 : vector<16xi32>
      %get3A_1388 = arith.constant 5552 : index
      %get3A_1389 = tpu.vector_load %arg5[%get3A_1388] {strides = array<i32>} : memref<8192xi32, #tpu.memory_space<vmem>>, vector<16xi32>,
      %get3A_1390 = vector.shape_cast %get3A_1389 : vector<16xi32> to vector<16xi32>
      %add3A_1391 = arith.addi %add3A_1387, %get3A_1390 : vector<16xi32>
      %get3A_1392 = arith.constant 5568 : index
      %get3A_1393 = tpu.vector_load %arg5[%get3A_1392] {strides = array<i32>} : memref<8192xi32, #tpu.memory_space<vmem>>, vector<16xi32>,
      %get3A_1394 = vector.shape_cast %get3A_1393 : vector<16xi32> to vector<16xi32>
      %add3A_1395 = arith.addi %add3A_1391, %get3A_1394 : vector<16xi32>
      %get3A_1396 = arith.constant 5584 : index
      %get3A_1397 = tpu.vector_load %arg5[%get3A_1396] {strides = array<i32>} : memref<8192xi32, #tpu.memory_space<vmem>>, vector<16xi32>,
      %get3A_1398 = vector.shape_cast %get3A_1397 : vector<16xi32> to vector<16xi32>
      %add3A_1399 = arith.addi %add3A_1395, %get3A_1398 : vector<16xi32>
      %get3A_1400 = arith.constant 5600 : index
      %get3A_1401 = tpu.vector_load %arg5[%get3A_1400] {strides = array<i32>} : memref<8192xi32, #tpu.memory_space<vmem>>, vector<16xi32>,
      %get3A_1402 = vector.shape_cast %get3A_1401 : vector<16xi32> to vector<16xi32>
      %add3A_1403 = arith.addi %add3A_1399, %get3A_1402 : vector<16xi32>
      %get3A_1404 = arith.constant 5616 : index
      %get3A_1405 = tpu.vector_load %arg5[%get3A_1404] {strides = array<i32>} : memref<8192xi32, #tpu.memory_space<vmem>>, vector<16xi32>,
      %get3A_1406 = vector.shape_cast %get3A_1405 : vector<16xi32> to vector<16xi32>
      %add3A_1407 = arith.addi %add3A_1403, %get3A_1406 : vector<16xi32>
      %get3A_1408 = arith.constant 5632 : index
      %get3A_1409 = tpu.vector_load %arg5[%get3A_1408] {strides = array<i32>} : memref<8192xi32, #tpu.memory_space<vmem>>, vector<16xi32>,
      %get3A_1410 = vector.shape_cast %get3A_1409 : vector<16xi32> to vector<16xi32>
      %add3A_1411 = arith.addi %add3A_1407, %get3A_1410 : vector<16xi32>
      %get3A_1412 = arith.constant 5648 : index
      %get3A_1413 = tpu.vector_load %arg5[%get3A_1412] {strides = array<i32>} : memref<8192xi32, #tpu.memory_space<vmem>>, vector<16xi32>,
      %get3A_1414 = vector.shape_cast %get3A_1413 : vector<16xi32> to vector<16xi32>
      %add3A_1415 = arith.addi %add3A_1411, %get3A_1414 : vector<16xi32>
      %get3A_1416 = arith.constant 5664 : index
      %get3A_1417 = tpu.vector_load %arg5[%get3A_1416] {strides = array<i32>} : memref<8192xi32, #tpu.memory_space<vmem>>, vector<16xi32>,
      %get3A_1418 = vector.shape_cast %get3A_1417 : vector<16xi32> to vector<16xi32>
      %add3A_1419 = arith.addi %add3A_1415, %get3A_1418 : vector<16xi32>
      %get3A_1420 = arith.constant 5680 : index
      %get3A_1421 = tpu.vector_load %arg5[%get3A_1420] {strides = array<i32>} : memref<8192xi32, #tpu.memory_space<vmem>>, vector<16xi32>,
      %get3A_1422 = vector.shape_cast %get3A_1421 : vector<16xi32> to vector<16xi32>
      %add3A_1423 = arith.addi %add3A_1419, %get3A_1422 : vector<16xi32>
      %get3A_1424 = arith.constant 5696 : index
      %get3A_1425 = tpu.vector_load %arg5[%get3A_1424] {strides = array<i32>} : memref<8192xi32, #tpu.memory_space<vmem>>, vector<16xi32>,
      %get3A_1426 = vector.shape_cast %get3A_1425 : vector<16xi32> to vector<16xi32>
      %add3A_1427 = arith.addi %add3A_1423, %get3A_1426 : vector<16xi32>
      %get3A_1428 = arith.constant 5712 : index
      %get3A_1429 = tpu.vector_load %arg5[%get3A_1428] {strides = array<i32>} : memref<8192xi32, #tpu.memory_space<vmem>>, vector<16xi32>,
      %get3A_1430 = vector.shape_cast %get3A_1429 : vector<16xi32> to vector<16xi32>
      %add3A_1431 = arith.addi %add3A_1427, %get3A_1430 : vector<16xi32>
      %get3A_1432 = arith.constant 5728 : index
      %get3A_1433 = tpu.vector_load %arg5[%get3A_1432] {strides = array<i32>} : memref<8192xi32, #tpu.memory_space<vmem>>, vector<16xi32>,
      %get3A_1434 = vector.shape_cast %get3A_1433 : vector<16xi32> to vector<16xi32>
      %add3A_1435 = arith.addi %add3A_1431, %get3A_1434 : vector<16xi32>
      %get3A_1436 = arith.constant 5744 : index
      %get3A_1437 = tpu.vector_load %arg5[%get3A_1436] {strides = array<i32>} : memref<8192xi32, #tpu.memory_space<vmem>>, vector<16xi32>,
      %get3A_1438 = vector.shape_cast %get3A_1437 : vector<16xi32> to vector<16xi32>
      %add3A_1439 = arith.addi %add3A_1435, %get3A_1438 : vector<16xi32>
      %get3A_1440 = arith.constant 5760 : index
      %get3A_1441 = tpu.vector_load %arg5[%get3A_1440] {strides = array<i32>} : memref<8192xi32, #tpu.memory_space<vmem>>, vector<16xi32>,
      %get3A_1442 = vector.shape_cast %get3A_1441 : vector<16xi32> to vector<16xi32>
      %add3A_1443 = arith.addi %add3A_1439, %get3A_1442 : vector<16xi32>
      %get3A_1444 = arith.constant 5776 : index
      %get3A_1445 = tpu.vector_load %arg5[%get3A_1444] {strides = array<i32>} : memref<8192xi32, #tpu.memory_space<vmem>>, vector<16xi32>,
      %get3A_1446 = vector.shape_cast %get3A_1445 : vector<16xi32> to vector<16xi32>
      %add3A_1447 = arith.addi %add3A_1443, %get3A_1446 : vector<16xi32>
      %get3A_1448 = arith.constant 5792 : index
      %get3A_1449 = tpu.vector_load %arg5[%get3A_1448] {strides = array<i32>} : memref<8192xi32, #tpu.memory_space<vmem>>, vector<16xi32>,
      %get3A_1450 = vector.shape_cast %get3A_1449 : vector<16xi32> to vector<16xi32>
      %add3A_1451 = arith.addi %add3A_1447, %get3A_1450 : vector<16xi32>
      %get3A_1452 = arith.constant 5808 : index
      %get3A_1453 = tpu.vector_load %arg5[%get3A_1452] {strides = array<i32>} : memref<8192xi32, #tpu.memory_space<vmem>>, vector<16xi32>,
      %get3A_1454 = vector.shape_cast %get3A_1453 : vector<16xi32> to vector<16xi32>
      %add3A_1455 = arith.addi %add3A_1451, %get3A_1454 : vector<16xi32>
      %get3A_1456 = arith.constant 5824 : index
      %get3A_1457 = tpu.vector_load %arg5[%get3A_1456] {strides = array<i32>} : memref<8192xi32, #tpu.memory_space<vmem>>, vector<16xi32>,
      %get3A_1458 = vector.shape_cast %get3A_1457 : vector<16xi32> to vector<16xi32>
      %add3A_1459 = arith.addi %add3A_1455, %get3A_1458 : vector<16xi32>
      %get3A_1460 = arith.constant 5840 : index
      %get3A_1461 = tpu.vector_load %arg5[%get3A_1460] {strides = array<i32>} : memref<8192xi32, #tpu.memory_space<vmem>>, vector<16xi32>,
      %get3A_1462 = vector.shape_cast %get3A_1461 : vector<16xi32> to vector<16xi32>
      %add3A_1463 = arith.addi %add3A_1459, %get3A_1462 : vector<16xi32>
      %get3A_1464 = arith.constant 5856 : index
      %get3A_1465 = tpu.vector_load %arg5[%get3A_1464] {strides = array<i32>} : memref<8192xi32, #tpu.memory_space<vmem>>, vector<16xi32>,
      %get3A_1466 = vector.shape_cast %get3A_1465 : vector<16xi32> to vector<16xi32>
      %add3A_1467 = arith.addi %add3A_1463, %get3A_1466 : vector<16xi32>
      %get3A_1468 = arith.constant 5872 : index
      %get3A_1469 = tpu.vector_load %arg5[%get3A_1468] {strides = array<i32>} : memref<8192xi32, #tpu.memory_space<vmem>>, vector<16xi32>,
      %get3A_1470 = vector.shape_cast %get3A_1469 : vector<16xi32> to vector<16xi32>
      %add3A_1471 = arith.addi %add3A_1467, %get3A_1470 : vector<16xi32>
      %get3A_1472 = arith.constant 5888 : index
      %get3A_1473 = tpu.vector_load %arg5[%get3A_1472] {strides = array<i32>} : memref<8192xi32, #tpu.memory_space<vmem>>, vector<16xi32>,
      %get3A_1474 = vector.shape_cast %get3A_1473 : vector<16xi32> to vector<16xi32>
      %add3A_1475 = arith.addi %add3A_1471, %get3A_1474 : vector<16xi32>
      %get3A_1476 = arith.constant 5904 : index
      %get3A_1477 = tpu.vector_load %arg5[%get3A_1476] {strides = array<i32>} : memref<8192xi32, #tpu.memory_space<vmem>>, vector<16xi32>,
      %get3A_1478 = vector.shape_cast %get3A_1477 : vector<16xi32> to vector<16xi32>
      %add3A_1479 = arith.addi %add3A_1475, %get3A_1478 : vector<16xi32>
      %get3A_1480 = arith.constant 5920 : index
      %get3A_1481 = tpu.vector_load %arg5[%get3A_1480] {strides = array<i32>} : memref<8192xi32, #tpu.memory_space<vmem>>, vector<16xi32>,
      %get3A_1482 = vector.shape_cast %get3A_1481 : vector<16xi32> to vector<16xi32>
      %add3A_1483 = arith.addi %add3A_1479, %get3A_1482 : vector<16xi32>
      %get3A_1484 = arith.constant 5936 : index
      %get3A_1485 = tpu.vector_load %arg5[%get3A_1484] {strides = array<i32>} : memref<8192xi32, #tpu.memory_space<vmem>>, vector<16xi32>,
      %get3A_1486 = vector.shape_cast %get3A_1485 : vector<16xi32> to vector<16xi32>
      %add3A_1487 = arith.addi %add3A_1483, %get3A_1486 : vector<16xi32>
      %get3A_1488 = arith.constant 5952 : index
      %get3A_1489 = tpu.vector_load %arg5[%get3A_1488] {strides = array<i32>} : memref<8192xi32, #tpu.memory_space<vmem>>, vector<16xi32>,
      %get3A_1490 = vector.shape_cast %get3A_1489 : vector<16xi32> to vector<16xi32>
      %add3A_1491 = arith.addi %add3A_1487, %get3A_1490 : vector<16xi32>
      %get3A_1492 = arith.constant 5968 : index
      %get3A_1493 = tpu.vector_load %arg5[%get3A_1492] {strides = array<i32>} : memref<8192xi32, #tpu.memory_space<vmem>>, vector<16xi32>,
      %get3A_1494 = vector.shape_cast %get3A_1493 : vector<16xi32> to vector<16xi32>
      %add3A_1495 = arith.addi %add3A_1491, %get3A_1494 : vector<16xi32>
      %get3A_1496 = arith.constant 5984 : index
      %get3A_1497 = tpu.vector_load %arg5[%get3A_1496] {strides = array<i32>} : memref<8192xi32, #tpu.memory_space<vmem>>, vector<16xi32>,
      %get3A_1498 = vector.shape_cast %get3A_1497 : vector<16xi32> to vector<16xi32>
      %add3A_1499 = arith.addi %add3A_1495, %get3A_1498 : vector<16xi32>
      %get3A_1500 = arith.constant 6000 : index
      %get3A_1501 = tpu.vector_load %arg5[%get3A_1500] {strides = array<i32>} : memref<8192xi32, #tpu.memory_space<vmem>>, vector<16xi32>,
      %get3A_1502 = vector.shape_cast %get3A_1501 : vector<16xi32> to vector<16xi32>
      %add3A_1503 = arith.addi %add3A_1499, %get3A_1502 : vector<16xi32>
      %get3A_1504 = arith.constant 6016 : index
      %get3A_1505 = tpu.vector_load %arg5[%get3A_1504] {strides = array<i32>} : memref<8192xi32, #tpu.memory_space<vmem>>, vector<16xi32>,
      %get3A_1506 = vector.shape_cast %get3A_1505 : vector<16xi32> to vector<16xi32>
      %add3A_1507 = arith.addi %add3A_1503, %get3A_1506 : vector<16xi32>
      %get3A_1508 = arith.constant 6032 : index
      %get3A_1509 = tpu.vector_load %arg5[%get3A_1508] {strides = array<i32>} : memref<8192xi32, #tpu.memory_space<vmem>>, vector<16xi32>,
      %get3A_1510 = vector.shape_cast %get3A_1509 : vector<16xi32> to vector<16xi32>
      %add3A_1511 = arith.addi %add3A_1507, %get3A_1510 : vector<16xi32>
      %get3A_1512 = arith.constant 6048 : index
      %get3A_1513 = tpu.vector_load %arg5[%get3A_1512] {strides = array<i32>} : memref<8192xi32, #tpu.memory_space<vmem>>, vector<16xi32>,
      %get3A_1514 = vector.shape_cast %get3A_1513 : vector<16xi32> to vector<16xi32>
      %add3A_1515 = arith.addi %add3A_1511, %get3A_1514 : vector<16xi32>
      %get3A_1516 = arith.constant 6064 : index
      %get3A_1517 = tpu.vector_load %arg5[%get3A_1516] {strides = array<i32>} : memref<8192xi32, #tpu.memory_space<vmem>>, vector<16xi32>,
      %get3A_1518 = vector.shape_cast %get3A_1517 : vector<16xi32> to vector<16xi32>
      %add3A_1519 = arith.addi %add3A_1515, %get3A_1518 : vector<16xi32>
      %get3A_1520 = arith.constant 6080 : index
      %get3A_1521 = tpu.vector_load %arg5[%get3A_1520] {strides = array<i32>} : memref<8192xi32, #tpu.memory_space<vmem>>, vector<16xi32>,
      %get3A_1522 = vector.shape_cast %get3A_1521 : vector<16xi32> to vector<16xi32>
      %add3A_1523 = arith.addi %add3A_1519, %get3A_1522 : vector<16xi32>
      %get3A_1524 = arith.constant 6096 : index
      %get3A_1525 = tpu.vector_load %arg5[%get3A_1524] {strides = array<i32>} : memref<8192xi32, #tpu.memory_space<vmem>>, vector<16xi32>,
      %get3A_1526 = vector.shape_cast %get3A_1525 : vector<16xi32> to vector<16xi32>
      %add3A_1527 = arith.addi %add3A_1523, %get3A_1526 : vector<16xi32>
      %get3A_1528 = arith.constant 6112 : index
      %get3A_1529 = tpu.vector_load %arg5[%get3A_1528] {strides = array<i32>} : memref<8192xi32, #tpu.memory_space<vmem>>, vector<16xi32>,
      %get3A_1530 = vector.shape_cast %get3A_1529 : vector<16xi32> to vector<16xi32>
      %add3A_1531 = arith.addi %add3A_1527, %get3A_1530 : vector<16xi32>
      %get3A_1532 = arith.constant 6128 : index
      %get3A_1533 = tpu.vector_load %arg5[%get3A_1532] {strides = array<i32>} : memref<8192xi32, #tpu.memory_space<vmem>>, vector<16xi32>,
      %get3A_1534 = vector.shape_cast %get3A_1533 : vector<16xi32> to vector<16xi32>
      %add3A_1535 = arith.addi %add3A_1531, %get3A_1534 : vector<16xi32>
      %get3A_1536 = arith.constant 6144 : index
      %get3A_1537 = tpu.vector_load %arg5[%get3A_1536] {strides = array<i32>} : memref<8192xi32, #tpu.memory_space<vmem>>, vector<16xi32>,
      %get3A_1538 = vector.shape_cast %get3A_1537 : vector<16xi32> to vector<16xi32>
      %add3A_1539 = arith.addi %add3A_1535, %get3A_1538 : vector<16xi32>
      %get3A_1540 = arith.constant 6160 : index
      %get3A_1541 = tpu.vector_load %arg5[%get3A_1540] {strides = array<i32>} : memref<8192xi32, #tpu.memory_space<vmem>>, vector<16xi32>,
      %get3A_1542 = vector.shape_cast %get3A_1541 : vector<16xi32> to vector<16xi32>
      %add3A_1543 = arith.addi %add3A_1539, %get3A_1542 : vector<16xi32>
      %get3A_1544 = arith.constant 6176 : index
      %get3A_1545 = tpu.vector_load %arg5[%get3A_1544] {strides = array<i32>} : memref<8192xi32, #tpu.memory_space<vmem>>, vector<16xi32>,
      %get3A_1546 = vector.shape_cast %get3A_1545 : vector<16xi32> to vector<16xi32>
      %add3A_1547 = arith.addi %add3A_1543, %get3A_1546 : vector<16xi32>
      %get3A_1548 = arith.constant 6192 : index
      %get3A_1549 = tpu.vector_load %arg5[%get3A_1548] {strides = array<i32>} : memref<8192xi32, #tpu.memory_space<vmem>>, vector<16xi32>,
      %get3A_1550 = vector.shape_cast %get3A_1549 : vector<16xi32> to vector<16xi32>
      %add3A_1551 = arith.addi %add3A_1547, %get3A_1550 : vector<16xi32>
      %get3A_1552 = arith.constant 6208 : index
      %get3A_1553 = tpu.vector_load %arg5[%get3A_1552] {strides = array<i32>} : memref<8192xi32, #tpu.memory_space<vmem>>, vector<16xi32>,
      %get3A_1554 = vector.shape_cast %get3A_1553 : vector<16xi32> to vector<16xi32>
      %add3A_1555 = arith.addi %add3A_1551, %get3A_1554 : vector<16xi32>
      %get3A_1556 = arith.constant 6224 : index
      %get3A_1557 = tpu.vector_load %arg5[%get3A_1556] {strides = array<i32>} : memref<8192xi32, #tpu.memory_space<vmem>>, vector<16xi32>,
      %get3A_1558 = vector.shape_cast %get3A_1557 : vector<16xi32> to vector<16xi32>
      %add3A_1559 = arith.addi %add3A_1555, %get3A_1558 : vector<16xi32>
      %get3A_1560 = arith.constant 6240 : index
      %get3A_1561 = tpu.vector_load %arg5[%get3A_1560] {strides = array<i32>} : memref<8192xi32, #tpu.memory_space<vmem>>, vector<16xi32>,
      %get3A_1562 = vector.shape_cast %get3A_1561 : vector<16xi32> to vector<16xi32>
      %add3A_1563 = arith.addi %add3A_1559, %get3A_1562 : vector<16xi32>
      %get3A_1564 = arith.constant 6256 : index
      %get3A_1565 = tpu.vector_load %arg5[%get3A_1564] {strides = array<i32>} : memref<8192xi32, #tpu.memory_space<vmem>>, vector<16xi32>,
      %get3A_1566 = vector.shape_cast %get3A_1565 : vector<16xi32> to vector<16xi32>
      %add3A_1567 = arith.addi %add3A_1563, %get3A_1566 : vector<16xi32>
      %get3A_1568 = arith.constant 6272 : index
      %get3A_1569 = tpu.vector_load %arg5[%get3A_1568] {strides = array<i32>} : memref<8192xi32, #tpu.memory_space<vmem>>, vector<16xi32>,
      %get3A_1570 = vector.shape_cast %get3A_1569 : vector<16xi32> to vector<16xi32>
      %add3A_1571 = arith.addi %add3A_1567, %get3A_1570 : vector<16xi32>
      %get3A_1572 = arith.constant 6288 : index
      %get3A_1573 = tpu.vector_load %arg5[%get3A_1572] {strides = array<i32>} : memref<8192xi32, #tpu.memory_space<vmem>>, vector<16xi32>,
      %get3A_1574 = vector.shape_cast %get3A_1573 : vector<16xi32> to vector<16xi32>
      %add3A_1575 = arith.addi %add3A_1571, %get3A_1574 : vector<16xi32>
      %get3A_1576 = arith.constant 6304 : index
      %get3A_1577 = tpu.vector_load %arg5[%get3A_1576] {strides = array<i32>} : memref<8192xi32, #tpu.memory_space<vmem>>, vector<16xi32>,
      %get3A_1578 = vector.shape_cast %get3A_1577 : vector<16xi32> to vector<16xi32>
      %add3A_1579 = arith.addi %add3A_1575, %get3A_1578 : vector<16xi32>
      %get3A_1580 = arith.constant 6320 : index
      %get3A_1581 = tpu.vector_load %arg5[%get3A_1580] {strides = array<i32>} : memref<8192xi32, #tpu.memory_space<vmem>>, vector<16xi32>,
      %get3A_1582 = vector.shape_cast %get3A_1581 : vector<16xi32> to vector<16xi32>
      %add3A_1583 = arith.addi %add3A_1579, %get3A_1582 : vector<16xi32>
      %get3A_1584 = arith.constant 6336 : index
      %get3A_1585 = tpu.vector_load %arg5[%get3A_1584] {strides = array<i32>} : memref<8192xi32, #tpu.memory_space<vmem>>, vector<16xi32>,
      %get3A_1586 = vector.shape_cast %get3A_1585 : vector<16xi32> to vector<16xi32>
      %add3A_1587 = arith.addi %add3A_1583, %get3A_1586 : vector<16xi32>
      %get3A_1588 = arith.constant 6352 : index
      %get3A_1589 = tpu.vector_load %arg5[%get3A_1588] {strides = array<i32>} : memref<8192xi32, #tpu.memory_space<vmem>>, vector<16xi32>,
      %get3A_1590 = vector.shape_cast %get3A_1589 : vector<16xi32> to vector<16xi32>
      %add3A_1591 = arith.addi %add3A_1587, %get3A_1590 : vector<16xi32>
      %get3A_1592 = arith.constant 6368 : index
      %get3A_1593 = tpu.vector_load %arg5[%get3A_1592] {strides = array<i32>} : memref<8192xi32, #tpu.memory_space<vmem>>, vector<16xi32>,
      %get3A_1594 = vector.shape_cast %get3A_1593 : vector<16xi32> to vector<16xi32>
      %add3A_1595 = arith.addi %add3A_1591, %get3A_1594 : vector<16xi32>
      %get3A_1596 = arith.constant 6384 : index
      %get3A_1597 = tpu.vector_load %arg5[%get3A_1596] {strides = array<i32>} : memref<8192xi32, #tpu.memory_space<vmem>>, vector<16xi32>,
      %get3A_1598 = vector.shape_cast %get3A_1597 : vector<16xi32> to vector<16xi32>
      %add3A_1599 = arith.addi %add3A_1595, %get3A_1598 : vector<16xi32>
      %get3A_1600 = arith.constant 6400 : index
      %get3A_1601 = tpu.vector_load %arg5[%get3A_1600] {strides = array<i32>} : memref<8192xi32, #tpu.memory_space<vmem>>, vector<16xi32>,
      %get3A_1602 = vector.shape_cast %get3A_1601 : vector<16xi32> to vector<16xi32>
      %add3A_1603 = arith.addi %add3A_1599, %get3A_1602 : vector<16xi32>
      %get3A_1604 = arith.constant 6416 : index
      %get3A_1605 = tpu.vector_load %arg5[%get3A_1604] {strides = array<i32>} : memref<8192xi32, #tpu.memory_space<vmem>>, vector<16xi32>,
      %get3A_1606 = vector.shape_cast %get3A_1605 : vector<16xi32> to vector<16xi32>
      %add3A_1607 = arith.addi %add3A_1603, %get3A_1606 : vector<16xi32>
      %get3A_1608 = arith.constant 6432 : index
      %get3A_1609 = tpu.vector_load %arg5[%get3A_1608] {strides = array<i32>} : memref<8192xi32, #tpu.memory_space<vmem>>, vector<16xi32>,
      %get3A_1610 = vector.shape_cast %get3A_1609 : vector<16xi32> to vector<16xi32>
      %add3A_1611 = arith.addi %add3A_1607, %get3A_1610 : vector<16xi32>
      %get3A_1612 = arith.constant 6448 : index
      %get3A_1613 = tpu.vector_load %arg5[%get3A_1612] {strides = array<i32>} : memref<8192xi32, #tpu.memory_space<vmem>>, vector<16xi32>,
      %get3A_1614 = vector.shape_cast %get3A_1613 : vector<16xi32> to vector<16xi32>
      %add3A_1615 = arith.addi %add3A_1611, %get3A_1614 : vector<16xi32>
      %get3A_1616 = arith.constant 6464 : index
      %get3A_1617 = tpu.vector_load %arg5[%get3A_1616] {strides = array<i32>} : memref<8192xi32, #tpu.memory_space<vmem>>, vector<16xi32>,
      %get3A_1618 = vector.shape_cast %get3A_1617 : vector<16xi32> to vector<16xi32>
      %add3A_1619 = arith.addi %add3A_1615, %get3A_1618 : vector<16xi32>
      %get3A_1620 = arith.constant 6480 : index
      %get3A_1621 = tpu.vector_load %arg5[%get3A_1620] {strides = array<i32>} : memref<8192xi32, #tpu.memory_space<vmem>>, vector<16xi32>,
      %get3A_1622 = vector.shape_cast %get3A_1621 : vector<16xi32> to vector<16xi32>
      %add3A_1623 = arith.addi %add3A_1619, %get3A_1622 : vector<16xi32>
      %get3A_1624 = arith.constant 6496 : index
      %get3A_1625 = tpu.vector_load %arg5[%get3A_1624] {strides = array<i32>} : memref<8192xi32, #tpu.memory_space<vmem>>, vector<16xi32>,
      %get3A_1626 = vector.shape_cast %get3A_1625 : vector<16xi32> to vector<16xi32>
      %add3A_1627 = arith.addi %add3A_1623, %get3A_1626 : vector<16xi32>
      %get3A_1628 = arith.constant 6512 : index
      %get3A_1629 = tpu.vector_load %arg5[%get3A_1628] {strides = array<i32>} : memref<8192xi32, #tpu.memory_space<vmem>>, vector<16xi32>,
      %get3A_1630 = vector.shape_cast %get3A_1629 : vector<16xi32> to vector<16xi32>
      %add3A_1631 = arith.addi %add3A_1627, %get3A_1630 : vector<16xi32>
      %get3A_1632 = arith.constant 6528 : index
      %get3A_1633 = tpu.vector_load %arg5[%get3A_1632] {strides = array<i32>} : memref<8192xi32, #tpu.memory_space<vmem>>, vector<16xi32>,
      %get3A_1634 = vector.shape_cast %get3A_1633 : vector<16xi32> to vector<16xi32>
      %add3A_1635 = arith.addi %add3A_1631, %get3A_1634 : vector<16xi32>
      %get3A_1636 = arith.constant 6544 : index
      %get3A_1637 = tpu.vector_load %arg5[%get3A_1636] {strides = array<i32>} : memref<8192xi32, #tpu.memory_space<vmem>>, vector<16xi32>,
      %get3A_1638 = vector.shape_cast %get3A_1637 : vector<16xi32> to vector<16xi32>
      %add3A_1639 = arith.addi %add3A_1635, %get3A_1638 : vector<16xi32>
      %get3A_1640 = arith.constant 6560 : index
      %get3A_1641 = tpu.vector_load %arg5[%get3A_1640] {strides = array<i32>} : memref<8192xi32, #tpu.memory_space<vmem>>, vector<16xi32>,
      %get3A_1642 = vector.shape_cast %get3A_1641 : vector<16xi32> to vector<16xi32>
      %add3A_1643 = arith.addi %add3A_1639, %get3A_1642 : vector<16xi32>
      %get3A_1644 = arith.constant 6576 : index
      %get3A_1645 = tpu.vector_load %arg5[%get3A_1644] {strides = array<i32>} : memref<8192xi32, #tpu.memory_space<vmem>>, vector<16xi32>,
      %get3A_1646 = vector.shape_cast %get3A_1645 : vector<16xi32> to vector<16xi32>
      %add3A_1647 = arith.addi %add3A_1643, %get3A_1646 : vector<16xi32>
      %get3A_1648 = arith.constant 6592 : index
      %get3A_1649 = tpu.vector_load %arg5[%get3A_1648] {strides = array<i32>} : memref<8192xi32, #tpu.memory_space<vmem>>, vector<16xi32>,
      %get3A_1650 = vector.shape_cast %get3A_1649 : vector<16xi32> to vector<16xi32>
      %add3A_1651 = arith.addi %add3A_1647, %get3A_1650 : vector<16xi32>
      %get3A_1652 = arith.constant 6608 : index
      %get3A_1653 = tpu.vector_load %arg5[%get3A_1652] {strides = array<i32>} : memref<8192xi32, #tpu.memory_space<vmem>>, vector<16xi32>,
      %get3A_1654 = vector.shape_cast %get3A_1653 : vector<16xi32> to vector<16xi32>
      %add3A_1655 = arith.addi %add3A_1651, %get3A_1654 : vector<16xi32>
      %get3A_1656 = arith.constant 6624 : index
      %get3A_1657 = tpu.vector_load %arg5[%get3A_1656] {strides = array<i32>} : memref<8192xi32, #tpu.memory_space<vmem>>, vector<16xi32>,
      %get3A_1658 = vector.shape_cast %get3A_1657 : vector<16xi32> to vector<16xi32>
      %add3A_1659 = arith.addi %add3A_1655, %get3A_1658 : vector<16xi32>
      %get3A_1660 = arith.constant 6640 : index
      %get3A_1661 = tpu.vector_load %arg5[%get3A_1660] {strides = array<i32>} : memref<8192xi32, #tpu.memory_space<vmem>>, vector<16xi32>,
      %get3A_1662 = vector.shape_cast %get3A_1661 : vector<16xi32> to vector<16xi32>
      %add3A_1663 = arith.addi %add3A_1659, %get3A_1662 : vector<16xi32>
      %get3A_1664 = arith.constant 6656 : index
      %get3A_1665 = tpu.vector_load %arg5[%get3A_1664] {strides = array<i32>} : memref<8192xi32, #tpu.memory_space<vmem>>, vector<16xi32>,
      %get3A_1666 = vector.shape_cast %get3A_1665 : vector<16xi32> to vector<16xi32>
      %add3A_1667 = arith.addi %add3A_1663, %get3A_1666 : vector<16xi32>
      %get3A_1668 = arith.constant 6672 : index
      %get3A_1669 = tpu.vector_load %arg5[%get3A_1668] {strides = array<i32>} : memref<8192xi32, #tpu.memory_space<vmem>>, vector<16xi32>,
      %get3A_1670 = vector.shape_cast %get3A_1669 : vector<16xi32> to vector<16xi32>
      %add3A_1671 = arith.addi %add3A_1667, %get3A_1670 : vector<16xi32>
      %get3A_1672 = arith.constant 6688 : index
      %get3A_1673 = tpu.vector_load %arg5[%get3A_1672] {strides = array<i32>} : memref<8192xi32, #tpu.memory_space<vmem>>, vector<16xi32>,
      %get3A_1674 = vector.shape_cast %get3A_1673 : vector<16xi32> to vector<16xi32>
      %add3A_1675 = arith.addi %add3A_1671, %get3A_1674 : vector<16xi32>
      %get3A_1676 = arith.constant 6704 : index
      %get3A_1677 = tpu.vector_load %arg5[%get3A_1676] {strides = array<i32>} : memref<8192xi32, #tpu.memory_space<vmem>>, vector<16xi32>,
      %get3A_1678 = vector.shape_cast %get3A_1677 : vector<16xi32> to vector<16xi32>
      %add3A_1679 = arith.addi %add3A_1675, %get3A_1678 : vector<16xi32>
      %get3A_1680 = arith.constant 6720 : index
      %get3A_1681 = tpu.vector_load %arg5[%get3A_1680] {strides = array<i32>} : memref<8192xi32, #tpu.memory_space<vmem>>, vector<16xi32>,
      %get3A_1682 = vector.shape_cast %get3A_1681 : vector<16xi32> to vector<16xi32>
      %add3A_1683 = arith.addi %add3A_1679, %get3A_1682 : vector<16xi32>
      %get3A_1684 = arith.constant 6736 : index
      %get3A_1685 = tpu.vector_load %arg5[%get3A_1684] {strides = array<i32>} : memref<8192xi32, #tpu.memory_space<vmem>>, vector<16xi32>,
      %get3A_1686 = vector.shape_cast %get3A_1685 : vector<16xi32> to vector<16xi32>
      %add3A_1687 = arith.addi %add3A_1683, %get3A_1686 : vector<16xi32>
      %get3A_1688 = arith.constant 6752 : index
      %get3A_1689 = tpu.vector_load %arg5[%get3A_1688] {strides = array<i32>} : memref<8192xi32, #tpu.memory_space<vmem>>, vector<16xi32>,
      %get3A_1690 = vector.shape_cast %get3A_1689 : vector<16xi32> to vector<16xi32>
      %add3A_1691 = arith.addi %add3A_1687, %get3A_1690 : vector<16xi32>
      %get3A_1692 = arith.constant 6768 : index
      %get3A_1693 = tpu.vector_load %arg5[%get3A_1692] {strides = array<i32>} : memref<8192xi32, #tpu.memory_space<vmem>>, vector<16xi32>,
      %get3A_1694 = vector.shape_cast %get3A_1693 : vector<16xi32> to vector<16xi32>
      %add3A_1695 = arith.addi %add3A_1691, %get3A_1694 : vector<16xi32>
      %get3A_1696 = arith.constant 6784 : index
      %get3A_1697 = tpu.vector_load %arg5[%get3A_1696] {strides = array<i32>} : memref<8192xi32, #tpu.memory_space<vmem>>, vector<16xi32>,
      %get3A_1698 = vector.shape_cast %get3A_1697 : vector<16xi32> to vector<16xi32>
      %add3A_1699 = arith.addi %add3A_1695, %get3A_1698 : vector<16xi32>
      %get3A_1700 = arith.constant 6800 : index
      %get3A_1701 = tpu.vector_load %arg5[%get3A_1700] {strides = array<i32>} : memref<8192xi32, #tpu.memory_space<vmem>>, vector<16xi32>,
      %get3A_1702 = vector.shape_cast %get3A_1701 : vector<16xi32> to vector<16xi32>
      %add3A_1703 = arith.addi %add3A_1699, %get3A_1702 : vector<16xi32>
      %get3A_1704 = arith.constant 6816 : index
      %get3A_1705 = tpu.vector_load %arg5[%get3A_1704] {strides = array<i32>} : memref<8192xi32, #tpu.memory_space<vmem>>, vector<16xi32>,
      %get3A_1706 = vector.shape_cast %get3A_1705 : vector<16xi32> to vector<16xi32>
      %add3A_1707 = arith.addi %add3A_1703, %get3A_1706 : vector<16xi32>
      %get3A_1708 = arith.constant 6832 : index
      %get3A_1709 = tpu.vector_load %arg5[%get3A_1708] {strides = array<i32>} : memref<8192xi32, #tpu.memory_space<vmem>>, vector<16xi32>,
      %get3A_1710 = vector.shape_cast %get3A_1709 : vector<16xi32> to vector<16xi32>
      %add3A_1711 = arith.addi %add3A_1707, %get3A_1710 : vector<16xi32>
      %get3A_1712 = arith.constant 6848 : index
      %get3A_1713 = tpu.vector_load %arg5[%get3A_1712] {strides = array<i32>} : memref<8192xi32, #tpu.memory_space<vmem>>, vector<16xi32>,
      %get3A_1714 = vector.shape_cast %get3A_1713 : vector<16xi32> to vector<16xi32>
      %add3A_1715 = arith.addi %add3A_1711, %get3A_1714 : vector<16xi32>
      %get3A_1716 = arith.constant 6864 : index
      %get3A_1717 = tpu.vector_load %arg5[%get3A_1716] {strides = array<i32>} : memref<8192xi32, #tpu.memory_space<vmem>>, vector<16xi32>,
      %get3A_1718 = vector.shape_cast %get3A_1717 : vector<16xi32> to vector<16xi32>
      %add3A_1719 = arith.addi %add3A_1715, %get3A_1718 : vector<16xi32>
      %get3A_1720 = arith.constant 6880 : index
      %get3A_1721 = tpu.vector_load %arg5[%get3A_1720] {strides = array<i32>} : memref<8192xi32, #tpu.memory_space<vmem>>, vector<16xi32>,
      %get3A_1722 = vector.shape_cast %get3A_1721 : vector<16xi32> to vector<16xi32>
      %add3A_1723 = arith.addi %add3A_1719, %get3A_1722 : vector<16xi32>
      %get3A_1724 = arith.constant 6896 : index
      %get3A_1725 = tpu.vector_load %arg5[%get3A_1724] {strides = array<i32>} : memref<8192xi32, #tpu.memory_space<vmem>>, vector<16xi32>,
      %get3A_1726 = vector.shape_cast %get3A_1725 : vector<16xi32> to vector<16xi32>
      %add3A_1727 = arith.addi %add3A_1723, %get3A_1726 : vector<16xi32>
      %get3A_1728 = arith.constant 6912 : index
      %get3A_1729 = tpu.vector_load %arg5[%get3A_1728] {strides = array<i32>} : memref<8192xi32, #tpu.memory_space<vmem>>, vector<16xi32>,
      %get3A_1730 = vector.shape_cast %get3A_1729 : vector<16xi32> to vector<16xi32>
      %add3A_1731 = arith.addi %add3A_1727, %get3A_1730 : vector<16xi32>
      %get3A_1732 = arith.constant 6928 : index
      %get3A_1733 = tpu.vector_load %arg5[%get3A_1732] {strides = array<i32>} : memref<8192xi32, #tpu.memory_space<vmem>>, vector<16xi32>,
      %get3A_1734 = vector.shape_cast %get3A_1733 : vector<16xi32> to vector<16xi32>
      %add3A_1735 = arith.addi %add3A_1731, %get3A_1734 : vector<16xi32>
      %get3A_1736 = arith.constant 6944 : index
      %get3A_1737 = tpu.vector_load %arg5[%get3A_1736] {strides = array<i32>} : memref<8192xi32, #tpu.memory_space<vmem>>, vector<16xi32>,
      %get3A_1738 = vector.shape_cast %get3A_1737 : vector<16xi32> to vector<16xi32>
      %add3A_1739 = arith.addi %add3A_1735, %get3A_1738 : vector<16xi32>
      %get3A_1740 = arith.constant 6960 : index
      %get3A_1741 = tpu.vector_load %arg5[%get3A_1740] {strides = array<i32>} : memref<8192xi32, #tpu.memory_space<vmem>>, vector<16xi32>,
      %get3A_1742 = vector.shape_cast %get3A_1741 : vector<16xi32> to vector<16xi32>
      %add3A_1743 = arith.addi %add3A_1739, %get3A_1742 : vector<16xi32>
      %get3A_1744 = arith.constant 6976 : index
      %get3A_1745 = tpu.vector_load %arg5[%get3A_1744] {strides = array<i32>} : memref<8192xi32, #tpu.memory_space<vmem>>, vector<16xi32>,
      %get3A_1746 = vector.shape_cast %get3A_1745 : vector<16xi32> to vector<16xi32>
      %add3A_1747 = arith.addi %add3A_1743, %get3A_1746 : vector<16xi32>
      %get3A_1748 = arith.constant 6992 : index
      %get3A_1749 = tpu.vector_load %arg5[%get3A_1748] {strides = array<i32>} : memref<8192xi32, #tpu.memory_space<vmem>>, vector<16xi32>,
      %get3A_1750 = vector.shape_cast %get3A_1749 : vector<16xi32> to vector<16xi32>
      %add3A_1751 = arith.addi %add3A_1747, %get3A_1750 : vector<16xi32>
      %get3A_1752 = arith.constant 7008 : index
      %get3A_1753 = tpu.vector_load %arg5[%get3A_1752] {strides = array<i32>} : memref<8192xi32, #tpu.memory_space<vmem>>, vector<16xi32>,
      %get3A_1754 = vector.shape_cast %get3A_1753 : vector<16xi32> to vector<16xi32>
      %add3A_1755 = arith.addi %add3A_1751, %get3A_1754 : vector<16xi32>
      %get3A_1756 = arith.constant 7024 : index
      %get3A_1757 = tpu.vector_load %arg5[%get3A_1756] {strides = array<i32>} : memref<8192xi32, #tpu.memory_space<vmem>>, vector<16xi32>,
      %get3A_1758 = vector.shape_cast %get3A_1757 : vector<16xi32> to vector<16xi32>
      %add3A_1759 = arith.addi %add3A_1755, %get3A_1758 : vector<16xi32>
      %get3A_1760 = arith.constant 7040 : index
      %get3A_1761 = tpu.vector_load %arg5[%get3A_1760] {strides = array<i32>} : memref<8192xi32, #tpu.memory_space<vmem>>, vector<16xi32>,
      %get3A_1762 = vector.shape_cast %get3A_1761 : vector<16xi32> to vector<16xi32>
      %add3A_1763 = arith.addi %add3A_1759, %get3A_1762 : vector<16xi32>
      %get3A_1764 = arith.constant 7056 : index
      %get3A_1765 = tpu.vector_load %arg5[%get3A_1764] {strides = array<i32>} : memref<8192xi32, #tpu.memory_space<vmem>>, vector<16xi32>,
      %get3A_1766 = vector.shape_cast %get3A_1765 : vector<16xi32> to vector<16xi32>
      %add3A_1767 = arith.addi %add3A_1763, %get3A_1766 : vector<16xi32>
      %get3A_1768 = arith.constant 7072 : index
      %get3A_1769 = tpu.vector_load %arg5[%get3A_1768] {strides = array<i32>} : memref<8192xi32, #tpu.memory_space<vmem>>, vector<16xi32>,
      %get3A_1770 = vector.shape_cast %get3A_1769 : vector<16xi32> to vector<16xi32>
      %add3A_1771 = arith.addi %add3A_1767, %get3A_1770 : vector<16xi32>
      %get3A_1772 = arith.constant 7088 : index
      %get3A_1773 = tpu.vector_load %arg5[%get3A_1772] {strides = array<i32>} : memref<8192xi32, #tpu.memory_space<vmem>>, vector<16xi32>,
      %get3A_1774 = vector.shape_cast %get3A_1773 : vector<16xi32> to vector<16xi32>
      %add3A_1775 = arith.addi %add3A_1771, %get3A_1774 : vector<16xi32>
      %get3A_1776 = arith.constant 7104 : index
      %get3A_1777 = tpu.vector_load %arg5[%get3A_1776] {strides = array<i32>} : memref<8192xi32, #tpu.memory_space<vmem>>, vector<16xi32>,
      %get3A_1778 = vector.shape_cast %get3A_1777 : vector<16xi32> to vector<16xi32>
      %add3A_1779 = arith.addi %add3A_1775, %get3A_1778 : vector<16xi32>
      %get3A_1780 = arith.constant 7120 : index
      %get3A_1781 = tpu.vector_load %arg5[%get3A_1780] {strides = array<i32>} : memref<8192xi32, #tpu.memory_space<vmem>>, vector<16xi32>,
      %get3A_1782 = vector.shape_cast %get3A_1781 : vector<16xi32> to vector<16xi32>
      %add3A_1783 = arith.addi %add3A_1779, %get3A_1782 : vector<16xi32>
      %get3A_1784 = arith.constant 7136 : index
      %get3A_1785 = tpu.vector_load %arg5[%get3A_1784] {strides = array<i32>} : memref<8192xi32, #tpu.memory_space<vmem>>, vector<16xi32>,
      %get3A_1786 = vector.shape_cast %get3A_1785 : vector<16xi32> to vector<16xi32>
      %add3A_1787 = arith.addi %add3A_1783, %get3A_1786 : vector<16xi32>
      %get3A_1788 = arith.constant 7152 : index
      %get3A_1789 = tpu.vector_load %arg5[%get3A_1788] {strides = array<i32>} : memref<8192xi32, #tpu.memory_space<vmem>>, vector<16xi32>,
      %get3A_1790 = vector.shape_cast %get3A_1789 : vector<16xi32> to vector<16xi32>
      %add3A_1791 = arith.addi %add3A_1787, %get3A_1790 : vector<16xi32>
      %get3A_1792 = arith.constant 7168 : index
      %get3A_1793 = tpu.vector_load %arg5[%get3A_1792] {strides = array<i32>} : memref<8192xi32, #tpu.memory_space<vmem>>, vector<16xi32>,
      %get3A_1794 = vector.shape_cast %get3A_1793 : vector<16xi32> to vector<16xi32>
      %add3A_1795 = arith.addi %add3A_1791, %get3A_1794 : vector<16xi32>
      %get3A_1796 = arith.constant 7184 : index
      %get3A_1797 = tpu.vector_load %arg5[%get3A_1796] {strides = array<i32>} : memref<8192xi32, #tpu.memory_space<vmem>>, vector<16xi32>,
      %get3A_1798 = vector.shape_cast %get3A_1797 : vector<16xi32> to vector<16xi32>
      %add3A_1799 = arith.addi %add3A_1795, %get3A_1798 : vector<16xi32>
      %get3A_1800 = arith.constant 7200 : index
      %get3A_1801 = tpu.vector_load %arg5[%get3A_1800] {strides = array<i32>} : memref<8192xi32, #tpu.memory_space<vmem>>, vector<16xi32>,
      %get3A_1802 = vector.shape_cast %get3A_1801 : vector<16xi32> to vector<16xi32>
      %add3A_1803 = arith.addi %add3A_1799, %get3A_1802 : vector<16xi32>
      %get3A_1804 = arith.constant 7216 : index
      %get3A_1805 = tpu.vector_load %arg5[%get3A_1804] {strides = array<i32>} : memref<8192xi32, #tpu.memory_space<vmem>>, vector<16xi32>,
      %get3A_1806 = vector.shape_cast %get3A_1805 : vector<16xi32> to vector<16xi32>
      %add3A_1807 = arith.addi %add3A_1803, %get3A_1806 : vector<16xi32>
      %get3A_1808 = arith.constant 7232 : index
      %get3A_1809 = tpu.vector_load %arg5[%get3A_1808] {strides = array<i32>} : memref<8192xi32, #tpu.memory_space<vmem>>, vector<16xi32>,
      %get3A_1810 = vector.shape_cast %get3A_1809 : vector<16xi32> to vector<16xi32>
      %add3A_1811 = arith.addi %add3A_1807, %get3A_1810 : vector<16xi32>
      %get3A_1812 = arith.constant 7248 : index
      %get3A_1813 = tpu.vector_load %arg5[%get3A_1812] {strides = array<i32>} : memref<8192xi32, #tpu.memory_space<vmem>>, vector<16xi32>,
      %get3A_1814 = vector.shape_cast %get3A_1813 : vector<16xi32> to vector<16xi32>
      %add3A_1815 = arith.addi %add3A_1811, %get3A_1814 : vector<16xi32>
      %get3A_1816 = arith.constant 7264 : index
      %get3A_1817 = tpu.vector_load %arg5[%get3A_1816] {strides = array<i32>} : memref<8192xi32, #tpu.memory_space<vmem>>, vector<16xi32>,
      %get3A_1818 = vector.shape_cast %get3A_1817 : vector<16xi32> to vector<16xi32>
      %add3A_1819 = arith.addi %add3A_1815, %get3A_1818 : vector<16xi32>
      %get3A_1820 = arith.constant 7280 : index
      %get3A_1821 = tpu.vector_load %arg5[%get3A_1820] {strides = array<i32>} : memref<8192xi32, #tpu.memory_space<vmem>>, vector<16xi32>,
      %get3A_1822 = vector.shape_cast %get3A_1821 : vector<16xi32> to vector<16xi32>
      %add3A_1823 = arith.addi %add3A_1819, %get3A_1822 : vector<16xi32>
      %get3A_1824 = arith.constant 7296 : index
      %get3A_1825 = tpu.vector_load %arg5[%get3A_1824] {strides = array<i32>} : memref<8192xi32, #tpu.memory_space<vmem>>, vector<16xi32>,
      %get3A_1826 = vector.shape_cast %get3A_1825 : vector<16xi32> to vector<16xi32>
      %add3A_1827 = arith.addi %add3A_1823, %get3A_1826 : vector<16xi32>
      %get3A_1828 = arith.constant 7312 : index
      %get3A_1829 = tpu.vector_load %arg5[%get3A_1828] {strides = array<i32>} : memref<8192xi32, #tpu.memory_space<vmem>>, vector<16xi32>,
      %get3A_1830 = vector.shape_cast %get3A_1829 : vector<16xi32> to vector<16xi32>
      %add3A_1831 = arith.addi %add3A_1827, %get3A_1830 : vector<16xi32>
      %get3A_1832 = arith.constant 7328 : index
      %get3A_1833 = tpu.vector_load %arg5[%get3A_1832] {strides = array<i32>} : memref<8192xi32, #tpu.memory_space<vmem>>, vector<16xi32>,
      %get3A_1834 = vector.shape_cast %get3A_1833 : vector<16xi32> to vector<16xi32>
      %add3A_1835 = arith.addi %add3A_1831, %get3A_1834 : vector<16xi32>
      %get3A_1836 = arith.constant 7344 : index
      %get3A_1837 = tpu.vector_load %arg5[%get3A_1836] {strides = array<i32>} : memref<8192xi32, #tpu.memory_space<vmem>>, vector<16xi32>,
      %get3A_1838 = vector.shape_cast %get3A_1837 : vector<16xi32> to vector<16xi32>
      %add3A_1839 = arith.addi %add3A_1835, %get3A_1838 : vector<16xi32>
      %get3A_1840 = arith.constant 7360 : index
      %get3A_1841 = tpu.vector_load %arg5[%get3A_1840] {strides = array<i32>} : memref<8192xi32, #tpu.memory_space<vmem>>, vector<16xi32>,
      %get3A_1842 = vector.shape_cast %get3A_1841 : vector<16xi32> to vector<16xi32>
      %add3A_1843 = arith.addi %add3A_1839, %get3A_1842 : vector<16xi32>
      %get3A_1844 = arith.constant 7376 : index
      %get3A_1845 = tpu.vector_load %arg5[%get3A_1844] {strides = array<i32>} : memref<8192xi32, #tpu.memory_space<vmem>>, vector<16xi32>,
      %get3A_1846 = vector.shape_cast %get3A_1845 : vector<16xi32> to vector<16xi32>
      %add3A_1847 = arith.addi %add3A_1843, %get3A_1846 : vector<16xi32>
      %get3A_1848 = arith.constant 7392 : index
      %get3A_1849 = tpu.vector_load %arg5[%get3A_1848] {strides = array<i32>} : memref<8192xi32, #tpu.memory_space<vmem>>, vector<16xi32>,
      %get3A_1850 = vector.shape_cast %get3A_1849 : vector<16xi32> to vector<16xi32>
      %add3A_1851 = arith.addi %add3A_1847, %get3A_1850 : vector<16xi32>
      %get3A_1852 = arith.constant 7408 : index
      %get3A_1853 = tpu.vector_load %arg5[%get3A_1852] {strides = array<i32>} : memref<8192xi32, #tpu.memory_space<vmem>>, vector<16xi32>,
      %get3A_1854 = vector.shape_cast %get3A_1853 : vector<16xi32> to vector<16xi32>
      %add3A_1855 = arith.addi %add3A_1851, %get3A_1854 : vector<16xi32>
      %get3A_1856 = arith.constant 7424 : index
      %get3A_1857 = tpu.vector_load %arg5[%get3A_1856] {strides = array<i32>} : memref<8192xi32, #tpu.memory_space<vmem>>, vector<16xi32>,
      %get3A_1858 = vector.shape_cast %get3A_1857 : vector<16xi32> to vector<16xi32>
      %add3A_1859 = arith.addi %add3A_1855, %get3A_1858 : vector<16xi32>
      %get3A_1860 = arith.constant 7440 : index
      %get3A_1861 = tpu.vector_load %arg5[%get3A_1860] {strides = array<i32>} : memref<8192xi32, #tpu.memory_space<vmem>>, vector<16xi32>,
      %get3A_1862 = vector.shape_cast %get3A_1861 : vector<16xi32> to vector<16xi32>
      %add3A_1863 = arith.addi %add3A_1859, %get3A_1862 : vector<16xi32>
      %get3A_1864 = arith.constant 7456 : index
      %get3A_1865 = tpu.vector_load %arg5[%get3A_1864] {strides = array<i32>} : memref<8192xi32, #tpu.memory_space<vmem>>, vector<16xi32>,
      %get3A_1866 = vector.shape_cast %get3A_1865 : vector<16xi32> to vector<16xi32>
      %add3A_1867 = arith.addi %add3A_1863, %get3A_1866 : vector<16xi32>
      %get3A_1868 = arith.constant 7472 : index
      %get3A_1869 = tpu.vector_load %arg5[%get3A_1868] {strides = array<i32>} : memref<8192xi32, #tpu.memory_space<vmem>>, vector<16xi32>,
      %get3A_1870 = vector.shape_cast %get3A_1869 : vector<16xi32> to vector<16xi32>
      %add3A_1871 = arith.addi %add3A_1867, %get3A_1870 : vector<16xi32>
      %get3A_1872 = arith.constant 7488 : index
      %get3A_1873 = tpu.vector_load %arg5[%get3A_1872] {strides = array<i32>} : memref<8192xi32, #tpu.memory_space<vmem>>, vector<16xi32>,
      %get3A_1874 = vector.shape_cast %get3A_1873 : vector<16xi32> to vector<16xi32>
      %add3A_1875 = arith.addi %add3A_1871, %get3A_1874 : vector<16xi32>
      %get3A_1876 = arith.constant 7504 : index
      %get3A_1877 = tpu.vector_load %arg5[%get3A_1876] {strides = array<i32>} : memref<8192xi32, #tpu.memory_space<vmem>>, vector<16xi32>,
      %get3A_1878 = vector.shape_cast %get3A_1877 : vector<16xi32> to vector<16xi32>
      %add3A_1879 = arith.addi %add3A_1875, %get3A_1878 : vector<16xi32>
      %get3A_1880 = arith.constant 7520 : index
      %get3A_1881 = tpu.vector_load %arg5[%get3A_1880] {strides = array<i32>} : memref<8192xi32, #tpu.memory_space<vmem>>, vector<16xi32>,
      %get3A_1882 = vector.shape_cast %get3A_1881 : vector<16xi32> to vector<16xi32>
      %add3A_1883 = arith.addi %add3A_1879, %get3A_1882 : vector<16xi32>
      %get3A_1884 = arith.constant 7536 : index
      %get3A_1885 = tpu.vector_load %arg5[%get3A_1884] {strides = array<i32>} : memref<8192xi32, #tpu.memory_space<vmem>>, vector<16xi32>,
      %get3A_1886 = vector.shape_cast %get3A_1885 : vector<16xi32> to vector<16xi32>
      %add3A_1887 = arith.addi %add3A_1883, %get3A_1886 : vector<16xi32>
      %get3A_1888 = arith.constant 7552 : index
      %get3A_1889 = tpu.vector_load %arg5[%get3A_1888] {strides = array<i32>} : memref<8192xi32, #tpu.memory_space<vmem>>, vector<16xi32>,
      %get3A_1890 = vector.shape_cast %get3A_1889 : vector<16xi32> to vector<16xi32>
      %add3A_1891 = arith.addi %add3A_1887, %get3A_1890 : vector<16xi32>
      %get3A_1892 = arith.constant 7568 : index
      %get3A_1893 = tpu.vector_load %arg5[%get3A_1892] {strides = array<i32>} : memref<8192xi32, #tpu.memory_space<vmem>>, vector<16xi32>,
      %get3A_1894 = vector.shape_cast %get3A_1893 : vector<16xi32> to vector<16xi32>
      %add3A_1895 = arith.addi %add3A_1891, %get3A_1894 : vector<16xi32>
      %get3A_1896 = arith.constant 7584 : index
      %get3A_1897 = tpu.vector_load %arg5[%get3A_1896] {strides = array<i32>} : memref<8192xi32, #tpu.memory_space<vmem>>, vector<16xi32>,
      %get3A_1898 = vector.shape_cast %get3A_1897 : vector<16xi32> to vector<16xi32>
      %add3A_1899 = arith.addi %add3A_1895, %get3A_1898 : vector<16xi32>
      %get3A_1900 = arith.constant 7600 : index
      %get3A_1901 = tpu.vector_load %arg5[%get3A_1900] {strides = array<i32>} : memref<8192xi32, #tpu.memory_space<vmem>>, vector<16xi32>,
      %get3A_1902 = vector.shape_cast %get3A_1901 : vector<16xi32> to vector<16xi32>
      %add3A_1903 = arith.addi %add3A_1899, %get3A_1902 : vector<16xi32>
      %get3A_1904 = arith.constant 7616 : index
      %get3A_1905 = tpu.vector_load %arg5[%get3A_1904] {strides = array<i32>} : memref<8192xi32, #tpu.memory_space<vmem>>, vector<16xi32>,
      %get3A_1906 = vector.shape_cast %get3A_1905 : vector<16xi32> to vector<16xi32>
      %add3A_1907 = arith.addi %add3A_1903, %get3A_1906 : vector<16xi32>
      %get3A_1908 = arith.constant 7632 : index
      %get3A_1909 = tpu.vector_load %arg5[%get3A_1908] {strides = array<i32>} : memref<8192xi32, #tpu.memory_space<vmem>>, vector<16xi32>,
      %get3A_1910 = vector.shape_cast %get3A_1909 : vector<16xi32> to vector<16xi32>
      %add3A_1911 = arith.addi %add3A_1907, %get3A_1910 : vector<16xi32>
      %get3A_1912 = arith.constant 7648 : index
      %get3A_1913 = tpu.vector_load %arg5[%get3A_1912] {strides = array<i32>} : memref<8192xi32, #tpu.memory_space<vmem>>, vector<16xi32>,
      %get3A_1914 = vector.shape_cast %get3A_1913 : vector<16xi32> to vector<16xi32>
      %add3A_1915 = arith.addi %add3A_1911, %get3A_1914 : vector<16xi32>
      %get3A_1916 = arith.constant 7664 : index
      %get3A_1917 = tpu.vector_load %arg5[%get3A_1916] {strides = array<i32>} : memref<8192xi32, #tpu.memory_space<vmem>>, vector<16xi32>,
      %get3A_1918 = vector.shape_cast %get3A_1917 : vector<16xi32> to vector<16xi32>
      %add3A_1919 = arith.addi %add3A_1915, %get3A_1918 : vector<16xi32>
      %get3A_1920 = arith.constant 7680 : index
      %get3A_1921 = tpu.vector_load %arg5[%get3A_1920] {strides = array<i32>} : memref<8192xi32, #tpu.memory_space<vmem>>, vector<16xi32>,
      %get3A_1922 = vector.shape_cast %get3A_1921 : vector<16xi32> to vector<16xi32>
      %add3A_1923 = arith.addi %add3A_1919, %get3A_1922 : vector<16xi32>
      %get3A_1924 = arith.constant 7696 : index
      %get3A_1925 = tpu.vector_load %arg5[%get3A_1924] {strides = array<i32>} : memref<8192xi32, #tpu.memory_space<vmem>>, vector<16xi32>,
      %get3A_1926 = vector.shape_cast %get3A_1925 : vector<16xi32> to vector<16xi32>
      %add3A_1927 = arith.addi %add3A_1923, %get3A_1926 : vector<16xi32>
      %get3A_1928 = arith.constant 7712 : index
      %get3A_1929 = tpu.vector_load %arg5[%get3A_1928] {strides = array<i32>} : memref<8192xi32, #tpu.memory_space<vmem>>, vector<16xi32>,
      %get3A_1930 = vector.shape_cast %get3A_1929 : vector<16xi32> to vector<16xi32>
      %add3A_1931 = arith.addi %add3A_1927, %get3A_1930 : vector<16xi32>
      %get3A_1932 = arith.constant 7728 : index
      %get3A_1933 = tpu.vector_load %arg5[%get3A_1932] {strides = array<i32>} : memref<8192xi32, #tpu.memory_space<vmem>>, vector<16xi32>,
      %get3A_1934 = vector.shape_cast %get3A_1933 : vector<16xi32> to vector<16xi32>
      %add3A_1935 = arith.addi %add3A_1931, %get3A_1934 : vector<16xi32>
      %get3A_1936 = arith.constant 7744 : index
      %get3A_1937 = tpu.vector_load %arg5[%get3A_1936] {strides = array<i32>} : memref<8192xi32, #tpu.memory_space<vmem>>, vector<16xi32>,
      %get3A_1938 = vector.shape_cast %get3A_1937 : vector<16xi32> to vector<16xi32>
      %add3A_1939 = arith.addi %add3A_1935, %get3A_1938 : vector<16xi32>
      %get3A_1940 = arith.constant 7760 : index
      %get3A_1941 = tpu.vector_load %arg5[%get3A_1940] {strides = array<i32>} : memref<8192xi32, #tpu.memory_space<vmem>>, vector<16xi32>,
      %get3A_1942 = vector.shape_cast %get3A_1941 : vector<16xi32> to vector<16xi32>
      %add3A_1943 = arith.addi %add3A_1939, %get3A_1942 : vector<16xi32>
      %get3A_1944 = arith.constant 7776 : index
      %get3A_1945 = tpu.vector_load %arg5[%get3A_1944] {strides = array<i32>} : memref<8192xi32, #tpu.memory_space<vmem>>, vector<16xi32>,
      %get3A_1946 = vector.shape_cast %get3A_1945 : vector<16xi32> to vector<16xi32>
      %add3A_1947 = arith.addi %add3A_1943, %get3A_1946 : vector<16xi32>
      %get3A_1948 = arith.constant 7792 : index
      %get3A_1949 = tpu.vector_load %arg5[%get3A_1948] {strides = array<i32>} : memref<8192xi32, #tpu.memory_space<vmem>>, vector<16xi32>,
      %get3A_1950 = vector.shape_cast %get3A_1949 : vector<16xi32> to vector<16xi32>
      %add3A_1951 = arith.addi %add3A_1947, %get3A_1950 : vector<16xi32>
      %get3A_1952 = arith.constant 7808 : index
      %get3A_1953 = tpu.vector_load %arg5[%get3A_1952] {strides = array<i32>} : memref<8192xi32, #tpu.memory_space<vmem>>, vector<16xi32>,
      %get3A_1954 = vector.shape_cast %get3A_1953 : vector<16xi32> to vector<16xi32>
      %add3A_1955 = arith.addi %add3A_1951, %get3A_1954 : vector<16xi32>
      %get3A_1956 = arith.constant 7824 : index
      %get3A_1957 = tpu.vector_load %arg5[%get3A_1956] {strides = array<i32>} : memref<8192xi32, #tpu.memory_space<vmem>>, vector<16xi32>,
      %get3A_1958 = vector.shape_cast %get3A_1957 : vector<16xi32> to vector<16xi32>
      %add3A_1959 = arith.addi %add3A_1955, %get3A_1958 : vector<16xi32>
      %get3A_1960 = arith.constant 7840 : index
      %get3A_1961 = tpu.vector_load %arg5[%get3A_1960] {strides = array<i32>} : memref<8192xi32, #tpu.memory_space<vmem>>, vector<16xi32>,
      %get3A_1962 = vector.shape_cast %get3A_1961 : vector<16xi32> to vector<16xi32>
      %add3A_1963 = arith.addi %add3A_1959, %get3A_1962 : vector<16xi32>
      %get3A_1964 = arith.constant 7856 : index
      %get3A_1965 = tpu.vector_load %arg5[%get3A_1964] {strides = array<i32>} : memref<8192xi32, #tpu.memory_space<vmem>>, vector<16xi32>,
      %get3A_1966 = vector.shape_cast %get3A_1965 : vector<16xi32> to vector<16xi32>
      %add3A_1967 = arith.addi %add3A_1963, %get3A_1966 : vector<16xi32>
      %get3A_1968 = arith.constant 7872 : index
      %get3A_1969 = tpu.vector_load %arg5[%get3A_1968] {strides = array<i32>} : memref<8192xi32, #tpu.memory_space<vmem>>, vector<16xi32>,
      %get3A_1970 = vector.shape_cast %get3A_1969 : vector<16xi32> to vector<16xi32>
      %add3A_1971 = arith.addi %add3A_1967, %get3A_1970 : vector<16xi32>
      %get3A_1972 = arith.constant 7888 : index
      %get3A_1973 = tpu.vector_load %arg5[%get3A_1972] {strides = array<i32>} : memref<8192xi32, #tpu.memory_space<vmem>>, vector<16xi32>,
      %get3A_1974 = vector.shape_cast %get3A_1973 : vector<16xi32> to vector<16xi32>
      %add3A_1975 = arith.addi %add3A_1971, %get3A_1974 : vector<16xi32>
      %get3A_1976 = arith.constant 7904 : index
      %get3A_1977 = tpu.vector_load %arg5[%get3A_1976] {strides = array<i32>} : memref<8192xi32, #tpu.memory_space<vmem>>, vector<16xi32>,
      %get3A_1978 = vector.shape_cast %get3A_1977 : vector<16xi32> to vector<16xi32>
      %add3A_1979 = arith.addi %add3A_1975, %get3A_1978 : vector<16xi32>
      %get3A_1980 = arith.constant 7920 : index
      %get3A_1981 = tpu.vector_load %arg5[%get3A_1980] {strides = array<i32>} : memref<8192xi32, #tpu.memory_space<vmem>>, vector<16xi32>,
      %get3A_1982 = vector.shape_cast %get3A_1981 : vector<16xi32> to vector<16xi32>
      %add3A_1983 = arith.addi %add3A_1979, %get3A_1982 : vector<16xi32>
      %get3A_1984 = arith.constant 7936 : index
      %get3A_1985 = tpu.vector_load %arg5[%get3A_1984] {strides = array<i32>} : memref<8192xi32, #tpu.memory_space<vmem>>, vector<16xi32>,
      %get3A_1986 = vector.shape_cast %get3A_1985 : vector<16xi32> to vector<16xi32>
      %add3A_1987 = arith.addi %add3A_1983, %get3A_1986 : vector<16xi32>
      %get3A_1988 = arith.constant 7952 : index
      %get3A_1989 = tpu.vector_load %arg5[%get3A_1988] {strides = array<i32>} : memref<8192xi32, #tpu.memory_space<vmem>>, vector<16xi32>,
      %get3A_1990 = vector.shape_cast %get3A_1989 : vector<16xi32> to vector<16xi32>
      %add3A_1991 = arith.addi %add3A_1987, %get3A_1990 : vector<16xi32>
      %get3A_1992 = arith.constant 7968 : index
      %get3A_1993 = tpu.vector_load %arg5[%get3A_1992] {strides = array<i32>} : memref<8192xi32, #tpu.memory_space<vmem>>, vector<16xi32>,
      %get3A_1994 = vector.shape_cast %get3A_1993 : vector<16xi32> to vector<16xi32>
      %add3A_1995 = arith.addi %add3A_1991, %get3A_1994 : vector<16xi32>
      %get3A_1996 = arith.constant 7984 : index
      %get3A_1997 = tpu.vector_load %arg5[%get3A_1996] {strides = array<i32>} : memref<8192xi32, #tpu.memory_space<vmem>>, vector<16xi32>,
      %get3A_1998 = vector.shape_cast %get3A_1997 : vector<16xi32> to vector<16xi32>
      %add3A_1999 = arith.addi %add3A_1995, %get3A_1998 : vector<16xi32>
      %get3A_2000 = arith.constant 8000 : index
      %get3A_2001 = tpu.vector_load %arg5[%get3A_2000] {strides = array<i32>} : memref<8192xi32, #tpu.memory_space<vmem>>, vector<16xi32>,
      %get3A_2002 = vector.shape_cast %get3A_2001 : vector<16xi32> to vector<16xi32>
      %add3A_2003 = arith.addi %add3A_1999, %get3A_2002 : vector<16xi32>
      %get3A_2004 = arith.constant 8016 : index
      %get3A_2005 = tpu.vector_load %arg5[%get3A_2004] {strides = array<i32>} : memref<8192xi32, #tpu.memory_space<vmem>>, vector<16xi32>,
      %get3A_2006 = vector.shape_cast %get3A_2005 : vector<16xi32> to vector<16xi32>
      %add3A_2007 = arith.addi %add3A_2003, %get3A_2006 : vector<16xi32>
      %get3A_2008 = arith.constant 8032 : index
      %get3A_2009 = tpu.vector_load %arg5[%get3A_2008] {strides = array<i32>} : memref<8192xi32, #tpu.memory_space<vmem>>, vector<16xi32>,
      %get3A_2010 = vector.shape_cast %get3A_2009 : vector<16xi32> to vector<16xi32>
      %add3A_2011 = arith.addi %add3A_2007, %get3A_2010 : vector<16xi32>
      %get3A_2012 = arith.constant 8048 : index
      %get3A_2013 = tpu.vector_load %arg5[%get3A_2012] {strides = array<i32>} : memref<8192xi32, #tpu.memory_space<vmem>>, vector<16xi32>,
      %get3A_2014 = vector.shape_cast %get3A_2013 : vector<16xi32> to vector<16xi32>
      %add3A_2015 = arith.addi %add3A_2011, %get3A_2014 : vector<16xi32>
      %get3A_2016 = arith.constant 8064 : index
      %get3A_2017 = tpu.vector_load %arg5[%get3A_2016] {strides = array<i32>} : memref<8192xi32, #tpu.memory_space<vmem>>, vector<16xi32>,
      %get3A_2018 = vector.shape_cast %get3A_2017 : vector<16xi32> to vector<16xi32>
      %add3A_2019 = arith.addi %add3A_2015, %get3A_2018 : vector<16xi32>
      %get3A_2020 = arith.constant 8080 : index
      %get3A_2021 = tpu.vector_load %arg5[%get3A_2020] {strides = array<i32>} : memref<8192xi32, #tpu.memory_space<vmem>>, vector<16xi32>,
      %get3A_2022 = vector.shape_cast %get3A_2021 : vector<16xi32> to vector<16xi32>
      %add3A_2023 = arith.addi %add3A_2019, %get3A_2022 : vector<16xi32>
      %get3A_2024 = arith.constant 8096 : index
      %get3A_2025 = tpu.vector_load %arg5[%get3A_2024] {strides = array<i32>} : memref<8192xi32, #tpu.memory_space<vmem>>, vector<16xi32>,
      %get3A_2026 = vector.shape_cast %get3A_2025 : vector<16xi32> to vector<16xi32>
      %add3A_2027 = arith.addi %add3A_2023, %get3A_2026 : vector<16xi32>
      %get3A_2028 = arith.constant 8112 : index
      %get3A_2029 = tpu.vector_load %arg5[%get3A_2028] {strides = array<i32>} : memref<8192xi32, #tpu.memory_space<vmem>>, vector<16xi32>,
      %get3A_2030 = vector.shape_cast %get3A_2029 : vector<16xi32> to vector<16xi32>
      %add3A_2031 = arith.addi %add3A_2027, %get3A_2030 : vector<16xi32>
      %get3A_2032 = arith.constant 8128 : index
      %get3A_2033 = tpu.vector_load %arg5[%get3A_2032] {strides = array<i32>} : memref<8192xi32, #tpu.memory_space<vmem>>, vector<16xi32>,
      %get3A_2034 = vector.shape_cast %get3A_2033 : vector<16xi32> to vector<16xi32>
      %add3A_2035 = arith.addi %add3A_2031, %get3A_2034 : vector<16xi32>
      %get3A_2036 = arith.constant 8144 : index
      %get3A_2037 = tpu.vector_load %arg5[%get3A_2036] {strides = array<i32>} : memref<8192xi32, #tpu.memory_space<vmem>>, vector<16xi32>,
      %get3A_2038 = vector.shape_cast %get3A_2037 : vector<16xi32> to vector<16xi32>
      %add3A_2039 = arith.addi %add3A_2035, %get3A_2038 : vector<16xi32>
      %get3A_2040 = arith.constant 8160 : index
      %get3A_2041 = tpu.vector_load %arg5[%get3A_2040] {strides = array<i32>} : memref<8192xi32, #tpu.memory_space<vmem>>, vector<16xi32>,
      %get3A_2042 = vector.shape_cast %get3A_2041 : vector<16xi32> to vector<16xi32>
      %add3A_2043 = arith.addi %add3A_2039, %get3A_2042 : vector<16xi32>
      %get3A_2044 = arith.constant 8176 : index
      %get3A_2045 = tpu.vector_load %arg5[%get3A_2044] {strides = array<i32>} : memref<8192xi32, #tpu.memory_space<vmem>>, vector<16xi32>,
      %get3A_2046 = vector.shape_cast %get3A_2045 : vector<16xi32> to vector<16xi32>
      %add3A_2047 = arith.addi %add3A_2043, %get3A_2046 : vector<16xi32>
      %slice3A = vector.extract_strided_slice %add3A_2047 {offsets = [0], sizes = [1], strides = [1]} : vector<16xi32> to vector<1xi32>
      %squeeze3A = vector.extract %slice3A[0] : i32 from vector<1xi32>
      %slice3A_2048 = vector.extract_strided_slice %add3A_2047 {offsets = [1], sizes = [1], strides = [1]} : vector<16xi32> to vector<1xi32>
      %squeeze3A_2049 = vector.extract %slice3A_2048[0] : i32 from vector<1xi32>
      %add3A_2050 = arith.addi %squeeze3A, %squeeze3A_2049 : i32
      %slice3A_2051 = vector.extract_strided_slice %add3A_2047 {offsets = [2], sizes = [1], strides = [1]} : vector<16xi32> to vector<1xi32>
      %squeeze3A_2052 = vector.extract %slice3A_2051[0] : i32 from vector<1xi32>
      %add3A_2053 = arith.addi %add3A_2050, %squeeze3A_2052 : i32
      %slice3A_2054 = vector.extract_strided_slice %add3A_2047 {offsets = [3], sizes = [1], strides = [1]} : vector<16xi32> to vector<1xi32>
      %squeeze3A_2055 = vector.extract %slice3A_2054[0] : i32 from vector<1xi32>
      %add3A_2056 = arith.addi %add3A_2053, %squeeze3A_2055 : i32
      %slice3A_2057 = vector.extract_strided_slice %add3A_2047 {offsets = [4], sizes = [1], strides = [1]} : vector<16xi32> to vector<1xi32>
      %squeeze3A_2058 = vector.extract %slice3A_2057[0] : i32 from vector<1xi32>
      %add3A_2059 = arith.addi %add3A_2056, %squeeze3A_2058 : i32
      %slice3A_2060 = vector.extract_strided_slice %add3A_2047 {offsets = [5], sizes = [1], strides = [1]} : vector<16xi32> to vector<1xi32>
      %squeeze3A_2061 = vector.extract %slice3A_2060[0] : i32 from vector<1xi32>
      %add3A_2062 = arith.addi %add3A_2059, %squeeze3A_2061 : i32
      %slice3A_2063 = vector.extract_strided_slice %add3A_2047 {offsets = [6], sizes = [1], strides = [1]} : vector<16xi32> to vector<1xi32>
      %squeeze3A_2064 = vector.extract %slice3A_2063[0] : i32 from vector<1xi32>
      %add3A_2065 = arith.addi %add3A_2062, %squeeze3A_2064 : i32
      %slice3A_2066 = vector.extract_strided_slice %add3A_2047 {offsets = [7], sizes = [1], strides = [1]} : vector<16xi32> to vector<1xi32>
      %squeeze3A_2067 = vector.extract %slice3A_2066[0] : i32 from vector<1xi32>
      %add3A_2068 = arith.addi %add3A_2065, %squeeze3A_2067 : i32
      %slice3A_2069 = vector.extract_strided_slice %add3A_2047 {offsets = [8], sizes = [1], strides = [1]} : vector<16xi32> to vector<1xi32>
      %squeeze3A_2070 = vector.extract %slice3A_2069[0] : i32 from vector<1xi32>
      %add3A_2071 = arith.addi %add3A_2068, %squeeze3A_2070 : i32
      %slice3A_2072 = vector.extract_strided_slice %add3A_2047 {offsets = [9], sizes = [1], strides = [1]} : vector<16xi32> to vector<1xi32>
      %squeeze3A_2073 = vector.extract %slice3A_2072[0] : i32 from vector<1xi32>
      %add3A_2074 = arith.addi %add3A_2071, %squeeze3A_2073 : i32
      %slice3A_2075 = vector.extract_strided_slice %add3A_2047 {offsets = [10], sizes = [1], strides = [1]} : vector<16xi32> to vector<1xi32>
      %squeeze3A_2076 = vector.extract %slice3A_2075[0] : i32 from vector<1xi32>
      %add3A_2077 = arith.addi %add3A_2074, %squeeze3A_2076 : i32
      %slice3A_2078 = vector.extract_strided_slice %add3A_2047 {offsets = [11], sizes = [1], strides = [1]} : vector<16xi32> to vector<1xi32>
      %squeeze3A_2079 = vector.extract %slice3A_2078[0] : i32 from vector<1xi32>
      %add3A_2080 = arith.addi %add3A_2077, %squeeze3A_2079 : i32
      %slice3A_2081 = vector.extract_strided_slice %add3A_2047 {offsets = [12], sizes = [1], strides = [1]} : vector<16xi32> to vector<1xi32>
      %squeeze3A_2082 = vector.extract %slice3A_2081[0] : i32 from vector<1xi32>
      %add3A_2083 = arith.addi %add3A_2080, %squeeze3A_2082 : i32
      %slice3A_2084 = vector.extract_strided_slice %add3A_2047 {offsets = [13], sizes = [1], strides = [1]} : vector<16xi32> to vector<1xi32>
      %squeeze3A_2085 = vector.extract %slice3A_2084[0] : i32 from vector<1xi32>
      %add3A_2086 = arith.addi %add3A_2083, %squeeze3A_2085 : i32
      %slice3A_2087 = vector.extract_strided_slice %add3A_2047 {offsets = [14], sizes = [1], strides = [1]} : vector<16xi32> to vector<1xi32>
      %squeeze3A_2088 = vector.extract %slice3A_2087[0] : i32 from vector<1xi32>
      %add3A_2089 = arith.addi %add3A_2086, %squeeze3A_2088 : i32
      %slice3A_2090 = vector.extract_strided_slice %add3A_2047 {offsets = [15], sizes = [1], strides = [1]} : vector<16xi32> to vector<1xi32>
      %squeeze3A_2091 = vector.extract %slice3A_2090[0] : i32 from vector<1xi32>
      %add3A_2092 = arith.addi %add3A_2089, %squeeze3A_2091 : i32
      %sub3A = arith.constant 1 : i32
      %sub3A_2093 = arith.subi %add3A_2092, %sub3A : i32
      %broadcast_in_dim3A = vector.broadcast %sub3A_2093 : i32 to vector<16xi32>
      %dma_start3A = arith.constant 0 : i32
      %dma_start3A_2094 = arith.constant 0 : i32
      %dma_start3A_2095 = tpu.memref_slice %arg2[%arg1, %dma_start3A, %dma_start3A_2094] : memref<4x8192x1024xf32, #tpu.memory_space<hbm>> -> memref<1x8192x1024xf32, #tpu.memory_space<hbm>>
      %dma_start3A_2096 = tpu.memref_squeeze %dma_start3A_2095 : memref<1x8192x1024xf32, #tpu.memory_space<hbm>> -> memref<8192x1024xf32, #tpu.memory_space<hbm>>
      %dma_start3A_2097 = arith.constant 0 : i32
      %dma_start3A_2098 = arith.constant 0 : i32
      %dma_start3A_2099 = tpu.memref_slice %dma_start3A_2096[%dma_start3A_2097, %dma_start3A_2098] : memref<8192x1024xf32, #tpu.memory_space<hbm>> -> memref<8192x1024xf32, #tpu.memory_space<hbm>>
      tpu.enqueue_indirect_dma source(%dma_start3A_2099 : memref<8192x1024xf32, #tpu.memory_space<hbm>>) target(%arg6 : memref<16x1024xf32, #tpu.memory_space<vmem>>) offsets(%broadcast_in_dim3A : vector<16xi32>) semaphore(%arg7 : memref<!tpu.dma_semaphore, #tpu.memory_space<semaphore_mem>>)
      %dma_wait3A = arith.constant 0 : i32
      %dma_wait3A_2100 = arith.constant 0 : i32
      %dma_wait3A_2101 = tpu.memref_slice %arg2[%arg1, %dma_wait3A, %dma_wait3A_2100] : memref<4x8192x1024xf32, #tpu.memory_space<hbm>> -> memref<1x8192x1024xf32, #tpu.memory_space<hbm>>
      %dma_wait3A_2102 = tpu.memref_squeeze %dma_wait3A_2101 : memref<1x8192x1024xf32, #tpu.memory_space<hbm>> -> memref<8192x1024xf32, #tpu.memory_space<hbm>>
      %dma_wait3A_2103 = arith.constant 0 : i32
      %dma_wait3A_2104 = arith.constant 0 : i32
      %dma_wait3A_2105 = tpu.memref_slice %dma_wait3A_2102[%dma_wait3A_2103, %dma_wait3A_2104] : memref<8192x1024xf32, #tpu.memory_space<hbm>> -> memref<8192x1024xf32, #tpu.memory_space<hbm>>
      tpu.wait_indirect_dma semaphore(%arg7 : memref<!tpu.dma_semaphore, #tpu.memory_space<semaphore_mem>>) src(%dma_wait3A_2105 : memref<8192x1024xf32, #tpu.memory_space<hbm>>) dst(%arg6 : memref<16x1024xf32, #tpu.memory_space<vmem>>)
      %run_scoped3A = arith.constant 0 : i32
      "tpu.region"() ({
        %run_scoped3A_2106 = tpu.sem_alloc : memref<!tpu.dma_semaphore, #tpu.memory_space<semaphore_mem>>
        %dma_start3A_2107 = arith.constant 0 : i32
        %dma_start3A_2108 = tpu.memref_slice %arg6[%run_scoped3A, %dma_start3A_2107] : memref<16x1024xf32, #tpu.memory_space<vmem>> -> memref<1x1024xf32, #tpu.memory_space<vmem>>
        %dma_start3A_2109 = tpu.memref_squeeze %dma_start3A_2108 : memref<1x1024xf32, #tpu.memory_space<vmem>> -> memref<1024xf32, #tpu.memory_space<vmem>>
        %dma_start3A_2110 = arith.constant 0 : i32
        %dma_start3A_2111 = tpu.memref_slice %arg4[%arg1, %dma_start3A_2110] : memref<4x1024xf32, #tpu.memory_space<hbm>> -> memref<1x1024xf32, #tpu.memory_space<hbm>>
        %dma_start3A_2112 = tpu.memref_squeeze %dma_start3A_2111 : memref<1x1024xf32, #tpu.memory_space<hbm>> -> memref<1024xf32, #tpu.memory_space<hbm>>
        %dma_start3A_2113 = arith.constant 0 : i32
        %dma_start3A_2114 = tpu.memref_slice %arg4[%arg1, %dma_start3A_2113] : memref<4x1024xf32, #tpu.memory_space<hbm>> -> memref<1x1024xf32, #tpu.memory_space<hbm>>
        %dma_start3A_2115 = tpu.memref_squeeze %dma_start3A_2114 : memref<1x1024xf32, #tpu.memory_space<hbm>> -> memref<1024xf32, #tpu.memory_space<hbm>>
        %dma_start3A_2116 = arith.constant 0 : i32
        %dma_start3A_2117 = tpu.memref_slice %arg6[%run_scoped3A, %dma_start3A_2116] : memref<16x1024xf32, #tpu.memory_space<vmem>> -> memref<1x1024xf32, #tpu.memory_space<vmem>>
        %dma_start3A_2118 = tpu.memref_squeeze %dma_start3A_2117 : memref<1x1024xf32, #tpu.memory_space<vmem>> -> memref<1024xf32, #tpu.memory_space<vmem>>
        tpu.enqueue_dma source(%dma_start3A_2118 : memref<1024xf32, #tpu.memory_space<vmem>>) target(%dma_start3A_2115 : memref<1024xf32, #tpu.memory_space<hbm>>) target_semaphore(%run_scoped3A_2106 : memref<!tpu.dma_semaphore, #tpu.memory_space<semaphore_mem>>)
        %dma_wait3A_2119 = arith.constant 0 : i32
        %dma_wait3A_2120 = tpu.memref_slice %arg6[%run_scoped3A, %dma_wait3A_2119] : memref<16x1024xf32, #tpu.memory_space<vmem>> -> memref<1x1024xf32, #tpu.memory_space<vmem>>
        %dma_wait3A_2121 = tpu.memref_squeeze %dma_wait3A_2120 : memref<1x1024xf32, #tpu.memory_space<vmem>> -> memref<1024xf32, #tpu.memory_space<vmem>>
        %dma_wait3A_2122 = arith.constant 0 : i32
        %dma_wait3A_2123 = tpu.memref_slice %arg4[%arg1, %dma_wait3A_2122] : memref<4x1024xf32, #tpu.memory_space<hbm>> -> memref<1x1024xf32, #tpu.memory_space<hbm>>
        %dma_wait3A_2124 = tpu.memref_squeeze %dma_wait3A_2123 : memref<1x1024xf32, #tpu.memory_space<hbm>> -> memref<1024xf32, #tpu.memory_space<hbm>>
        %dma_wait3A_2125 = arith.constant 0 : i32
        %dma_wait3A_2126 = tpu.memref_slice %arg4[%arg1, %dma_wait3A_2125] : memref<4x1024xf32, #tpu.memory_space<hbm>> -> memref<1x1024xf32, #tpu.memory_space<hbm>>
        %dma_wait3A_2127 = tpu.memref_squeeze %dma_wait3A_2126 : memref<1x1024xf32, #tpu.memory_space<hbm>> -> memref<1024xf32, #tpu.memory_space<hbm>>
        %dma_wait3A_2128 = arith.constant 0 : i32
        %dma_wait3A_2129 = tpu.memref_slice %arg6[%run_scoped3A, %dma_wait3A_2128] : memref<16x1024xf32, #tpu.memory_space<vmem>> -> memref<1x1024xf32, #tpu.memory_space<vmem>>
        %dma_wait3A_2130 = tpu.memref_squeeze %dma_wait3A_2129 : memref<1x1024xf32, #tpu.memory_space<vmem>> -> memref<1024xf32, #tpu.memory_space<vmem>>
        tpu.wait_dma2 semaphore(%run_scoped3A_2106 : memref<!tpu.dma_semaphore, #tpu.memory_space<semaphore_mem>>) src(%dma_wait3A_2130 : memref<1024xf32, #tpu.memory_space<vmem>>) dst(%dma_wait3A_2127 : memref<1024xf32, #tpu.memory_space<hbm>>)
        tpu.yield
      }) : () -> ()
    } else {
    }
    return
  }
}

</mosaic_0001>

<sc_bundles>
// kernel: kernel.3.cloned.1.call-start
scs
__scs_entry_jumppad:
0x0: {  	(pc) =	sbr.rel $0x88, $3  }
0x1: {  	(tag) =	ssettag $0x0;
	lr =	simm.s32 $0x1  }
0x2: {  	[smem:$0x3F9F] =	sst lr;
	_ =	strace $0xD0000000  }
0x3: {  	_ = 	snop  }
0x4: {  	_ = 	snop  }
0x5: {  	_ = 	snop  }
0x6: {  	_ = 	snop  }
0x7: {  	_ = 	snop  }
__scs_overlays_trampoline_lowered:
0x8: {  	[smem:$0x3FAE] =	sst s0  }
0x9: {  	[smem:$0x3FAF] =	sst s1  }
0xa: {  	[smem:$0x3FB0] =	sst s2  }
0xb: {  	[smem:$0x3FB1] =	sst s3  }
0xc: {  	[smem:$0x3FB2] =	sst s4  }
0xd: {  	[smem:$0x3FB3] =	sst s5  }
0xe: {  	[smem:$0x3FB4] =	sst s6  }
0xf: {  	[smem:$0x3FB5] =	sst s7  }
0x10: {  	[smem:$0x3FB6] =	sst s8  }
0x11: {  	[smem:$0x3FB7] =	sst s9;
	s0 =	simm.s32 @!p0 $0x0  }
0x12: {  	s1 =	sld [smem:$0x3F9D];
	s0 =	simm.s32 @p0 $0x1  }
0x13: {  	[smem:$0x3FB8] =	sst s0;
	s0 =	simm.s32 @!p1 $0x0  }
0x14: {  	s2 =	sld [smem:$0x3F9C];
	s0 =	simm.s32 @p1 $0x1  }
0x15: {  	[smem:$0x3FB9] =	sst s0;
	s0 =	simm.s32 @!p2 $0x0  }
0x16: {  	s3 =	sld [smem:$0x3FDB];
	s0 =	simm.s32 @p2 $0x1  }
0x17: {  	s4 =	simm.s32 $0x1BF5;
	[smem:$0x3FBB] =	sst s0  }
0x18: {  	s0 =	sld [smem:$0x3F9E];
	_ =	swait.ge [sflag:s4], $0x0  }
0x19: {  	s7 =	sld [smem:$0x3F9F]  }
0x1a: {  	s8 =	sadd.s32 $0xFFFFE003, lr  }
0x1b: {  	s9 =	sadd.s32 $0xFFFFFEF7, lr;
	s5 =	simm.s32 $0xFFFFFFFF;
	p2 =	slt.u32 s8, $0xFFFFF086  }
0x1c: {  	p1 =	slt.u32 s9, $0xF7A;
	s5 =	simm.s32 @!p2 $0x0  }
0x1d: {  	s5 =	simm.s32 @p1 $0x1;
	p0 =	seq.s32 s7, s2  }
0x1e: {  	s7 =	smul.u32 @!p0 $0xF7A, s2;
	p2 =	seq.s32 @!p0 s5, $0x0  }
0x1f: {  	s9 =	smul.u32 $0xF7A, s1;
	s8 =	simm.s32 @!p0 $0x1BF5;
	p2 =	por !p2, p0  }
0x20: {  	[sflag:s8] =	ssyncset.s32 @!p0 $0xFFFFF086;
	s6 =	sadd.s32 @!p0 s3, s7;
	s7 =	simm.s32 @!p0 $0x108  }
0x21: {  	s3 =	sadd.s32 s3, s9;
	s6 =	sadd.s32 @!p0 $0x88, s6;
	s7 =	simm.s32 @p2 $0x1082  }
0x22: {  	[simem:s7], [sflag:s8] =	dma.local @!p0 [hbm:s6], $0xF7A  }
0x23: {  	s9 =	sor.u32 $0xD0000000, s2;
	s6 =	simm.s32 $0x108;
	_ =	swait.ge @!p0 [sflag:s8], $0x0  }
0x24: {  	s3 =	sadd.s32 $0x88, s3;
	s6 =	simm.s32 @!p1 $0x1082;
	[sflag:s4] =	ssyncset.s32 $0xFFFFF086  }
0x25: {  	[simem:s6], [sflag:s4] =	dma.local [hbm:s3], $0xF7A  }
0x26: {  	[smem:$0x3F9F] =	sst s1;
	(tag) =	ssettag s2;
	_ =	strace s9  }
0x27: {  	s1 =	sld [smem:$0x3FAF]  }
0x28: {  	s2 =	sld [smem:$0x3FB0]  }
0x29: {  	s4 =	sld [smem:$0x3FB2]  }
0x2a: {  	p0 =	seq.s32 s5, $0x0;
	s5 =	sld [smem:$0x3FB3]  }
0x2b: {  	s6 =	sld [smem:$0x3FB4]  }
0x2c: {  	s7 =	sld [smem:$0x3FB5]  }
0x2d: {  	s3 =	simm.s32 $0x108;
	s8 =	sld [smem:$0x3FB6]  }
0x2e: {  	s3 =	simm.s32 @!p0 $0x1082;
	s9 =	sld [smem:$0x3FB7]  }
0x2f: {  	lr =	sadd.s32 s0, s3;
	s0 =	sld [smem:$0x3FAE]  }
0x30: {  	s3 =	sld [smem:$0x3FB1]  }
0x31: {  	[smem:$0x3FBA] =	sst s10  }
0x32: {  	s10 =	sld [smem:$0x3FB8];
	_ =	sdelay $0x3  }
0x33: {  	p0 =	seq.s32 s10, $0x1;
	s10 =	sld [smem:$0x3FBA];
	_ =	sdelay $0x3  }
0x34: {  	[smem:$0x3FBA] =	sst s10  }
0x35: {  	s10 =	sld [smem:$0x3FB9];
	_ =	sdelay $0x3  }
0x36: {  	p1 =	seq.s32 s10, $0x1;
	s10 =	sld [smem:$0x3FBA];
	_ =	sdelay $0x3  }
0x37: {  	[smem:$0x3FBA] =	sst s10  }
0x38: {  	s10 =	sld [smem:$0x3FBB]  }
0x39: {  	_ = 	snop;
	(pc) =	sbr.ind lr, $3  }
0x3a: {  	_ = 	snop  }
0x3b: {  	_ = 	snop  }
0x3c: {  	p2 =	seq.s32 s10, $0x1;
	s10 =	sld [smem:$0x3FBA]  }
0x3d: {  	_ =	shalt  }
0x3e: {  	_ =	shalt  }
0x3f: {  	_ =	shalt  }
0x40: {  	_ =	shalt  }
0x41: {  	_ =	shalt  }
0x42: {  	_ =	shalt  }
0x43: {  	_ =	shalt  }
0x44: {  	_ =	shalt  }
0x45: {  	_ =	shalt  }
0x46: {  	_ =	shalt  }
0x47: {  	_ =	shalt  }
0x48: {  	_ =	shalt  }
0x49: {  	_ =	shalt  }
0x4a: {  	_ =	shalt  }
0x4b: {  	_ =	shalt  }
0x4c: {  	_ =	shalt  }
0x4d: {  	_ =	shalt  }
0x4e: {  	_ =	shalt  }
0x4f: {  	_ =	shalt  }
0x50: {  	_ =	shalt  }
0x51: {  	_ =	shalt  }
0x52: {  	_ =	shalt  }
0x53: {  	_ =	shalt  }
0x54: {  	_ =	shalt  }
0x55: {  	_ =	shalt  }
0x56: {  	_ =	shalt  }
0x57: {  	_ =	shalt  }
0x58: {  	_ =	shalt  }
0x59: {  	_ =	shalt  }
0x5a: {  	_ =	shalt  }
0x5b: {  	_ =	shalt  }
0x5c: {  	_ =	shalt  }
0x5d: {  	_ =	shalt  }
0x5e: {  	_ =	shalt  }
0x5f: {  	_ =	shalt  }
0x60: {  	_ =	shalt  }
0x61: {  	_ =	shalt  }
0x62: {  	_ =	shalt  }
0x63: {  	_ =	shalt  }
0x64: {  	_ =	shalt  }
0x65: {  	_ =	shalt  }
0x66: {  	_ =	shalt  }
0x67: {  	_ =	shalt  }
0x68: {  	_ =	shalt  }
0x69: {  	_ =	shalt  }
0x6a: {  	_ =	shalt  }
0x6b: {  	_ =	shalt  }
0x6c: {  	_ =	shalt  }
0x6d: {  	_ =	shalt  }
0x6e: {  	_ =	shalt  }
0x6f: {  	_ =	shalt  }
0x70: {  	_ =	shalt  }
0x71: {  	_ =	shalt  }
0x72: {  	_ =	shalt  }
0x73: {  	_ =	shalt  }
0x74: {  	_ =	shalt  }
0x75: {  	_ =	shalt  }
0x76: {  	_ =	shalt  }
0x77: {  	_ =	shalt  }
0x78: {  	_ =	shalt  }
0x79: {  	_ =	shalt  }
0x7a: {  	_ =	shalt  }
0x7b: {  	_ =	shalt  }
0x7c: {  	_ =	shalt  }
0x7d: {  	_ =	shalt  }
0x7e: {  	_ =	shalt  }
0x7f: {  	_ =	shalt  }
0x80: {  	_ =	shalt  }
0x81: {  	_ =	shalt  }
0x82: {  	_ =	shalt  }
0x83: {  	_ =	shalt  }
0x84: {  	_ =	shalt  }
0x85: {  	_ =	shalt  }
0x86: {  	_ =	shalt  }
0x87: {  	_ =	shalt  }
.Lfunc_end0:
.L_simem_size_0:
called_computation_lowered:
.L_overlay_start_0:
0x88: {  	s0 =	sld [smem:$0x3FD9]  }
0x89: {  	s1 =	sld [smem:$0x3FFE];
	_ =	sdelay $0x3  }
0x8a: {  	s0 =	sadd.s32 s1, s0  }
0x8b: {  	[smem:$0x3FC6] =	sst s0  }
0x8c: {  	_ = 	snop  }
0x8d: {  	s0 =	sld [smem:$0x3FC9]  }
0x8e: {  	s16 =	sld [smem:$0x3FD0];
	(tm) =	ssettm $0x1  }
0x8f: {  	s2 =	sld [smem:$0x3FFB];
	_ =	sdelay $0x3  }
0x90: {  	_ =	strace s2  }
0x91: {  	s2 =	sld [smem:$0x3FFC];
	_ =	sdelay $0x3  }
0x92: {  	_ =	strace s2  }
0x93: {  	s2 =	sld [smem:$0x3FFD];
	_ =	sdelay $0x3  }
0x94: {  	_ =	strace s2  }
0x95: {  	_ =	strace $0x8FFFFFFF  }
0x96: {  	s17 =	sld [smem:$0x3FDB];
	_ =	sdelay $0x1  }
0x97: {  	s3 =	simm.s32 $_scs_section_size  }
0x98: {  	s4 =	simm.s32 $_size__tile_overlayer_lowered;
	s5 =	simm.s32 $_tile_overlayer_lowered  }
0x99: {  	s20 =	simm.s32 $0x1BFF;
	s19 =	sshll.u32 s5, $0x1;
	s2 =	sadd.s32 s3, s17  }
0x9a: {  	s6 =	simm.s32 $0x0;
	s18 =	sshll.u32 s4, $0x1;
	s4 =	sadd.s32 s19, s2  }
0x9b: {  	[timem:s6], [sflag:s20] =	dma.local [hbm:s4], s18  }
0x9c: {  	_ =	swait.ge [sflag:s20], s18  }
0x9d: {  	s3 =	ssub.s32 $0x0, s18;
	[sflag:s20] =	ssyncset.done $0x0  }
0x9e: {  	[sflag:s20] =	ssyncadd.s32 s3;
	_ =	sdelay $0x1  }
0x9f: {  	s21 =	simm.s32 $0x1B8B  }
0xa0: {  	_ =	swait.ge [sflag:s21], $0x1  }
0xa1: {  	[sflag:s21] =	ssyncset.done $0x0  }
0xa2: {  	s23 =	simm.s32 $0x1B8E;
	s22 =	sld [smem:$0x3FFE];
	[sflag:s21] =	ssyncadd.s32 $0xFFFFFFFF  }
0xa3: {  	s24 =	simm.s32 $execute0_lowered;
	[smem:$0x3FD2] =	sst s23  }
0xa4: {  	s4 =	sshll.u32 s24, $0x1;
	_ =	strace $0x80000046;
	[dreg:$0x1] =	wrdreg $0xFFFFFFFF  }
0xa5: {  	s25 =	simm.s32 $_size_execute0_lowered;
	s2 =	sadd.s32 s2, s4;
	[dreg:$0x0] =	wrdreg $0x0  }
0xa6: {  	s4 =	sshll.u32 s25, $0x1;
	[dreg:$0x2] =	wrdreg s2  }
0xa7: {  	[dreg:$0x3] =	wrdreg s4  }
0xa8: {  	[dreg:$0x4] =	wrdreg $0xC0  }
0xa9: {  	_ =	task [dreg:s6], $0x5FFFF  }
0xaa: {  	[dreg:$0x1] =	wrdreg $0xFFFFFFFF  }
0xab: {  	[dreg:$0x0] =	wrdreg $0x60  }
0xac: {  	[dreg:$0x2] =	wrdreg s0  }
0xad: {  	[dreg:$0x3] =	wrdreg s22  }
0xae: {  	[dreg:$0x4] =	wrdreg s16  }
0xaf: {  	[dreg:$0x5] =	wrdreg $0x9  }
0xb0: {  	_ =	task.clear_ibuf [dreg:s6], $0x6FFFF;
	_ =	strace $0x90000046  }
0xb1: {  	s26 =	simm.s32 $0x9;
	_ =	strace $0x80000048  }
0xb2: {  	_ =	swait.ge [sflag:s26], $0x1  }
0xb3: {  	[sflag:s26] =	ssyncadd.s32 $0xFFFFFFFF  }
0xb4: {  	_ =	strace $0x90000048  }
0xb5: {  	_ =	sfence  }
0xb6: {  	s28 =	sld [smem:$0x0];
	_ =	sdelay $0x1  }
0xb7: {  	s29 =	srdreg.scid  }
0xb8: {  	s30 =	sshll.u32 s29, $0xD;
	s31 =	sshrl.u32 s29, $0x2  }
0xb9: {  	s1 =	sand.u32 $0x1, s29;
	s2 =	sand.u32 $0x4000, s30;
	s0 =	sadd.s32 s31, s28  }
0xba: {  	s1 =	sor.u32 s2, s1;
	s0 =	sshll.u32 s0, $0x11  }
0xbb: {  	s0 =	sor.u32 s0, s1  }
0xbc: {  	s0 =	sadd.s32 $0x8F2B, s0  }
0xbd: {  	[sflag:s0] =	ssyncadd.remote.s32 $0x1  }
0xbe: {  	_ =	sfence.sel $0xFFFF  }
0xbf: {  	[dreg:$0x0] =	wrdreg $0xFFFFFFFF;
	(pc) =	sbr.abs _section_cstart, $3  }
0xc0: {  	[dreg:$0x1] =	wrdreg $0xFFFFFFFF  }
0xc1: {  	_ =	task.clear_ibuf [dreg:s6], $0x2FFFF;
	_ =	strace $0x9FFFFFFF  }
0xc2: {  	(tm) =	ssettm $0x7FFFFFFF  }
0xc3: {  	_ =	shalt  }
tec
execute0_lowered:
.L_overlay_start_1:
0x0: {  	(tag) =	ssettag $0x1  }
0x1: {  	s1 =	stileid.u32  }
0x2: {  	p0 =	sgt.u32 s1, $0x3  }
.Ltmp0:
0x3: {  	s6 =	rddreg [dreg:$0x0];
	(pc) =	sbr.rel @p0 .LBB2_2-.Ltmp0, $4  }
0x4: {  	s3 =	rddreg [dreg:$0x1]  }
0x5: {  	s4 =	rddreg [dreg:$0x2];
	s2 =	simm.s32 $0x0  }
0x6: {  	[smem:$0x7FF] =	sst s2  }
0x7: {  	s0 =	rddreg [dreg:$0x3];
	_ =	strace $0x80000047  }
0x8: {  	s3 =	sadd.s32 $0x400, s3;
	s5 =	sshll.u32 s1, $0x4  }
0x9: {  	s7 =	simm.s32 $0x80;
	s8 =	simm.s32 $0x200;
	s3 =	sadd.s32 s3, s5  }
0xa: {  	[tilespmem:s2], [sflag:$0x2] =	stream.strided.gather [hbm4b:s3+s7], $0x2000, s8, s7, $0x38;
	[tilespmem:$0x6000] =	vst v63  }
0xb: {  	s3 =	simm.s32 $0x2  }
0xc: {  	_ =	swait.ge [sflag:s3], $0x2000  }
0xd: {  	[sflag:s3] =	ssyncset.done $0x0  }
0xe: {  	[sflag:s3] =	ssyncadd.s32 $0xFFFFE000  }
0xf: {  	v0 =	vld [tilespmem:$0x0]  }
0x10: {  	v1 =	vld [tilespmem:$0x10]  }
0x11: {  	v2 =	vld [tilespmem:$0x20]  }
0x12: {  	v3 =	vld [tilespmem:$0x30]  }
0x13: {  	v4 =	vld [tilespmem:$0x40]  }
0x14: {  	v5 =	vld [tilespmem:$0x50]  }
0x15: {  	v57 =	vld [tilespmem:$0x60];
	v0 =	vadd.s32 v0, v1  }
0x16: {  	v58 =	vld [tilespmem:$0x70];
	v0 =	vadd.s32 v2, v0  }
0x17: {  	v59 =	vld [tilespmem:$0x80];
	v0 =	vadd.s32 v3, v0  }
0x18: {  	v60 =	vld [tilespmem:$0x90];
	v0 =	vadd.s32 v4, v0  }
0x19: {  	v61 =	vld [tilespmem:$0xA0];
	v0 =	vadd.s32 v5, v0  }
0x1a: {  	v62 =	vld [tilespmem:$0xB0];
	v0 =	vadd.s32 v57, v0  }
0x1b: {  	v63 =	vld [tilespmem:$0xC0];
	v0 =	vadd.s32 v58, v0  }
0x1c: {  	v8 =	vld [tilespmem:$0xD0];
	v0 =	vadd.s32 v59, v0  }
0x1d: {  	v9 =	vld [tilespmem:$0xE0];
	v0 =	vadd.s32 v60, v0  }
0x1e: {  	v10 =	vld [tilespmem:$0xF0];
	v0 =	vadd.s32 v61, v0  }
0x1f: {  	v11 =	vld [tilespmem:$0x100];
	v0 =	vadd.s32 v62, v0  }
0x20: {  	v12 =	vld [tilespmem:$0x110];
	v0 =	vadd.s32 v63, v0  }
0x21: {  	v13 =	vld [tilespmem:$0x120];
	v0 =	vadd.s32 v8, v0  }
0x22: {  	v14 =	vld [tilespmem:$0x130];
	v0 =	vadd.s32 v9, v0  }
0x23: {  	v15 =	vld [tilespmem:$0x140];
	v0 =	vadd.s32 v10, v0  }
0x24: {  	v16 =	vld [tilespmem:$0x150];
	v0 =	vadd.s32 v11, v0  }
0x25: {  	v17 =	vld [tilespmem:$0x160];
	v0 =	vadd.s32 v12, v0  }
0x26: {  	v18 =	vld [tilespmem:$0x170];
	v0 =	vadd.s32 v13, v0  }
0x27: {  	v19 =	vld [tilespmem:$0x180];
	v0 =	vadd.s32 v14, v0  }
0x28: {  	v20 =	vld [tilespmem:$0x190];
	v0 =	vadd.s32 v15, v0  }
0x29: {  	v21 =	vld [tilespmem:$0x1A0];
	v0 =	vadd.s32 v16, v0  }
0x2a: {  	v22 =	vld [tilespmem:$0x1B0];
	v0 =	vadd.s32 v17, v0  }
0x2b: {  	v23 =	vld [tilespmem:$0x1C0];
	v0 =	vadd.s32 v18, v0  }
0x2c: {  	v24 =	vld [tilespmem:$0x1D0];
	v0 =	vadd.s32 v19, v0  }
0x2d: {  	v25 =	vld [tilespmem:$0x1E0];
	v0 =	vadd.s32 v20, v0  }
0x2e: {  	v26 =	vld [tilespmem:$0x1F0];
	v0 =	vadd.s32 v21, v0  }
0x2f: {  	v27 =	vld [tilespmem:$0x200];
	v0 =	vadd.s32 v22, v0  }
0x30: {  	v28 =	vld [tilespmem:$0x210];
	v0 =	vadd.s32 v23, v0  }
0x31: {  	v29 =	vld [tilespmem:$0x220];
	v0 =	vadd.s32 v24, v0  }
0x32: {  	v30 =	vld [tilespmem:$0x230];
	v0 =	vadd.s32 v25, v0  }
0x33: {  	v31 =	vld [tilespmem:$0x240];
	v0 =	vadd.s32 v26, v0  }
0x34: {  	v32 =	vld [tilespmem:$0x250];
	v0 =	vadd.s32 v27, v0  }
0x35: {  	v33 =	vld [tilespmem:$0x260];
	v0 =	vadd.s32 v28, v0  }
0x36: {  	v34 =	vld [tilespmem:$0x270];
	v0 =	vadd.s32 v29, v0  }
0x37: {  	v35 =	vld [tilespmem:$0x280];
	v0 =	vadd.s32 v30, v0  }
0x38: {  	v36 =	vld [tilespmem:$0x290];
	v0 =	vadd.s32 v31, v0  }
0x39: {  	v37 =	vld [tilespmem:$0x2A0];
	v0 =	vadd.s32 v32, v0  }
0x3a: {  	v38 =	vld [tilespmem:$0x2B0];
	v0 =	vadd.s32 v33, v0  }
0x3b: {  	v39 =	vld [tilespmem:$0x2C0];
	v0 =	vadd.s32 v34, v0  }
0x3c: {  	v40 =	vld [tilespmem:$0x2D0];
	v0 =	vadd.s32 v35, v0  }
0x3d: {  	v41 =	vld [tilespmem:$0x2E0];
	v0 =	vadd.s32 v36, v0  }
0x3e: {  	v42 =	vld [tilespmem:$0x2F0];
	v0 =	vadd.s32 v37, v0  }
0x3f: {  	v43 =	vld [tilespmem:$0x300];
	v0 =	vadd.s32 v38, v0  }
0x40: {  	v44 =	vld [tilespmem:$0x310];
	v0 =	vadd.s32 v39, v0  }
0x41: {  	v45 =	vld [tilespmem:$0x320];
	v0 =	vadd.s32 v40, v0  }
0x42: {  	v46 =	vld [tilespmem:$0x330];
	v0 =	vadd.s32 v41, v0  }
0x43: {  	v47 =	vld [tilespmem:$0x340];
	v0 =	vadd.s32 v42, v0  }
0x44: {  	v48 =	vld [tilespmem:$0x350];
	v0 =	vadd.s32 v43, v0  }
0x45: {  	v49 =	vld [tilespmem:$0x360];
	v0 =	vadd.s32 v44, v0  }
0x46: {  	v50 =	vld [tilespmem:$0x370];
	v0 =	vadd.s32 v45, v0  }
0x47: {  	v51 =	vld [tilespmem:$0x380];
	v0 =	vadd.s32 v46, v0  }
0x48: {  	v52 =	vld [tilespmem:$0x390];
	v0 =	vadd.s32 v47, v0  }
0x49: {  	v53 =	vld [tilespmem:$0x3A0];
	v0 =	vadd.s32 v48, v0  }
0x4a: {  	v54 =	vld [tilespmem:$0x3B0];
	v0 =	vadd.s32 v49, v0  }
0x4b: {  	v55 =	vld [tilespmem:$0x3C0];
	v0 =	vadd.s32 v50, v0  }
0x4c: {  	v56 =	vld [tilespmem:$0x3D0];
	v0 =	vadd.s32 v51, v0  }
0x4d: {  	v57 =	vld [tilespmem:$0x3E0];
	v0 =	vadd.s32 v52, v0  }
0x4e: {  	v58 =	vld [tilespmem:$0x3F0];
	v0 =	vadd.s32 v53, v0  }
0x4f: {  	v59 =	vld [tilespmem:$0x400];
	v0 =	vadd.s32 v54, v0  }
0x50: {  	v60 =	vld [tilespmem:$0x410];
	v0 =	vadd.s32 v55, v0  }
0x51: {  	v61 =	vld [tilespmem:$0x420];
	v0 =	vadd.s32 v56, v0  }
0x52: {  	v62 =	vld [tilespmem:$0x430];
	v0 =	vadd.s32 v57, v0  }
0x53: {  	v63 =	vld [tilespmem:$0x440];
	v0 =	vadd.s32 v58, v0  }
0x54: {  	v8 =	vld [tilespmem:$0x450];
	v0 =	vadd.s32 v59, v0  }
0x55: {  	v9 =	vld [tilespmem:$0x460];
	v0 =	vadd.s32 v60, v0  }
0x56: {  	v10 =	vld [tilespmem:$0x470];
	v0 =	vadd.s32 v61, v0  }
0x57: {  	v11 =	vld [tilespmem:$0x480];
	v0 =	vadd.s32 v62, v0  }
0x58: {  	v12 =	vld [tilespmem:$0x490];
	v0 =	vadd.s32 v63, v0  }
0x59: {  	v13 =	vld [tilespmem:$0x4A0];
	v0 =	vadd.s32 v8, v0  }
0x5a: {  	v14 =	vld [tilespmem:$0x4B0];
	v0 =	vadd.s32 v9, v0  }
0x5b: {  	v15 =	vld [tilespmem:$0x4C0];
	v0 =	vadd.s32 v10, v0  }
0x5c: {  	v16 =	vld [tilespmem:$0x4D0];
	v0 =	vadd.s32 v11, v0  }
0x5d: {  	v17 =	vld [tilespmem:$0x4E0];
	v0 =	vadd.s32 v12, v0  }
0x5e: {  	v18 =	vld [tilespmem:$0x4F0];
	v0 =	vadd.s32 v13, v0  }
0x5f: {  	v19 =	vld [tilespmem:$0x500];
	v0 =	vadd.s32 v14, v0  }
0x60: {  	v20 =	vld [tilespmem:$0x510];
	v0 =	vadd.s32 v15, v0  }
0x61: {  	v21 =	vld [tilespmem:$0x520];
	v0 =	vadd.s32 v16, v0  }
0x62: {  	v22 =	vld [tilespmem:$0x530];
	v0 =	vadd.s32 v17, v0  }
0x63: {  	v23 =	vld [tilespmem:$0x540];
	v0 =	vadd.s32 v18, v0  }
0x64: {  	v24 =	vld [tilespmem:$0x550];
	v0 =	vadd.s32 v19, v0  }
0x65: {  	v25 =	vld [tilespmem:$0x560];
	v0 =	vadd.s32 v20, v0  }
0x66: {  	v26 =	vld [tilespmem:$0x570];
	v0 =	vadd.s32 v21, v0  }
0x67: {  	v27 =	vld [tilespmem:$0x580];
	v0 =	vadd.s32 v22, v0  }
0x68: {  	v28 =	vld [tilespmem:$0x590];
	v0 =	vadd.s32 v23, v0  }
0x69: {  	v29 =	vld [tilespmem:$0x5A0];
	v0 =	vadd.s32 v24, v0  }
0x6a: {  	v30 =	vld [tilespmem:$0x5B0];
	v0 =	vadd.s32 v25, v0  }
0x6b: {  	v31 =	vld [tilespmem:$0x5C0];
	v0 =	vadd.s32 v26, v0  }
0x6c: {  	v32 =	vld [tilespmem:$0x5D0];
	v0 =	vadd.s32 v27, v0  }
0x6d: {  	v33 =	vld [tilespmem:$0x5E0];
	v0 =	vadd.s32 v28, v0  }
0x6e: {  	v34 =	vld [tilespmem:$0x5F0];
	v0 =	vadd.s32 v29, v0  }
0x6f: {  	v35 =	vld [tilespmem:$0x600];
	v0 =	vadd.s32 v30, v0  }
0x70: {  	v36 =	vld [tilespmem:$0x610];
	v0 =	vadd.s32 v31, v0  }
0x71: {  	v37 =	vld [tilespmem:$0x620];
	v0 =	vadd.s32 v32, v0  }
0x72: {  	v38 =	vld [tilespmem:$0x630];
	v0 =	vadd.s32 v33, v0  }
0x73: {  	v39 =	vld [tilespmem:$0x640];
	v0 =	vadd.s32 v34, v0  }
0x74: {  	v40 =	vld [tilespmem:$0x650];
	v0 =	vadd.s32 v35, v0  }
0x75: {  	v41 =	vld [tilespmem:$0x660];
	v0 =	vadd.s32 v36, v0  }
0x76: {  	v42 =	vld [tilespmem:$0x670];
	v0 =	vadd.s32 v37, v0  }
0x77: {  	v43 =	vld [tilespmem:$0x680];
	v0 =	vadd.s32 v38, v0  }
0x78: {  	v44 =	vld [tilespmem:$0x690];
	v0 =	vadd.s32 v39, v0  }
0x79: {  	v45 =	vld [tilespmem:$0x6A0];
	v0 =	vadd.s32 v40, v0  }
0x7a: {  	v46 =	vld [tilespmem:$0x6B0];
	v0 =	vadd.s32 v41, v0  }
0x7b: {  	v47 =	vld [tilespmem:$0x6C0];
	v0 =	vadd.s32 v42, v0  }
0x7c: {  	v48 =	vld [tilespmem:$0x6D0];
	v0 =	vadd.s32 v43, v0  }
0x7d: {  	v49 =	vld [tilespmem:$0x6E0];
	v0 =	vadd.s32 v44, v0  }
0x7e: {  	v50 =	vld [tilespmem:$0x6F0];
	v0 =	vadd.s32 v45, v0  }
0x7f: {  	v51 =	vld [tilespmem:$0x700];
	v0 =	vadd.s32 v46, v0  }
0x80: {  	v52 =	vld [tilespmem:$0x710];
	v0 =	vadd.s32 v47, v0  }
0x81: {  	v53 =	vld [tilespmem:$0x720];
	v0 =	vadd.s32 v48, v0  }
0x82: {  	v54 =	vld [tilespmem:$0x730];
	v0 =	vadd.s32 v49, v0  }
0x83: {  	v55 =	vld [tilespmem:$0x740];
	v0 =	vadd.s32 v50, v0  }
0x84: {  	v56 =	vld [tilespmem:$0x750];
	v0 =	vadd.s32 v51, v0  }
0x85: {  	v57 =	vld [tilespmem:$0x760];
	v0 =	vadd.s32 v52, v0  }
0x86: {  	v58 =	vld [tilespmem:$0x770];
	v0 =	vadd.s32 v53, v0  }
0x87: {  	v59 =	vld [tilespmem:$0x780];
	v0 =	vadd.s32 v54, v0  }
0x88: {  	v60 =	vld [tilespmem:$0x790];
	v0 =	vadd.s32 v55, v0  }
0x89: {  	v61 =	vld [tilespmem:$0x7A0];
	v0 =	vadd.s32 v56, v0  }
0x8a: {  	v62 =	vld [tilespmem:$0x7B0];
	v0 =	vadd.s32 v57, v0  }
0x8b: {  	v63 =	vld [tilespmem:$0x7C0];
	v0 =	vadd.s32 v58, v0  }
0x8c: {  	v8 =	vld [tilespmem:$0x7D0];
	v0 =	vadd.s32 v59, v0  }
0x8d: {  	v9 =	vld [tilespmem:$0x7E0];
	v0 =	vadd.s32 v60, v0  }
0x8e: {  	v10 =	vld [tilespmem:$0x7F0];
	v0 =	vadd.s32 v61, v0  }
0x8f: {  	v11 =	vld [tilespmem:$0x800];
	v0 =	vadd.s32 v62, v0  }
0x90: {  	v12 =	vld [tilespmem:$0x810];
	v0 =	vadd.s32 v63, v0  }
0x91: {  	v13 =	vld [tilespmem:$0x820];
	v0 =	vadd.s32 v8, v0  }
0x92: {  	v14 =	vld [tilespmem:$0x830];
	v0 =	vadd.s32 v9, v0  }
0x93: {  	v15 =	vld [tilespmem:$0x840];
	v0 =	vadd.s32 v10, v0  }
0x94: {  	v16 =	vld [tilespmem:$0x850];
	v0 =	vadd.s32 v11, v0  }
0x95: {  	v17 =	vld [tilespmem:$0x860];
	v0 =	vadd.s32 v12, v0  }
0x96: {  	v18 =	vld [tilespmem:$0x870];
	v0 =	vadd.s32 v13, v0  }
0x97: {  	v19 =	vld [tilespmem:$0x880];
	v0 =	vadd.s32 v14, v0  }
0x98: {  	v20 =	vld [tilespmem:$0x890];
	v0 =	vadd.s32 v15, v0  }
0x99: {  	v21 =	vld [tilespmem:$0x8A0];
	v0 =	vadd.s32 v16, v0  }
0x9a: {  	v22 =	vld [tilespmem:$0x8B0];
	v0 =	vadd.s32 v17, v0  }
0x9b: {  	v23 =	vld [tilespmem:$0x8C0];
	v0 =	vadd.s32 v18, v0  }
0x9c: {  	v24 =	vld [tilespmem:$0x8D0];
	v0 =	vadd.s32 v19, v0  }
0x9d: {  	v25 =	vld [tilespmem:$0x8E0];
	v0 =	vadd.s32 v20, v0  }
0x9e: {  	v26 =	vld [tilespmem:$0x8F0];
	v0 =	vadd.s32 v21, v0  }
0x9f: {  	v27 =	vld [tilespmem:$0x900];
	v0 =	vadd.s32 v22, v0  }
0xa0: {  	v28 =	vld [tilespmem:$0x910];
	v0 =	vadd.s32 v23, v0  }
0xa1: {  	v29 =	vld [tilespmem:$0x920];
	v0 =	vadd.s32 v24, v0  }
0xa2: {  	v30 =	vld [tilespmem:$0x930];
	v0 =	vadd.s32 v25, v0  }
0xa3: {  	v31 =	vld [tilespmem:$0x940];
	v0 =	vadd.s32 v26, v0  }
0xa4: {  	v32 =	vld [tilespmem:$0x950];
	v0 =	vadd.s32 v27, v0  }
0xa5: {  	v33 =	vld [tilespmem:$0x960];
	v0 =	vadd.s32 v28, v0  }
0xa6: {  	v34 =	vld [tilespmem:$0x970];
	v0 =	vadd.s32 v29, v0  }
0xa7: {  	v35 =	vld [tilespmem:$0x980];
	v0 =	vadd.s32 v30, v0  }
0xa8: {  	v36 =	vld [tilespmem:$0x990];
	v0 =	vadd.s32 v31, v0  }
0xa9: {  	v37 =	vld [tilespmem:$0x9A0];
	v0 =	vadd.s32 v32, v0  }
0xaa: {  	v38 =	vld [tilespmem:$0x9B0];
	v0 =	vadd.s32 v33, v0  }
0xab: {  	v39 =	vld [tilespmem:$0x9C0];
	v0 =	vadd.s32 v34, v0  }
0xac: {  	v40 =	vld [tilespmem:$0x9D0];
	v0 =	vadd.s32 v35, v0  }
0xad: {  	v41 =	vld [tilespmem:$0x9E0];
	v0 =	vadd.s32 v36, v0  }
0xae: {  	v42 =	vld [tilespmem:$0x9F0];
	v0 =	vadd.s32 v37, v0  }
0xaf: {  	v43 =	vld [tilespmem:$0xA00];
	v0 =	vadd.s32 v38, v0  }
0xb0: {  	v44 =	vld [tilespmem:$0xA10];
	v0 =	vadd.s32 v39, v0  }
0xb1: {  	v45 =	vld [tilespmem:$0xA20];
	v0 =	vadd.s32 v40, v0  }
0xb2: {  	v46 =	vld [tilespmem:$0xA30];
	v0 =	vadd.s32 v41, v0  }
0xb3: {  	v47 =	vld [tilespmem:$0xA40];
	v0 =	vadd.s32 v42, v0  }
0xb4: {  	v48 =	vld [tilespmem:$0xA50];
	v0 =	vadd.s32 v43, v0  }
0xb5: {  	v49 =	vld [tilespmem:$0xA60];
	v0 =	vadd.s32 v44, v0  }
0xb6: {  	v50 =	vld [tilespmem:$0xA70];
	v0 =	vadd.s32 v45, v0  }
0xb7: {  	v51 =	vld [tilespmem:$0xA80];
	v0 =	vadd.s32 v46, v0  }
0xb8: {  	v52 =	vld [tilespmem:$0xA90];
	v0 =	vadd.s32 v47, v0  }
0xb9: {  	v53 =	vld [tilespmem:$0xAA0];
	v0 =	vadd.s32 v48, v0  }
0xba: {  	v54 =	vld [tilespmem:$0xAB0];
	v0 =	vadd.s32 v49, v0  }
0xbb: {  	v55 =	vld [tilespmem:$0xAC0];
	v0 =	vadd.s32 v50, v0  }
0xbc: {  	v56 =	vld [tilespmem:$0xAD0];
	v0 =	vadd.s32 v51, v0  }
0xbd: {  	v57 =	vld [tilespmem:$0xAE0];
	v0 =	vadd.s32 v52, v0  }
0xbe: {  	v58 =	vld [tilespmem:$0xAF0];
	v0 =	vadd.s32 v53, v0  }
0xbf: {  	v59 =	vld [tilespmem:$0xB00];
	v0 =	vadd.s32 v54, v0  }
0xc0: {  	v60 =	vld [tilespmem:$0xB10];
	v0 =	vadd.s32 v55, v0  }
0xc1: {  	v61 =	vld [tilespmem:$0xB20];
	v0 =	vadd.s32 v56, v0  }
0xc2: {  	v62 =	vld [tilespmem:$0xB30];
	v0 =	vadd.s32 v57, v0  }
0xc3: {  	v63 =	vld [tilespmem:$0xB40];
	v0 =	vadd.s32 v58, v0  }
0xc4: {  	v8 =	vld [tilespmem:$0xB50];
	v0 =	vadd.s32 v59, v0  }
0xc5: {  	v9 =	vld [tilespmem:$0xB60];
	v0 =	vadd.s32 v60, v0  }
0xc6: {  	v10 =	vld [tilespmem:$0xB70];
	v0 =	vadd.s32 v61, v0  }
0xc7: {  	v11 =	vld [tilespmem:$0xB80];
	v0 =	vadd.s32 v62, v0  }
0xc8: {  	v12 =	vld [tilespmem:$0xB90];
	v0 =	vadd.s32 v63, v0  }
0xc9: {  	v13 =	vld [tilespmem:$0xBA0];
	v0 =	vadd.s32 v8, v0  }
0xca: {  	v14 =	vld [tilespmem:$0xBB0];
	v0 =	vadd.s32 v9, v0  }
0xcb: {  	v15 =	vld [tilespmem:$0xBC0];
	v0 =	vadd.s32 v10, v0  }
0xcc: {  	v16 =	vld [tilespmem:$0xBD0];
	v0 =	vadd.s32 v11, v0  }
0xcd: {  	v17 =	vld [tilespmem:$0xBE0];
	v0 =	vadd.s32 v12, v0  }
0xce: {  	v18 =	vld [tilespmem:$0xBF0];
	v0 =	vadd.s32 v13, v0  }
0xcf: {  	v19 =	vld [tilespmem:$0xC00];
	v0 =	vadd.s32 v14, v0  }
0xd0: {  	v20 =	vld [tilespmem:$0xC10];
	v0 =	vadd.s32 v15, v0  }
0xd1: {  	v21 =	vld [tilespmem:$0xC20];
	v0 =	vadd.s32 v16, v0  }
0xd2: {  	v22 =	vld [tilespmem:$0xC30];
	v0 =	vadd.s32 v17, v0  }
0xd3: {  	v23 =	vld [tilespmem:$0xC40];
	v0 =	vadd.s32 v18, v0  }
0xd4: {  	v24 =	vld [tilespmem:$0xC50];
	v0 =	vadd.s32 v19, v0  }
0xd5: {  	v25 =	vld [tilespmem:$0xC60];
	v0 =	vadd.s32 v20, v0  }
0xd6: {  	v26 =	vld [tilespmem:$0xC70];
	v0 =	vadd.s32 v21, v0  }
0xd7: {  	v27 =	vld [tilespmem:$0xC80];
	v0 =	vadd.s32 v22, v0  }
0xd8: {  	v28 =	vld [tilespmem:$0xC90];
	v0 =	vadd.s32 v23, v0  }
0xd9: {  	v29 =	vld [tilespmem:$0xCA0];
	v0 =	vadd.s32 v24, v0  }
0xda: {  	v30 =	vld [tilespmem:$0xCB0];
	v0 =	vadd.s32 v25, v0  }
0xdb: {  	v31 =	vld [tilespmem:$0xCC0];
	v0 =	vadd.s32 v26, v0  }
0xdc: {  	v32 =	vld [tilespmem:$0xCD0];
	v0 =	vadd.s32 v27, v0  }
0xdd: {  	v33 =	vld [tilespmem:$0xCE0];
	v0 =	vadd.s32 v28, v0  }
0xde: {  	v34 =	vld [tilespmem:$0xCF0];
	v0 =	vadd.s32 v29, v0  }
0xdf: {  	v35 =	vld [tilespmem:$0xD00];
	v0 =	vadd.s32 v30, v0  }
0xe0: {  	v36 =	vld [tilespmem:$0xD10];
	v0 =	vadd.s32 v31, v0  }
0xe1: {  	v37 =	vld [tilespmem:$0xD20];
	v0 =	vadd.s32 v32, v0  }
0xe2: {  	v38 =	vld [tilespmem:$0xD30];
	v0 =	vadd.s32 v33, v0  }
0xe3: {  	v39 =	vld [tilespmem:$0xD40];
	v0 =	vadd.s32 v34, v0  }
0xe4: {  	v40 =	vld [tilespmem:$0xD50];
	v0 =	vadd.s32 v35, v0  }
0xe5: {  	v41 =	vld [tilespmem:$0xD60];
	v0 =	vadd.s32 v36, v0  }
0xe6: {  	v42 =	vld [tilespmem:$0xD70];
	v0 =	vadd.s32 v37, v0  }
0xe7: {  	v43 =	vld [tilespmem:$0xD80];
	v0 =	vadd.s32 v38, v0  }
0xe8: {  	v44 =	vld [tilespmem:$0xD90];
	v0 =	vadd.s32 v39, v0  }
0xe9: {  	v45 =	vld [tilespmem:$0xDA0];
	v0 =	vadd.s32 v40, v0  }
0xea: {  	v46 =	vld [tilespmem:$0xDB0];
	v0 =	vadd.s32 v41, v0  }
0xeb: {  	v47 =	vld [tilespmem:$0xDC0];
	v0 =	vadd.s32 v42, v0  }
0xec: {  	v48 =	vld [tilespmem:$0xDD0];
	v0 =	vadd.s32 v43, v0  }
0xed: {  	v49 =	vld [tilespmem:$0xDE0];
	v0 =	vadd.s32 v44, v0  }
0xee: {  	v50 =	vld [tilespmem:$0xDF0];
	v0 =	vadd.s32 v45, v0  }
0xef: {  	v51 =	vld [tilespmem:$0xE00];
	v0 =	vadd.s32 v46, v0  }
0xf0: {  	v52 =	vld [tilespmem:$0xE10];
	v0 =	vadd.s32 v47, v0  }
0xf1: {  	v53 =	vld [tilespmem:$0xE20];
	v0 =	vadd.s32 v48, v0  }
0xf2: {  	v54 =	vld [tilespmem:$0xE30];
	v0 =	vadd.s32 v49, v0  }
0xf3: {  	v55 =	vld [tilespmem:$0xE40];
	v0 =	vadd.s32 v50, v0  }
0xf4: {  	v56 =	vld [tilespmem:$0xE50];
	v0 =	vadd.s32 v51, v0  }
0xf5: {  	v57 =	vld [tilespmem:$0xE60];
	v0 =	vadd.s32 v52, v0  }
0xf6: {  	v58 =	vld [tilespmem:$0xE70];
	v0 =	vadd.s32 v53, v0  }
0xf7: {  	v59 =	vld [tilespmem:$0xE80];
	v0 =	vadd.s32 v54, v0  }
0xf8: {  	v60 =	vld [tilespmem:$0xE90];
	v0 =	vadd.s32 v55, v0  }
0xf9: {  	v61 =	vld [tilespmem:$0xEA0];
	v0 =	vadd.s32 v56, v0  }
0xfa: {  	v62 =	vld [tilespmem:$0xEB0];
	v0 =	vadd.s32 v57, v0  }
0xfb: {  	v63 =	vld [tilespmem:$0xEC0];
	v0 =	vadd.s32 v58, v0  }
0xfc: {  	v8 =	vld [tilespmem:$0xED0];
	v0 =	vadd.s32 v59, v0  }
0xfd: {  	v9 =	vld [tilespmem:$0xEE0];
	v0 =	vadd.s32 v60, v0  }
0xfe: {  	v10 =	vld [tilespmem:$0xEF0];
	v0 =	vadd.s32 v61, v0  }
0xff: {  	v11 =	vld [tilespmem:$0xF00];
	v0 =	vadd.s32 v62, v0  }
0x100: {  	v12 =	vld [tilespmem:$0xF10];
	v0 =	vadd.s32 v63, v0  }
0x101: {  	v13 =	vld [tilespmem:$0xF20];
	v0 =	vadd.s32 v8, v0  }
0x102: {  	v14 =	vld [tilespmem:$0xF30];
	v0 =	vadd.s32 v9, v0  }
0x103: {  	v15 =	vld [tilespmem:$0xF40];
	v0 =	vadd.s32 v10, v0  }
0x104: {  	v16 =	vld [tilespmem:$0xF50];
	v0 =	vadd.s32 v11, v0  }
0x105: {  	v17 =	vld [tilespmem:$0xF60];
	v0 =	vadd.s32 v12, v0  }
0x106: {  	v18 =	vld [tilespmem:$0xF70];
	v0 =	vadd.s32 v13, v0  }
0x107: {  	v19 =	vld [tilespmem:$0xF80];
	v0 =	vadd.s32 v14, v0  }
0x108: {  	v20 =	vld [tilespmem:$0xF90];
	v0 =	vadd.s32 v15, v0  }
0x109: {  	v21 =	vld [tilespmem:$0xFA0];
	v0 =	vadd.s32 v16, v0  }
0x10a: {  	v22 =	vld [tilespmem:$0xFB0];
	v0 =	vadd.s32 v17, v0  }
0x10b: {  	v23 =	vld [tilespmem:$0xFC0];
	v0 =	vadd.s32 v18, v0  }
0x10c: {  	v24 =	vld [tilespmem:$0xFD0];
	v0 =	vadd.s32 v19, v0  }
0x10d: {  	v25 =	vld [tilespmem:$0xFE0];
	v0 =	vadd.s32 v20, v0  }
0x10e: {  	v26 =	vld [tilespmem:$0xFF0];
	v0 =	vadd.s32 v21, v0  }
0x10f: {  	v27 =	vld [tilespmem:$0x1000];
	v0 =	vadd.s32 v22, v0  }
0x110: {  	v28 =	vld [tilespmem:$0x1010];
	v0 =	vadd.s32 v23, v0  }
0x111: {  	v29 =	vld [tilespmem:$0x1020];
	v0 =	vadd.s32 v24, v0  }
0x112: {  	v30 =	vld [tilespmem:$0x1030];
	v0 =	vadd.s32 v25, v0  }
0x113: {  	v31 =	vld [tilespmem:$0x1040];
	v0 =	vadd.s32 v26, v0  }
0x114: {  	v32 =	vld [tilespmem:$0x1050];
	v0 =	vadd.s32 v27, v0  }
0x115: {  	v33 =	vld [tilespmem:$0x1060];
	v0 =	vadd.s32 v28, v0  }
0x116: {  	v34 =	vld [tilespmem:$0x1070];
	v0 =	vadd.s32 v29, v0  }
0x117: {  	v35 =	vld [tilespmem:$0x1080];
	v0 =	vadd.s32 v30, v0  }
0x118: {  	v36 =	vld [tilespmem:$0x1090];
	v0 =	vadd.s32 v31, v0  }
0x119: {  	v37 =	vld [tilespmem:$0x10A0];
	v0 =	vadd.s32 v32, v0  }
0x11a: {  	v38 =	vld [tilespmem:$0x10B0];
	v0 =	vadd.s32 v33, v0  }
0x11b: {  	v39 =	vld [tilespmem:$0x10C0];
	v0 =	vadd.s32 v34, v0  }
0x11c: {  	v40 =	vld [tilespmem:$0x10D0];
	v0 =	vadd.s32 v35, v0  }
0x11d: {  	v41 =	vld [tilespmem:$0x10E0];
	v0 =	vadd.s32 v36, v0  }
0x11e: {  	v42 =	vld [tilespmem:$0x10F0];
	v0 =	vadd.s32 v37, v0  }
0x11f: {  	v43 =	vld [tilespmem:$0x1100];
	v0 =	vadd.s32 v38, v0  }
0x120: {  	v44 =	vld [tilespmem:$0x1110];
	v0 =	vadd.s32 v39, v0  }
0x121: {  	v45 =	vld [tilespmem:$0x1120];
	v0 =	vadd.s32 v40, v0  }
0x122: {  	v46 =	vld [tilespmem:$0x1130];
	v0 =	vadd.s32 v41, v0  }
0x123: {  	v47 =	vld [tilespmem:$0x1140];
	v0 =	vadd.s32 v42, v0  }
0x124: {  	v48 =	vld [tilespmem:$0x1150];
	v0 =	vadd.s32 v43, v0  }
0x125: {  	v49 =	vld [tilespmem:$0x1160];
	v0 =	vadd.s32 v44, v0  }
0x126: {  	v50 =	vld [tilespmem:$0x1170];
	v0 =	vadd.s32 v45, v0  }
0x127: {  	v51 =	vld [tilespmem:$0x1180];
	v0 =	vadd.s32 v46, v0  }
0x128: {  	v52 =	vld [tilespmem:$0x1190];
	v0 =	vadd.s32 v47, v0  }
0x129: {  	v53 =	vld [tilespmem:$0x11A0];
	v0 =	vadd.s32 v48, v0  }
0x12a: {  	v54 =	vld [tilespmem:$0x11B0];
	v0 =	vadd.s32 v49, v0  }
0x12b: {  	v55 =	vld [tilespmem:$0x11C0];
	v0 =	vadd.s32 v50, v0  }
0x12c: {  	v56 =	vld [tilespmem:$0x11D0];
	v0 =	vadd.s32 v51, v0  }
0x12d: {  	v57 =	vld [tilespmem:$0x11E0];
	v0 =	vadd.s32 v52, v0  }
0x12e: {  	v58 =	vld [tilespmem:$0x11F0];
	v0 =	vadd.s32 v53, v0  }
0x12f: {  	v59 =	vld [tilespmem:$0x1200];
	v0 =	vadd.s32 v54, v0  }
0x130: {  	v60 =	vld [tilespmem:$0x1210];
	v0 =	vadd.s32 v55, v0  }
0x131: {  	v61 =	vld [tilespmem:$0x1220];
	v0 =	vadd.s32 v56, v0  }
0x132: {  	v62 =	vld [tilespmem:$0x1230];
	v0 =	vadd.s32 v57, v0  }
0x133: {  	v63 =	vld [tilespmem:$0x1240];
	v0 =	vadd.s32 v58, v0  }
0x134: {  	v8 =	vld [tilespmem:$0x1250];
	v0 =	vadd.s32 v59, v0  }
0x135: {  	v9 =	vld [tilespmem:$0x1260];
	v0 =	vadd.s32 v60, v0  }
0x136: {  	v10 =	vld [tilespmem:$0x1270];
	v0 =	vadd.s32 v61, v0  }
0x137: {  	v11 =	vld [tilespmem:$0x1280];
	v0 =	vadd.s32 v62, v0  }
0x138: {  	v12 =	vld [tilespmem:$0x1290];
	v0 =	vadd.s32 v63, v0  }
0x139: {  	v13 =	vld [tilespmem:$0x12A0];
	v0 =	vadd.s32 v8, v0  }
0x13a: {  	v14 =	vld [tilespmem:$0x12B0];
	v0 =	vadd.s32 v9, v0  }
0x13b: {  	v15 =	vld [tilespmem:$0x12C0];
	v0 =	vadd.s32 v10, v0  }
0x13c: {  	v16 =	vld [tilespmem:$0x12D0];
	v0 =	vadd.s32 v11, v0  }
0x13d: {  	v17 =	vld [tilespmem:$0x12E0];
	v0 =	vadd.s32 v12, v0  }
0x13e: {  	v18 =	vld [tilespmem:$0x12F0];
	v0 =	vadd.s32 v13, v0  }
0x13f: {  	v19 =	vld [tilespmem:$0x1300];
	v0 =	vadd.s32 v14, v0  }
0x140: {  	v20 =	vld [tilespmem:$0x1310];
	v0 =	vadd.s32 v15, v0  }
0x141: {  	v21 =	vld [tilespmem:$0x1320];
	v0 =	vadd.s32 v16, v0  }
0x142: {  	v22 =	vld [tilespmem:$0x1330];
	v0 =	vadd.s32 v17, v0  }
0x143: {  	v23 =	vld [tilespmem:$0x1340];
	v0 =	vadd.s32 v18, v0  }
0x144: {  	v24 =	vld [tilespmem:$0x1350];
	v0 =	vadd.s32 v19, v0  }
0x145: {  	v25 =	vld [tilespmem:$0x1360];
	v0 =	vadd.s32 v20, v0  }
0x146: {  	v26 =	vld [tilespmem:$0x1370];
	v0 =	vadd.s32 v21, v0  }
0x147: {  	v27 =	vld [tilespmem:$0x1380];
	v0 =	vadd.s32 v22, v0  }
0x148: {  	v28 =	vld [tilespmem:$0x1390];
	v0 =	vadd.s32 v23, v0  }
0x149: {  	v29 =	vld [tilespmem:$0x13A0];
	v0 =	vadd.s32 v24, v0  }
0x14a: {  	v30 =	vld [tilespmem:$0x13B0];
	v0 =	vadd.s32 v25, v0  }
0x14b: {  	v31 =	vld [tilespmem:$0x13C0];
	v0 =	vadd.s32 v26, v0  }
0x14c: {  	v32 =	vld [tilespmem:$0x13D0];
	v0 =	vadd.s32 v27, v0  }
0x14d: {  	v33 =	vld [tilespmem:$0x13E0];
	v0 =	vadd.s32 v28, v0  }
0x14e: {  	v34 =	vld [tilespmem:$0x13F0];
	v0 =	vadd.s32 v29, v0  }
0x14f: {  	v35 =	vld [tilespmem:$0x1400];
	v0 =	vadd.s32 v30, v0  }
0x150: {  	v36 =	vld [tilespmem:$0x1410];
	v0 =	vadd.s32 v31, v0  }
0x151: {  	v37 =	vld [tilespmem:$0x1420];
	v0 =	vadd.s32 v32, v0  }
0x152: {  	v38 =	vld [tilespmem:$0x1430];
	v0 =	vadd.s32 v33, v0  }
0x153: {  	v39 =	vld [tilespmem:$0x1440];
	v0 =	vadd.s32 v34, v0  }
0x154: {  	v40 =	vld [tilespmem:$0x1450];
	v0 =	vadd.s32 v35, v0  }
0x155: {  	v41 =	vld [tilespmem:$0x1460];
	v0 =	vadd.s32 v36, v0  }
0x156: {  	v42 =	vld [tilespmem:$0x1470];
	v0 =	vadd.s32 v37, v0  }
0x157: {  	v43 =	vld [tilespmem:$0x1480];
	v0 =	vadd.s32 v38, v0  }
0x158: {  	v44 =	vld [tilespmem:$0x1490];
	v0 =	vadd.s32 v39, v0  }
0x159: {  	v45 =	vld [tilespmem:$0x14A0];
	v0 =	vadd.s32 v40, v0  }
0x15a: {  	v46 =	vld [tilespmem:$0x14B0];
	v0 =	vadd.s32 v41, v0  }
0x15b: {  	v47 =	vld [tilespmem:$0x14C0];
	v0 =	vadd.s32 v42, v0  }
0x15c: {  	v48 =	vld [tilespmem:$0x14D0];
	v0 =	vadd.s32 v43, v0  }
0x15d: {  	v49 =	vld [tilespmem:$0x14E0];
	v0 =	vadd.s32 v44, v0  }
0x15e: {  	v50 =	vld [tilespmem:$0x14F0];
	v0 =	vadd.s32 v45, v0  }
0x15f: {  	v51 =	vld [tilespmem:$0x1500];
	v0 =	vadd.s32 v46, v0  }
0x160: {  	v52 =	vld [tilespmem:$0x1510];
	v0 =	vadd.s32 v47, v0  }
0x161: {  	v53 =	vld [tilespmem:$0x1520];
	v0 =	vadd.s32 v48, v0  }
0x162: {  	v54 =	vld [tilespmem:$0x1530];
	v0 =	vadd.s32 v49, v0  }
0x163: {  	v55 =	vld [tilespmem:$0x1540];
	v0 =	vadd.s32 v50, v0  }
0x164: {  	v56 =	vld [tilespmem:$0x1550];
	v0 =	vadd.s32 v51, v0  }
0x165: {  	v57 =	vld [tilespmem:$0x1560];
	v0 =	vadd.s32 v52, v0  }
0x166: {  	v58 =	vld [tilespmem:$0x1570];
	v0 =	vadd.s32 v53, v0  }
0x167: {  	v59 =	vld [tilespmem:$0x1580];
	v0 =	vadd.s32 v54, v0  }
0x168: {  	v60 =	vld [tilespmem:$0x1590];
	v0 =	vadd.s32 v55, v0  }
0x169: {  	v61 =	vld [tilespmem:$0x15A0];
	v0 =	vadd.s32 v56, v0  }
0x16a: {  	v62 =	vld [tilespmem:$0x15B0];
	v0 =	vadd.s32 v57, v0  }
0x16b: {  	v63 =	vld [tilespmem:$0x15C0];
	v0 =	vadd.s32 v58, v0  }
0x16c: {  	v8 =	vld [tilespmem:$0x15D0];
	v0 =	vadd.s32 v59, v0  }
0x16d: {  	v9 =	vld [tilespmem:$0x15E0];
	v0 =	vadd.s32 v60, v0  }
0x16e: {  	v10 =	vld [tilespmem:$0x15F0];
	v0 =	vadd.s32 v61, v0  }
0x16f: {  	v11 =	vld [tilespmem:$0x1600];
	v0 =	vadd.s32 v62, v0  }
0x170: {  	v12 =	vld [tilespmem:$0x1610];
	v0 =	vadd.s32 v63, v0  }
0x171: {  	v13 =	vld [tilespmem:$0x1620];
	v0 =	vadd.s32 v8, v0  }
0x172: {  	v14 =	vld [tilespmem:$0x1630];
	v0 =	vadd.s32 v9, v0  }
0x173: {  	v15 =	vld [tilespmem:$0x1640];
	v0 =	vadd.s32 v10, v0  }
0x174: {  	v16 =	vld [tilespmem:$0x1650];
	v0 =	vadd.s32 v11, v0  }
0x175: {  	v17 =	vld [tilespmem:$0x1660];
	v0 =	vadd.s32 v12, v0  }
0x176: {  	v18 =	vld [tilespmem:$0x1670];
	v0 =	vadd.s32 v13, v0  }
0x177: {  	v19 =	vld [tilespmem:$0x1680];
	v0 =	vadd.s32 v14, v0  }
0x178: {  	v20 =	vld [tilespmem:$0x1690];
	v0 =	vadd.s32 v15, v0  }
0x179: {  	v21 =	vld [tilespmem:$0x16A0];
	v0 =	vadd.s32 v16, v0  }
0x17a: {  	v22 =	vld [tilespmem:$0x16B0];
	v0 =	vadd.s32 v17, v0  }
0x17b: {  	v23 =	vld [tilespmem:$0x16C0];
	v0 =	vadd.s32 v18, v0  }
0x17c: {  	v24 =	vld [tilespmem:$0x16D0];
	v0 =	vadd.s32 v19, v0  }
0x17d: {  	v25 =	vld [tilespmem:$0x16E0];
	v0 =	vadd.s32 v20, v0  }
0x17e: {  	v26 =	vld [tilespmem:$0x16F0];
	v0 =	vadd.s32 v21, v0  }
0x17f: {  	v27 =	vld [tilespmem:$0x1700];
	v0 =	vadd.s32 v22, v0  }
0x180: {  	v28 =	vld [tilespmem:$0x1710];
	v0 =	vadd.s32 v23, v0  }
0x181: {  	v29 =	vld [tilespmem:$0x1720];
	v0 =	vadd.s32 v24, v0  }
0x182: {  	v30 =	vld [tilespmem:$0x1730];
	v0 =	vadd.s32 v25, v0  }
0x183: {  	v31 =	vld [tilespmem:$0x1740];
	v0 =	vadd.s32 v26, v0  }
0x184: {  	v32 =	vld [tilespmem:$0x1750];
	v0 =	vadd.s32 v27, v0  }
0x185: {  	v33 =	vld [tilespmem:$0x1760];
	v0 =	vadd.s32 v28, v0  }
0x186: {  	v34 =	vld [tilespmem:$0x1770];
	v0 =	vadd.s32 v29, v0  }
0x187: {  	v35 =	vld [tilespmem:$0x1780];
	v0 =	vadd.s32 v30, v0  }
0x188: {  	v36 =	vld [tilespmem:$0x1790];
	v0 =	vadd.s32 v31, v0  }
0x189: {  	v37 =	vld [tilespmem:$0x17A0];
	v0 =	vadd.s32 v32, v0  }
0x18a: {  	v38 =	vld [tilespmem:$0x17B0];
	v0 =	vadd.s32 v33, v0  }
0x18b: {  	v39 =	vld [tilespmem:$0x17C0];
	v0 =	vadd.s32 v34, v0  }
0x18c: {  	v40 =	vld [tilespmem:$0x17D0];
	v0 =	vadd.s32 v35, v0  }
0x18d: {  	v41 =	vld [tilespmem:$0x17E0];
	v0 =	vadd.s32 v36, v0  }
0x18e: {  	v42 =	vld [tilespmem:$0x17F0];
	v0 =	vadd.s32 v37, v0  }
0x18f: {  	v43 =	vld [tilespmem:$0x1800];
	v0 =	vadd.s32 v38, v0  }
0x190: {  	v44 =	vld [tilespmem:$0x1810];
	v0 =	vadd.s32 v39, v0  }
0x191: {  	v45 =	vld [tilespmem:$0x1820];
	v0 =	vadd.s32 v40, v0  }
0x192: {  	v46 =	vld [tilespmem:$0x1830];
	v0 =	vadd.s32 v41, v0  }
0x193: {  	v47 =	vld [tilespmem:$0x1840];
	v0 =	vadd.s32 v42, v0  }
0x194: {  	v48 =	vld [tilespmem:$0x1850];
	v0 =	vadd.s32 v43, v0  }
0x195: {  	v49 =	vld [tilespmem:$0x1860];
	v0 =	vadd.s32 v44, v0  }
0x196: {  	v50 =	vld [tilespmem:$0x1870];
	v0 =	vadd.s32 v45, v0  }
0x197: {  	v51 =	vld [tilespmem:$0x1880];
	v0 =	vadd.s32 v46, v0  }
0x198: {  	v52 =	vld [tilespmem:$0x1890];
	v0 =	vadd.s32 v47, v0  }
0x199: {  	v53 =	vld [tilespmem:$0x18A0];
	v0 =	vadd.s32 v48, v0  }
0x19a: {  	v54 =	vld [tilespmem:$0x18B0];
	v0 =	vadd.s32 v49, v0  }
0x19b: {  	v55 =	vld [tilespmem:$0x18C0];
	v0 =	vadd.s32 v50, v0  }
0x19c: {  	v56 =	vld [tilespmem:$0x18D0];
	v0 =	vadd.s32 v51, v0  }
0x19d: {  	v57 =	vld [tilespmem:$0x18E0];
	v0 =	vadd.s32 v52, v0  }
0x19e: {  	v58 =	vld [tilespmem:$0x18F0];
	v0 =	vadd.s32 v53, v0  }
0x19f: {  	v59 =	vld [tilespmem:$0x1900];
	v0 =	vadd.s32 v54, v0  }
0x1a0: {  	v60 =	vld [tilespmem:$0x1910];
	v0 =	vadd.s32 v55, v0  }
0x1a1: {  	v61 =	vld [tilespmem:$0x1920];
	v0 =	vadd.s32 v56, v0  }
0x1a2: {  	v62 =	vld [tilespmem:$0x1930];
	v0 =	vadd.s32 v57, v0  }
0x1a3: {  	v63 =	vld [tilespmem:$0x1940];
	v0 =	vadd.s32 v58, v0  }
0x1a4: {  	v8 =	vld [tilespmem:$0x1950];
	v0 =	vadd.s32 v59, v0  }
0x1a5: {  	v9 =	vld [tilespmem:$0x1960];
	v0 =	vadd.s32 v60, v0  }
0x1a6: {  	v10 =	vld [tilespmem:$0x1970];
	v0 =	vadd.s32 v61, v0  }
0x1a7: {  	v11 =	vld [tilespmem:$0x1980];
	v0 =	vadd.s32 v62, v0  }
0x1a8: {  	v12 =	vld [tilespmem:$0x1990];
	v0 =	vadd.s32 v63, v0  }
0x1a9: {  	v13 =	vld [tilespmem:$0x19A0];
	v0 =	vadd.s32 v8, v0  }
0x1aa: {  	v14 =	vld [tilespmem:$0x19B0];
	v0 =	vadd.s32 v9, v0  }
0x1ab: {  	v15 =	vld [tilespmem:$0x19C0];
	v0 =	vadd.s32 v10, v0  }
0x1ac: {  	v16 =	vld [tilespmem:$0x19D0];
	v0 =	vadd.s32 v11, v0  }
0x1ad: {  	v17 =	vld [tilespmem:$0x19E0];
	v0 =	vadd.s32 v12, v0  }
0x1ae: {  	v18 =	vld [tilespmem:$0x19F0];
	v0 =	vadd.s32 v13, v0  }
0x1af: {  	v19 =	vld [tilespmem:$0x1A00];
	v0 =	vadd.s32 v14, v0  }
0x1b0: {  	v20 =	vld [tilespmem:$0x1A10];
	v0 =	vadd.s32 v15, v0  }
0x1b1: {  	v21 =	vld [tilespmem:$0x1A20];
	v0 =	vadd.s32 v16, v0  }
0x1b2: {  	v22 =	vld [tilespmem:$0x1A30];
	v0 =	vadd.s32 v17, v0  }
0x1b3: {  	v23 =	vld [tilespmem:$0x1A40];
	v0 =	vadd.s32 v18, v0  }
0x1b4: {  	v24 =	vld [tilespmem:$0x1A50];
	v0 =	vadd.s32 v19, v0  }
0x1b5: {  	v25 =	vld [tilespmem:$0x1A60];
	v0 =	vadd.s32 v20, v0  }
0x1b6: {  	v26 =	vld [tilespmem:$0x1A70];
	v0 =	vadd.s32 v21, v0  }
0x1b7: {  	v27 =	vld [tilespmem:$0x1A80];
	v0 =	vadd.s32 v22, v0  }
0x1b8: {  	v28 =	vld [tilespmem:$0x1A90];
	v0 =	vadd.s32 v23, v0  }
0x1b9: {  	v29 =	vld [tilespmem:$0x1AA0];
	v0 =	vadd.s32 v24, v0  }
0x1ba: {  	v30 =	vld [tilespmem:$0x1AB0];
	v0 =	vadd.s32 v25, v0  }
0x1bb: {  	v31 =	vld [tilespmem:$0x1AC0];
	v0 =	vadd.s32 v26, v0  }
0x1bc: {  	v32 =	vld [tilespmem:$0x1AD0];
	v0 =	vadd.s32 v27, v0  }
0x1bd: {  	v33 =	vld [tilespmem:$0x1AE0];
	v0 =	vadd.s32 v28, v0  }
0x1be: {  	v34 =	vld [tilespmem:$0x1AF0];
	v0 =	vadd.s32 v29, v0  }
0x1bf: {  	v35 =	vld [tilespmem:$0x1B00];
	v0 =	vadd.s32 v30, v0  }
0x1c0: {  	v36 =	vld [tilespmem:$0x1B10];
	v0 =	vadd.s32 v31, v0  }
0x1c1: {  	v37 =	vld [tilespmem:$0x1B20];
	v0 =	vadd.s32 v32, v0  }
0x1c2: {  	v38 =	vld [tilespmem:$0x1B30];
	v0 =	vadd.s32 v33, v0  }
0x1c3: {  	v39 =	vld [tilespmem:$0x1B40];
	v0 =	vadd.s32 v34, v0  }
0x1c4: {  	v40 =	vld [tilespmem:$0x1B50];
	v0 =	vadd.s32 v35, v0  }
0x1c5: {  	v41 =	vld [tilespmem:$0x1B60];
	v0 =	vadd.s32 v36, v0  }
0x1c6: {  	v42 =	vld [tilespmem:$0x1B70];
	v0 =	vadd.s32 v37, v0  }
0x1c7: {  	v43 =	vld [tilespmem:$0x1B80];
	v0 =	vadd.s32 v38, v0  }
0x1c8: {  	v44 =	vld [tilespmem:$0x1B90];
	v0 =	vadd.s32 v39, v0  }
0x1c9: {  	v45 =	vld [tilespmem:$0x1BA0];
	v0 =	vadd.s32 v40, v0  }
0x1ca: {  	v46 =	vld [tilespmem:$0x1BB0];
	v0 =	vadd.s32 v41, v0  }
0x1cb: {  	v47 =	vld [tilespmem:$0x1BC0];
	v0 =	vadd.s32 v42, v0  }
0x1cc: {  	v48 =	vld [tilespmem:$0x1BD0];
	v0 =	vadd.s32 v43, v0  }
0x1cd: {  	v49 =	vld [tilespmem:$0x1BE0];
	v0 =	vadd.s32 v44, v0  }
0x1ce: {  	v50 =	vld [tilespmem:$0x1BF0];
	v0 =	vadd.s32 v45, v0  }
0x1cf: {  	v51 =	vld [tilespmem:$0x1C00];
	v0 =	vadd.s32 v46, v0  }
0x1d0: {  	v52 =	vld [tilespmem:$0x1C10];
	v0 =	vadd.s32 v47, v0  }
0x1d1: {  	v53 =	vld [tilespmem:$0x1C20];
	v0 =	vadd.s32 v48, v0  }
0x1d2: {  	v54 =	vld [tilespmem:$0x1C30];
	v0 =	vadd.s32 v49, v0  }
0x1d3: {  	v55 =	vld [tilespmem:$0x1C40];
	v0 =	vadd.s32 v50, v0  }
0x1d4: {  	v56 =	vld [tilespmem:$0x1C50];
	v0 =	vadd.s32 v51, v0  }
0x1d5: {  	v57 =	vld [tilespmem:$0x1C60];
	v0 =	vadd.s32 v52, v0  }
0x1d6: {  	v58 =	vld [tilespmem:$0x1C70];
	v0 =	vadd.s32 v53, v0  }
0x1d7: {  	v59 =	vld [tilespmem:$0x1C80];
	v0 =	vadd.s32 v54, v0  }
0x1d8: {  	v60 =	vld [tilespmem:$0x1C90];
	v0 =	vadd.s32 v55, v0  }
0x1d9: {  	v61 =	vld [tilespmem:$0x1CA0];
	v0 =	vadd.s32 v56, v0  }
0x1da: {  	v62 =	vld [tilespmem:$0x1CB0];
	v0 =	vadd.s32 v57, v0  }
0x1db: {  	v63 =	vld [tilespmem:$0x1CC0];
	v0 =	vadd.s32 v58, v0  }
0x1dc: {  	v8 =	vld [tilespmem:$0x1CD0];
	v0 =	vadd.s32 v59, v0  }
0x1dd: {  	v9 =	vld [tilespmem:$0x1CE0];
	v0 =	vadd.s32 v60, v0  }
0x1de: {  	v10 =	vld [tilespmem:$0x1CF0];
	v0 =	vadd.s32 v61, v0  }
0x1df: {  	v11 =	vld [tilespmem:$0x1D00];
	v0 =	vadd.s32 v62, v0  }
0x1e0: {  	v12 =	vld [tilespmem:$0x1D10];
	v0 =	vadd.s32 v63, v0  }
0x1e1: {  	v13 =	vld [tilespmem:$0x1D20];
	v0 =	vadd.s32 v8, v0  }
0x1e2: {  	v14 =	vld [tilespmem:$0x1D30];
	v0 =	vadd.s32 v9, v0  }
0x1e3: {  	v15 =	vld [tilespmem:$0x1D40];
	v0 =	vadd.s32 v10, v0  }
0x1e4: {  	v16 =	vld [tilespmem:$0x1D50];
	v0 =	vadd.s32 v11, v0  }
0x1e5: {  	v17 =	vld [tilespmem:$0x1D60];
	v0 =	vadd.s32 v12, v0  }
0x1e6: {  	v18 =	vld [tilespmem:$0x1D70];
	v0 =	vadd.s32 v13, v0  }
0x1e7: {  	v19 =	vld [tilespmem:$0x1D80];
	v0 =	vadd.s32 v14, v0  }
0x1e8: {  	v20 =	vld [tilespmem:$0x1D90];
	v0 =	vadd.s32 v15, v0  }
0x1e9: {  	v21 =	vld [tilespmem:$0x1DA0];
	v0 =	vadd.s32 v16, v0  }
0x1ea: {  	v22 =	vld [tilespmem:$0x1DB0];
	v0 =	vadd.s32 v17, v0  }
0x1eb: {  	v23 =	vld [tilespmem:$0x1DC0];
	v0 =	vadd.s32 v18, v0  }
0x1ec: {  	v24 =	vld [tilespmem:$0x1DD0];
	v0 =	vadd.s32 v19, v0  }
0x1ed: {  	v25 =	vld [tilespmem:$0x1DE0];
	v0 =	vadd.s32 v20, v0  }
0x1ee: {  	v26 =	vld [tilespmem:$0x1DF0];
	v0 =	vadd.s32 v21, v0  }
0x1ef: {  	v27 =	vld [tilespmem:$0x1E00];
	v0 =	vadd.s32 v22, v0  }
0x1f0: {  	v28 =	vld [tilespmem:$0x1E10];
	v0 =	vadd.s32 v23, v0  }
0x1f1: {  	v29 =	vld [tilespmem:$0x1E20];
	v0 =	vadd.s32 v24, v0  }
0x1f2: {  	v30 =	vld [tilespmem:$0x1E30];
	v0 =	vadd.s32 v25, v0  }
0x1f3: {  	v31 =	vld [tilespmem:$0x1E40];
	v0 =	vadd.s32 v26, v0  }
0x1f4: {  	v32 =	vld [tilespmem:$0x1E50];
	v0 =	vadd.s32 v27, v0  }
0x1f5: {  	v33 =	vld [tilespmem:$0x1E60];
	v0 =	vadd.s32 v28, v0  }
0x1f6: {  	v34 =	vld [tilespmem:$0x1E70];
	v0 =	vadd.s32 v29, v0  }
0x1f7: {  	v35 =	vld [tilespmem:$0x1E80];
	v0 =	vadd.s32 v30, v0  }
0x1f8: {  	v36 =	vld [tilespmem:$0x1E90];
	v0 =	vadd.s32 v31, v0  }
0x1f9: {  	v37 =	vld [tilespmem:$0x1EA0];
	v0 =	vadd.s32 v32, v0  }
0x1fa: {  	v38 =	vld [tilespmem:$0x1EB0];
	v0 =	vadd.s32 v33, v0  }
0x1fb: {  	v39 =	vld [tilespmem:$0x1EC0];
	v0 =	vadd.s32 v34, v0  }
0x1fc: {  	v40 =	vld [tilespmem:$0x1ED0];
	v0 =	vadd.s32 v35, v0  }
0x1fd: {  	v41 =	vld [tilespmem:$0x1EE0];
	v0 =	vadd.s32 v36, v0  }
0x1fe: {  	v42 =	vld [tilespmem:$0x1EF0];
	v0 =	vadd.s32 v37, v0  }
0x1ff: {  	v43 =	vld [tilespmem:$0x1F00];
	v0 =	vadd.s32 v38, v0  }
0x200: {  	v44 =	vld [tilespmem:$0x1F10];
	v0 =	vadd.s32 v39, v0  }
0x201: {  	v45 =	vld [tilespmem:$0x1F20];
	v0 =	vadd.s32 v40, v0  }
0x202: {  	v46 =	vld [tilespmem:$0x1F30];
	v0 =	vadd.s32 v41, v0  }
0x203: {  	v47 =	vld [tilespmem:$0x1F40];
	v0 =	vadd.s32 v42, v0  }
0x204: {  	v48 =	vld [tilespmem:$0x1F50];
	v0 =	vadd.s32 v43, v0  }
0x205: {  	v49 =	vld [tilespmem:$0x1F60];
	v0 =	vadd.s32 v44, v0  }
0x206: {  	v50 =	vld [tilespmem:$0x1F70];
	v0 =	vadd.s32 v45, v0  }
0x207: {  	v51 =	vld [tilespmem:$0x1F80];
	v0 =	vadd.s32 v46, v0  }
0x208: {  	v52 =	vld [tilespmem:$0x1F90];
	v0 =	vadd.s32 v47, v0  }
0x209: {  	v53 =	vld [tilespmem:$0x1FA0];
	v0 =	vadd.s32 v48, v0  }
0x20a: {  	v54 =	vld [tilespmem:$0x1FB0];
	v0 =	vadd.s32 v49, v0  }
0x20b: {  	v55 =	vld [tilespmem:$0x1FC0];
	v0 =	vadd.s32 v50, v0  }
0x20c: {  	v56 =	vld [tilespmem:$0x1FD0];
	v0 =	vadd.s32 v51, v0  }
0x20d: {  	v57 =	vld [tilespmem:$0x1FE0];
	v0 =	vadd.s32 v52, v0  }
0x20e: {  	v58 =	vld [tilespmem:$0x1FF0];
	v0 =	vadd.s32 v53, v0  }
0x20f: {  	v0 =	vadd.s32 v54, v0  }
0x210: {  	v0 =	vadd.s32 v55, v0  }
0x211: {  	v0 =	vadd.s32 v56, v0  }
0x212: {  	v0 =	vadd.s32 v57, v0  }
0x213: {  	v0 =	vadd.s32 v58, v0  }
0x214: {  	(v2sf) =	vpush v0, $0x0  }
0x215: {  	(v2sf) =	vpush v0, $0x1  }
0x216: {  	(v2sf) =	vpush v0, $0x2  }
0x217: {  	(v2sf) =	vpush v0, $0x3  }
0x218: {  	(v2sf) =	vpush v0, $0x4  }
0x219: {  	(v2sf) =	vpush v0, $0x5  }
0x21a: {  	(v2sf) =	vpush v0, $0x6  }
0x21b: {  	(v2sf) =	vpush v0, $0x7  }
0x21c: {  	(v2sf) =	vpush v0, $0x8  }
0x21d: {  	(v2sf) =	vpush v0, $0x9  }
0x21e: {  	(v2sf) =	vpush v0, $0xA  }
0x21f: {  	(v2sf) =	vpush v0, $0xB  }
0x220: {  	(v2sf) =	vpush v0, $0xC  }
0x221: {  	(v2sf) =	vpush v0, $0xD  }
0x222: {  	(v2sf) =	vpush v0, $0xE  }
0x223: {  	s20 =	spop (v2sf);
	(v2sf) =	vpush v0, $0xF  }
0x224: {  	s21 =	spop (v2sf)  }
0x225: {  	s9 =	spop (v2sf);
	s7 =	sadd.s32 s20, s21  }
0x226: {  	s22 =	spop (v2sf);
	s7 =	sadd.s32 s9, s7  }
0x227: {  	s23 =	spop (v2sf);
	s7 =	sadd.s32 s22, s7  }
0x228: {  	s24 =	spop (v2sf);
	s7 =	sadd.s32 s23, s7  }
0x229: {  	s25 =	spop (v2sf);
	s7 =	sadd.s32 s24, s7  }
0x22a: {  	s26 =	spop (v2sf);
	s7 =	sadd.s32 s25, s7  }
0x22b: {  	s28 =	spop (v2sf);
	s7 =	sadd.s32 s26, s7  }
0x22c: {  	s29 =	spop (v2sf);
	s7 =	sadd.s32 s28, s7  }
0x22d: {  	s30 =	spop (v2sf);
	s7 =	sadd.s32 s29, s7  }
0x22e: {  	s31 =	spop (v2sf);
	s7 =	sadd.s32 s30, s7  }
0x22f: {  	s10 =	spop (v2sf);
	s7 =	sadd.s32 s31, s7  }
0x230: {  	s11 =	spop (v2sf);
	s7 =	sadd.s32 s10, s7  }
0x231: {  	s12 =	spop (v2sf);
	s7 =	sadd.s32 s11, s7  }
0x232: {  	s13 =	spop (v2sf);
	s7 =	sadd.s32 s12, s7  }
0x233: {  	s7 =	sadd.s32 s13, s7  }
0x234: {  	s7 =	sadd.s32 $0xFFFFFFFF, s7  }
0x235: {  	v59 =	vmov s7  }
0x236: {  	v60 =	vshll.u32 v59, $0x3  }
0x237: {  	v61 =	vlaneseq.u32;
	v0 =	vand.u32 $0x7, v59;
	v1 =	vand.u32 $0xFFFFFFC0, v60  }
0x238: {  	v62 =	vand.u32 $0x7, v61;
	v63 =	vshrl.u32 v61, $0x3;
	v0 =	vor.u32 v0, v1  }
0x239: {  	v3 =	vmul.u32 $0x8, v63;
	v1 =	vperm.xlane v0, v62;
	_ =	sdelay $0x1  }
0x23a: {  	v1 =	vadd.s32 v3, v1;
	_ =	sdelay $0x2  }
0x23b: {  	s14 =	sshll.u32 s1, $0x14  }
0x23c: {  	vm0 =	vmmov $0xffff;
	s15 =	simm.s32 $0x2000;
	s6 =	sadd.s32 s6, s14  }
0x23d: {  	v2 =	vor.u32 $0x8, v61;
	[tilespmem:s15], [sflag:$0x1] =	stream.indirect_vreg.gather [hbm4b:s6+s2], $0x80, v1, vm0, $0xb8;
	[tilespmem:$0x6000] =	vst v63  }
0x23e: {  	s17 =	simm.s32 $0x2800;
	s16 =	sadd.s32 $0x100, s6;
	v0 =	vperm.xlane v0, v2  }
0x23f: {  	[tilespmem:s17], [sflag:$0x1] =	stream.indirect_vreg.gather [hbm4b:s16+s2], $0x80, v1, vm0, $0xb8;
	[tilespmem:$0x6000] =	vst v63  }
0x240: {  	s10 =	sadd.s32 $0x200, s6;
	s11 =	simm.s32 $0x3000;
	v0 =	vadd.s32 v3, v0  }
0x241: {  	[tilespmem:s11], [sflag:$0x1] =	stream.indirect_vreg.gather [hbm4b:s10+s2], $0x80, v1, vm0, $0xb8;
	[tilespmem:$0x6000] =	vst v63  }
0x242: {  	s12 =	sadd.s32 $0x300, s6;
	s13 =	simm.s32 $0x3800  }
0x243: {  	[tilespmem:s13], [sflag:$0x1] =	stream.indirect_vreg.gather [hbm4b:s12+s2], $0x80, v1, vm0, $0xb8;
	[tilespmem:$0x6000] =	vst v63  }
0x244: {  	s14 =	simm.s32 $0x4000  }
0x245: {  	[tilespmem:s14], [sflag:$0x1] =	stream.indirect_vreg.gather [hbm4b:s6+s2], $0x80, v0, vm0, $0xb8;
	[tilespmem:$0x6000] =	vst v63  }
0x246: {  	s18 =	simm.s32 $0x4800  }
0x247: {  	[tilespmem:s18], [sflag:$0x1] =	stream.indirect_vreg.gather [hbm4b:s16+s2], $0x80, v0, vm0, $0xb8;
	[tilespmem:$0x6000] =	vst v63  }
0x248: {  	s19 =	simm.s32 $0x5000  }
0x249: {  	[tilespmem:s19], [sflag:$0x1] =	stream.indirect_vreg.gather [hbm4b:s10+s2], $0x80, v0, vm0, $0xb8;
	[tilespmem:$0x6000] =	vst v63  }
0x24a: {  	s20 =	simm.s32 $0x5800;
	s21 =	simm.s32 $0x1  }
0x24b: {  	[tilespmem:s20], [sflag:$0x1] =	stream.indirect_vreg.gather [hbm4b:s12+s2], $0x80, v0, vm0, $0xb8;
	[tilespmem:$0x6000] =	vst v63  }
0x24c: {  	_ =	swait.ge [sflag:s21], $0x4000  }
0x24d: {  	[sflag:s21] =	ssyncset.done $0x0  }
0x24e: {  	s4 =	sadd.s32 s4, s5;
	[sflag:s21] =	ssyncadd.s32 $0xFFFFC000  }
0x24f: {  	[hbm4b:s4+s2] =	stream.linear.scatter [tilespmem:s15], [sflag:$0x2], $0x80, $0x38;
	[tilespmem:$0x6000] =	vst v63  }
0x250: {  	s5 =	sadd.s32 $0x40, s4;
	s22 =	simm.s32 $0x2400  }
0x251: {  	[hbm4b:s5+s2] =	stream.linear.scatter [tilespmem:s22], [sflag:$0x2], $0x80, $0x38;
	[tilespmem:$0x6000] =	vst v63  }
0x252: {  	s23 =	sadd.s32 $0x80, s4  }
0x253: {  	[hbm4b:s23+s2] =	stream.linear.scatter [tilespmem:s17], [sflag:$0x2], $0x80, $0x38;
	[tilespmem:$0x6000] =	vst v63  }
0x254: {  	s24 =	sadd.s32 $0xC0, s4;
	s25 =	simm.s32 $0x2C00  }
0x255: {  	[hbm4b:s24+s2] =	stream.linear.scatter [tilespmem:s25], [sflag:$0x2], $0x80, $0x38;
	[tilespmem:$0x6000] =	vst v63  }
0x256: {  	s26 =	sadd.s32 $0x100, s4  }
0x257: {  	[hbm4b:s26+s2] =	stream.linear.scatter [tilespmem:s11], [sflag:$0x2], $0x80, $0x38;
	[tilespmem:$0x6000] =	vst v63  }
0x258: {  	s28 =	sadd.s32 $0x140, s4;
	s29 =	simm.s32 $0x3400  }
0x259: {  	[hbm4b:s28+s2] =	stream.linear.scatter [tilespmem:s29], [sflag:$0x2], $0x80, $0x38;
	[tilespmem:$0x6000] =	vst v63  }
0x25a: {  	s30 =	sadd.s32 $0x180, s4  }
0x25b: {  	[hbm4b:s30+s2] =	stream.linear.scatter [tilespmem:s13], [sflag:$0x2], $0x80, $0x38;
	[tilespmem:$0x6000] =	vst v63  }
0x25c: {  	s31 =	simm.s32 $0x3C00;
	s4 =	sadd.s32 $0x1C0, s4  }
0x25d: {  	[hbm4b:s4+s2] =	stream.linear.scatter [tilespmem:s31], [sflag:$0x2], $0x80, $0x38;
	[tilespmem:$0x6000] =	vst v63  }
0x25e: {  	_ =	swait.ge [sflag:s3], $0x400  }
0x25f: {  	[sflag:s3] =	ssyncset.done $0x0  }
0x260: {  	[sflag:s3] =	ssyncadd.s32 $0xFFFFFC00  }
.LBB2_2:
0x261: {  	_ =	sfence.sel $0x180000  }
0x262: {  	[bflag:$0x0] =	sbarrier.arrive $0xFFFF  }
0x263: {  	p0 =	sne.s32 s1, $0x0;
	_ =	strace $0x90000047  }
0x264: {  	s0 =	sadd.s32 @!p0 $0x100000, s0;
	[bflag:$0x2] =	sbarrier.arrive $0xFFFF  }
0x265: {  	[sflag:s0] =	ssyncadd.tile.s32 @!p0 $0x1;
	_ =	shalt  }
.Lfunc_end2:
_tile_overlayer_lowered:
.L_overlay_start_2:
0x266: {  	(tag) =	ssettag $0x2  }
0x267: {  	s0 =	rddreg [dreg:$0x0];
	s2 =	stileid.u32  }
0x268: {  	s1 =	rddreg [dreg:$0x1];
	p0 =	sne.s32 s2, $0x0  }
0x269: {  	s3 =	rddreg [dreg:$0x2];
	[bflag:$0x3] =	sbarrier.arrive $0xFFFF;
	s2 =	simm.s32 @!p0 $0x1C02  }
0x26a: {  	[timem:s3], [sflag:s2] =	dma.local @!p0 [hbm:s0], s1  }
0x26b: {  	s0 =	simm.s32 @!p0 $0x2  }
0x26c: {  	_ =	swait.ge @!p0 [sflag:s0], s1  }
0x26d: {  	s1 =	ssub.s32 @!p0 $0x0, s1;
	[sflag:s0] =	ssyncset.done @!p0 $0x0  }
0x26e: {  	[sflag:s0] =	ssyncadd.s32 @!p0 s1  }
0x26f: {  	[bflag:$0x3] =	sbarrier.arrive $0xFFFF  }
0x270: {  	_ =	shalt  }

</sc_bundles>
